<compile_context>
chip_gen: v7x
topology: tpu7x:2x2x1
jax: 0.10.2.dev20260603
libtpu: 0.0.44.dev20260713+nightly
codegen_flags: <defaults>
</compile_context>

<pallas_src>
import functools

import jax
import jax.numpy as jnp
from jax import lax
from jax.experimental import pallas as pl
from jax.experimental.pallas import tpu as pltpu
from jax.experimental.pallas import tpu_sc as plsc

_N, _E, _F, _D, _C = 10000, 320000, 128, 32, 2
_BN_EPS = 1e-5
_NC, _NS = 2, 16
_RPT = _N // _NS
_CHUNK = 80
_SLAB = 250

_FAST = 1
_CF1, _CS1 = 126, 124
_CF2, _CS2 = 126, 124


def _sc_segment_sum(h, srcp, dstp, zer, width, cpt_f, cpt_s):
    mesh = plsc.VectorSubcoreMesh(core_axis_name="c", subcore_axis_name="s")

    @functools.partial(
        pl.kernel,
        mesh=mesh,
        compiler_params=pltpu.CompilerParams(use_tc_tiling_on_sc=False),
        out_type=jax.ShapeDtypeStruct((_NC * _N, _F), jnp.float32),
        scratch_types=[
            pltpu.VMEM((cpt_f, _CHUNK), jnp.int32),
            pltpu.VMEM((cpt_f, _CHUNK), jnp.int32),
            pltpu.VMEM((_CHUNK, width), jnp.float32),
            pltpu.VMEM((_CHUNK, width), jnp.float32),
            pltpu.VMEM_SHARED((_N, width), jnp.float32),
            pltpu.SemaphoreType.DMA,
            pltpu.SemaphoreType.DMA,
        ],
    )
    def k(h_hbm, srcp_hbm, dstp_hbm, zer_hbm, out_hbm,
          src_v, dst_v, rows0, rows1, acc_sh, sem0, sem1):
        c = lax.axis_index("c")
        s = lax.axis_index("s")
        fast = c == _FAST
        mycpt = jnp.where(fast, cpt_f, cpt_s)
        r0 = s * _RPT
        pltpu.sync_copy(zer_hbm, acc_sh.at[pl.ds(r0, _RPT)])

        @pl.when(fast)
        def _():
            pltpu.sync_copy(srcp_hbm.at[s, pl.ds(0, cpt_f)], src_v)
            pltpu.sync_copy(dstp_hbm.at[s, pl.ds(0, cpt_f)], dst_v)

        @pl.when(jnp.logical_not(fast))
        def _():
            pltpu.sync_copy(srcp_hbm.at[s, pl.ds(cpt_f, cpt_s)],
                            src_v.at[pl.ds(0, cpt_s)])
            pltpu.sync_copy(dstp_hbm.at[s, pl.ds(cpt_f, cpt_s)],
                            dst_v.at[pl.ds(0, cpt_s)])

        plsc.subcore_barrier()

        bufs = (rows0, rows1)
        sems = (sem0, sem1)
        for b in range(2):
            pltpu.async_copy(h_hbm.at[src_v.at[b]], bufs[b], sems[b])

        def body(i, carry):
            j = 2 * i
            for b in range(2):
                pltpu.make_async_copy(h_hbm.at[src_v.at[0]],
                                      bufs[b], sems[b]).wait()
                pltpu.sync_copy(bufs[b], acc_sh.at[dst_v.at[j + b]], add=True)
                pltpu.async_copy(h_hbm.at[src_v.at[j + 2 + b]],
                                 bufs[b], sems[b])
            return carry

        lax.fori_loop(0, mycpt // 2 - 1, body, 0)
        for b in range(2):
            pltpu.make_async_copy(h_hbm.at[src_v.at[0]],
                                  bufs[b], sems[b]).wait()
            pltpu.sync_copy(bufs[b], acc_sh.at[dst_v.at[mycpt - 2 + b]],
                            add=True)
        plsc.subcore_barrier()
        pltpu.sync_copy(acc_sh.at[pl.ds(r0, _RPT)],
                        out_hbm.at[pl.ds(c * _N + r0, _RPT), pl.ds(0, width)])

    return k(h, srcp, dstp, zer)


_GRID = 5
_BR = _N // _GRID

def _row_spec(width):
    return pl.BlockSpec((_BR, width), lambda i: (i, 0))

def _p1_spec(width):
    return pl.BlockSpec((_BR, width), lambda i: (i + _GRID, 0))

def _full_spec(a, b):
    return pl.BlockSpec((a, b), lambda i: (0, 0))

_INVSQ = 1.0 / (1.0 + _BN_EPS) ** 0.5


def _tc_layer(p, h, Wa, ba, Wb, bb, g, be, width):
    def body(p0_ref, p1_ref, h_ref, wa_ref, ba_ref, wb_ref, bb_ref, g_ref,
             be_ref, o_ref):
        u = h_ref[...] + p0_ref[:, :width] + p1_ref[:, :width]
        t1 = jax.nn.relu(jnp.dot(u, wa_ref[...],
                                 preferred_element_type=jnp.float32)
                         + ba_ref[...])
        t = jnp.dot(t1, wb_ref[...],
                    preferred_element_type=jnp.float32) + bb_ref[...]
        o_ref[...] = jax.nn.relu(t) * (g_ref[...] * _INVSQ) + be_ref[...]
    return pl.pallas_call(
        body,
        grid=(_GRID,),
        in_specs=[_row_spec(_F), _p1_spec(_F), _row_spec(width),
                  _full_spec(width, _D), _full_spec(1, _D),
                  _full_spec(_D, _D), _full_spec(1, _D), _full_spec(1, _D),
                  _full_spec(1, _D)],
        out_specs=_row_spec(_D),
        out_shape=jax.ShapeDtypeStruct((_N, _D), jnp.float32),
    )(p, p, h, Wa, ba, Wb, bb, g, be)


def _tc_head(p, h, Wa, ba, Wb, bb, g, be, Wf1, bf1, Wf2, bf2):
    def body(p0_ref, p1_ref, h_ref, wa_ref, ba_ref, wb_ref, bb_ref, g_ref,
             be_ref, wf1_ref, bf1_ref, wf2_ref, bf2_ref, o_ref):
        u = h_ref[...] + p0_ref[:, :_D] + p1_ref[:, :_D]
        t1 = jax.nn.relu(jnp.dot(u, wa_ref[...],
                                 preferred_element_type=jnp.float32)
                         + ba_ref[...])
        t = jnp.dot(t1, wb_ref[...],
                    preferred_element_type=jnp.float32) + bb_ref[...]
        hh = jax.nn.relu(t) * (g_ref[...] * _INVSQ) + be_ref[...]
        hh = jax.nn.relu(jnp.dot(hh, wf1_ref[...],
                                 preferred_element_type=jnp.float32)
                         + bf1_ref[...])
        o_ref[...] = jnp.dot(hh, wf2_ref[...],
                             preferred_element_type=jnp.float32) + bf2_ref[...]
    return pl.pallas_call(
        body,
        grid=(_GRID,),
        in_specs=[_row_spec(_F), _p1_spec(_F), _row_spec(_D),
                  _full_spec(_D, _D), _full_spec(1, _D), _full_spec(_D, _D),
                  _full_spec(1, _D), _full_spec(1, _D), _full_spec(1, _D),
                  _full_spec(_D, _D), _full_spec(1, _D), _full_spec(_D, _C),
                  _full_spec(1, _C)],
        out_specs=_row_spec(_C),
        out_shape=jax.ShapeDtypeStruct((_N, _C), jnp.float32),
    )(p, p, h, Wa, ba, Wb, bb, g, be, Wf1, bf1, Wf2, bf2)


def kernel(x, edge_index, edge_attr, batch,
           W11, b11, W12, b12, g1, be1,
           W21, b21, W22, b22, g2, be2,
           W31, b31, W32, b32, g3, be3,
           Wf1, bf1, Wf2, bf2):
    srcp = edge_index[0].reshape(_NS, _SLAB, _CHUNK)
    dstp = edge_index[1].reshape(_NS, _SLAB, _CHUNK)
    zerF = jnp.zeros((_RPT, _F), jnp.float32)
    zerD = jnp.zeros((_RPT, _D), jnp.float32)

    r = lambda v: v.reshape(1, -1)

    p1 = _sc_segment_sum(x, srcp, dstp, zerF, _F, _CF1, _CS1)
    h1 = _tc_layer(p1, x, W11, r(b11), W12, r(b12), r(g1), r(be1), _F)
    p2 = _sc_segment_sum(h1, srcp, dstp, zerD, _D, _CF2, _CS2)
    h2 = _tc_layer(p2, h1, W21, r(b21), W22, r(b22), r(g2), r(be2), _D)
    p3 = _sc_segment_sum(h2, srcp, dstp, zerD, _D, _CF2, _CS2)
    out = _tc_head(p3, h2, W31, r(b31), W32, r(b32), r(g3), r(be3),
                   Wf1, r(bf1), Wf2, r(bf2))
    return out

# --- scband reference (transcript-rebuilt; emitter-appended) ---
"""Pipeline reference for scband-net-39694087750181 (READ-ONLY COPY).

The authoritative reference and input builder live on the scoring server;
editing this copy changes nothing except your own understanding.
"""

import jax, jax.numpy as jnp
import numpy as np

N, E, F, D, C = 10000, 320000, 128, 32, 2
BN_EPS = 1e-5

def setup_inputs(seed: int = 0) -> dict:
    key = jax.random.key(seed)
    ks = jax.random.split(key, 32)
    inp = {}
    inp['x'] = jax.random.normal(ks[0], (N, F), dtype=jnp.float32)
    inp['edge_index'] = jax.random.randint(ks[1], (2, E), 0, N, dtype=jnp.int32)
    inp['edge_attr'] = jax.random.normal(ks[2], (E, 4), dtype=jnp.float32)
    inp['batch'] = jnp.sort(jax.random.randint(ks[3], (N,), 0, 64, dtype=jnp.int32))
    def lin(k, fi, fo):
        return jax.random.normal(k, (fi, fo), dtype=jnp.float32) * (1.0 / np.sqrt(fi))
    # GIN conv1 MLP: F->D->D
    inp['W11'] = lin(ks[4], F, D); inp['b11'] = jnp.zeros((D,), jnp.float32)
    inp['W12'] = lin(ks[5], D, D); inp['b12'] = jnp.zeros((D,), jnp.float32)
    inp['g1'] = jnp.ones((D,), jnp.float32); inp['be1'] = jnp.zeros((D,), jnp.float32)
    # conv2
    inp['W21'] = lin(ks[6], D, D); inp['b21'] = jnp.zeros((D,), jnp.float32)
    inp['W22'] = lin(ks[7], D, D); inp['b22'] = jnp.zeros((D,), jnp.float32)
    inp['g2'] = jnp.ones((D,), jnp.float32); inp['be2'] = jnp.zeros((D,), jnp.float32)
    # conv3
    inp['W31'] = lin(ks[8], D, D); inp['b31'] = jnp.zeros((D,), jnp.float32)
    inp['W32'] = lin(ks[9], D, D); inp['b32'] = jnp.zeros((D,), jnp.float32)
    inp['g3'] = jnp.ones((D,), jnp.float32); inp['be3'] = jnp.zeros((D,), jnp.float32)
    # heads
    inp['Wf1'] = lin(ks[10], D, D); inp['bf1'] = jnp.zeros((D,), jnp.float32)
    inp['Wf2'] = lin(ks[11], D, C); inp['bf2'] = jnp.zeros((C,), jnp.float32)
    return inp

def _mlp(h, Wa, ba, Wb, bb):
    return jax.nn.relu(h @ Wa + ba) @ Wb + bb

def _gin(x, src, dst, Wa, ba, Wb, bb):
    # GINConv with eps=0: nn(x + sum_{j in N(i)} x_j)
    agg = jax.ops.segment_sum(jnp.take(x, src, axis=0), dst, num_segments=x.shape[0])
    return _mlp(x + agg, Wa, ba, Wb, bb)

def _bn(h, g, b):
    # eval-mode BatchNorm1d: running_mean=0, running_var=1
    return (h / jnp.sqrt(1.0 + BN_EPS)) * g + b

def reference(x, edge_index, edge_attr, batch, W11, b11, W12, b12, g1, be1, W21, b21, W22, b22, g2, be2, W31, b31, W32, b32, g3, be3, Wf1, bf1, Wf2, bf2):
    src = edge_index[0]
    dst = edge_index[1]
    h = jax.nn.relu(_gin(x, src, dst, W11, b11, W12, b12))
    h = _bn(h, g1, be1)
    h = jax.nn.relu(_gin(h, src, dst, W21, b21, W22, b22))
    h = _bn(h, g2, be2)
    h = jax.nn.relu(_gin(h, src, dst, W31, b31, W32, b32))
    h = _bn(h, g3, be3)
    h = jax.nn.relu(h @ Wf1 + bf1)
    # dropout is identity in eval mode
    h = h @ Wf2 + bf2
    return h

if __name__ == "__main__":
    import jax
    _d = setup_inputs()
    print(jax.jit(kernel)(*tuple(_d.values())))

</pallas_src>

<mosaic_0001>
#map = affine_map<(d0, d1) -> (0, 0)>
#map1 = affine_map<(d0, d1) -> (0, 0, 0)>
module attributes {stable_mosaic.version = 14 : i64} {
  func.func @k(%arg0: i32, %arg1: i32, %arg2: memref<10000x128xf32, #tpu.memory_space<hbm>>, %arg3: memref<16x250x80xi32, #tpu.memory_space<hbm>>, %arg4: memref<16x250x80xi32, #tpu.memory_space<hbm>>, %arg5: memref<625x128xf32, #tpu.memory_space<hbm>>, %arg6: memref<20000x128xf32, #tpu.memory_space<hbm>>, %arg7: memref<126x80xi32, #tpu.memory_space<vmem>>, %arg8: memref<126x80xi32, #tpu.memory_space<vmem>>, %arg9: memref<80x128xf32, #tpu.memory_space<vmem>>, %arg10: memref<80x128xf32, #tpu.memory_space<vmem>>, %arg11: memref<10000x128xf32, #tpu.memory_space<vmem_shared>>, %arg12: memref<!tpu.dma_semaphore, #tpu.memory_space<semaphore_mem>>, %arg13: memref<!tpu.dma_semaphore, #tpu.memory_space<semaphore_mem>>) attributes {dimension_semantics = [#tpu.dimension_semantics<core_parallel>, #tpu.dimension_semantics<subcore_parallel>], iteration_bounds = array<i64: 2, 16>, scalar_prefetch = 0 : i64, scratch_operands = 7 : i64, tpu.core_type = #tpu.core_type<sc_vector_subcore>, window_params = [{transform_indices = #map}, {transform_indices = #map1}, {transform_indices = #map1}, {transform_indices = #map}, {transform_indices = #map}]} {
    %eq3A = arith.constant 1 : i32
    %eq3A_0 = arith.cmpi eq, %arg0, %eq3A : i32
    %jit3A = arith.constant 126 : i32
    %jit3A_1 = arith.constant 124 : i32
    %select_n3A = arith.select %eq3A_0, %jit3A, %jit3A_1 : i32
    %mul3A = arith.constant 625 : i32
    %mul3A_2 = arith.muli %arg1, %mul3A : i32
    "tpu.region"() ({
      %run_scoped3A = tpu.sem_alloc : memref<!tpu.dma_semaphore, #tpu.memory_space<semaphore_mem>>
      %dma_start3A_74 = arith.constant 0 : i32
      %dma_start3A_75 = tpu.memref_slice %arg11[%mul3A_2, %dma_start3A_74] : memref<10000x128xf32, #tpu.memory_space<vmem_shared>> -> memref<625x128xf32, #tpu.memory_space<vmem_shared>>
      tpu.enqueue_dma source(%arg5 : memref<625x128xf32, #tpu.memory_space<hbm>>) target(%dma_start3A_75 : memref<625x128xf32, #tpu.memory_space<vmem_shared>>) target_semaphore(%run_scoped3A : memref<!tpu.dma_semaphore, #tpu.memory_space<semaphore_mem>>)
      %dma_wait3A_76 = arith.constant 0 : i32
      %dma_wait3A_77 = tpu.memref_slice %arg11[%mul3A_2, %dma_wait3A_76] : memref<10000x128xf32, #tpu.memory_space<vmem_shared>> -> memref<625x128xf32, #tpu.memory_space<vmem_shared>>
      tpu.wait_dma2 semaphore(%run_scoped3A : memref<!tpu.dma_semaphore, #tpu.memory_space<semaphore_mem>>) src(%arg5 : memref<625x128xf32, #tpu.memory_space<hbm>>) dst(%dma_wait3A_77 : memref<625x128xf32, #tpu.memory_space<vmem_shared>>)
      tpu.yield
    }) : () -> ()
    %convert_element_type3A = arith.extui %eq3A_0 : i1 to i32
    %cond3A = arith.constant 0 : i32
    %cond3A_3 = arith.cmpi ne, %convert_element_type3A, %cond3A : i32
    scf.if %cond3A_3 {
      "tpu.region"() ({
        %run_scoped3A = tpu.sem_alloc : memref<!tpu.dma_semaphore, #tpu.memory_space<semaphore_mem>>
        %dma_start3A_74 = arith.constant 0 : i32
        %dma_start3A_75 = arith.constant 0 : i32
        %dma_start3A_76 = tpu.memref_slice %arg3[%arg1, %dma_start3A_74, %dma_start3A_75] : memref<16x250x80xi32, #tpu.memory_space<hbm>> -> memref<1x126x80xi32, #tpu.memory_space<hbm>>
        %dma_start3A_77 = tpu.memref_squeeze %dma_start3A_76 : memref<1x126x80xi32, #tpu.memory_space<hbm>> -> memref<126x80xi32, #tpu.memory_space<hbm>>
        %dma_start3A_78 = arith.constant 0 : i32
        %dma_start3A_79 = arith.constant 0 : i32
        %dma_start3A_80 = tpu.memref_slice %arg3[%arg1, %dma_start3A_78, %dma_start3A_79] : memref<16x250x80xi32, #tpu.memory_space<hbm>> -> memref<1x126x80xi32, #tpu.memory_space<hbm>>
        %dma_start3A_81 = tpu.memref_squeeze %dma_start3A_80 : memref<1x126x80xi32, #tpu.memory_space<hbm>> -> memref<126x80xi32, #tpu.memory_space<hbm>>
        tpu.enqueue_dma source(%dma_start3A_81 : memref<126x80xi32, #tpu.memory_space<hbm>>) target(%arg7 : memref<126x80xi32, #tpu.memory_space<vmem>>) target_semaphore(%run_scoped3A : memref<!tpu.dma_semaphore, #tpu.memory_space<semaphore_mem>>)
        %dma_wait3A_82 = arith.constant 0 : i32
        %dma_wait3A_83 = arith.constant 0 : i32
        %dma_wait3A_84 = tpu.memref_slice %arg3[%arg1, %dma_wait3A_82, %dma_wait3A_83] : memref<16x250x80xi32, #tpu.memory_space<hbm>> -> memref<1x126x80xi32, #tpu.memory_space<hbm>>
        %dma_wait3A_85 = tpu.memref_squeeze %dma_wait3A_84 : memref<1x126x80xi32, #tpu.memory_space<hbm>> -> memref<126x80xi32, #tpu.memory_space<hbm>>
        %dma_wait3A_86 = arith.constant 0 : i32
        %dma_wait3A_87 = arith.constant 0 : i32
        %dma_wait3A_88 = tpu.memref_slice %arg3[%arg1, %dma_wait3A_86, %dma_wait3A_87] : memref<16x250x80xi32, #tpu.memory_space<hbm>> -> memref<1x126x80xi32, #tpu.memory_space<hbm>>
        %dma_wait3A_89 = tpu.memref_squeeze %dma_wait3A_88 : memref<1x126x80xi32, #tpu.memory_space<hbm>> -> memref<126x80xi32, #tpu.memory_space<hbm>>
        tpu.wait_dma2 semaphore(%run_scoped3A : memref<!tpu.dma_semaphore, #tpu.memory_space<semaphore_mem>>) src(%dma_wait3A_89 : memref<126x80xi32, #tpu.memory_space<hbm>>) dst(%arg7 : memref<126x80xi32, #tpu.memory_space<vmem>>)
        tpu.yield
      }) : () -> ()
      "tpu.region"() ({
        %run_scoped3A = tpu.sem_alloc : memref<!tpu.dma_semaphore, #tpu.memory_space<semaphore_mem>>
        %dma_start3A_74 = arith.constant 0 : i32
        %dma_start3A_75 = arith.constant 0 : i32
        %dma_start3A_76 = tpu.memref_slice %arg4[%arg1, %dma_start3A_74, %dma_start3A_75] : memref<16x250x80xi32, #tpu.memory_space<hbm>> -> memref<1x126x80xi32, #tpu.memory_space<hbm>>
        %dma_start3A_77 = tpu.memref_squeeze %dma_start3A_76 : memref<1x126x80xi32, #tpu.memory_space<hbm>> -> memref<126x80xi32, #tpu.memory_space<hbm>>
        %dma_start3A_78 = arith.constant 0 : i32
        %dma_start3A_79 = arith.constant 0 : i32
        %dma_start3A_80 = tpu.memref_slice %arg4[%arg1, %dma_start3A_78, %dma_start3A_79] : memref<16x250x80xi32, #tpu.memory_space<hbm>> -> memref<1x126x80xi32, #tpu.memory_space<hbm>>
        %dma_start3A_81 = tpu.memref_squeeze %dma_start3A_80 : memref<1x126x80xi32, #tpu.memory_space<hbm>> -> memref<126x80xi32, #tpu.memory_space<hbm>>
        tpu.enqueue_dma source(%dma_start3A_81 : memref<126x80xi32, #tpu.memory_space<hbm>>) target(%arg8 : memref<126x80xi32, #tpu.memory_space<vmem>>) target_semaphore(%run_scoped3A : memref<!tpu.dma_semaphore, #tpu.memory_space<semaphore_mem>>)
        %dma_wait3A_82 = arith.constant 0 : i32
        %dma_wait3A_83 = arith.constant 0 : i32
        %dma_wait3A_84 = tpu.memref_slice %arg4[%arg1, %dma_wait3A_82, %dma_wait3A_83] : memref<16x250x80xi32, #tpu.memory_space<hbm>> -> memref<1x126x80xi32, #tpu.memory_space<hbm>>
        %dma_wait3A_85 = tpu.memref_squeeze %dma_wait3A_84 : memref<1x126x80xi32, #tpu.memory_space<hbm>> -> memref<126x80xi32, #tpu.memory_space<hbm>>
        %dma_wait3A_86 = arith.constant 0 : i32
        %dma_wait3A_87 = arith.constant 0 : i32
        %dma_wait3A_88 = tpu.memref_slice %arg4[%arg1, %dma_wait3A_86, %dma_wait3A_87] : memref<16x250x80xi32, #tpu.memory_space<hbm>> -> memref<1x126x80xi32, #tpu.memory_space<hbm>>
        %dma_wait3A_89 = tpu.memref_squeeze %dma_wait3A_88 : memref<1x126x80xi32, #tpu.memory_space<hbm>> -> memref<126x80xi32, #tpu.memory_space<hbm>>
        tpu.wait_dma2 semaphore(%run_scoped3A : memref<!tpu.dma_semaphore, #tpu.memory_space<semaphore_mem>>) src(%dma_wait3A_89 : memref<126x80xi32, #tpu.memory_space<hbm>>) dst(%arg8 : memref<126x80xi32, #tpu.memory_space<vmem>>)
        tpu.yield
      }) : () -> ()
    } else {
    }
    %not3A = arith.constant true
    %not3A_4 = arith.xori %eq3A_0, %not3A : i1
    %convert_element_type3A_5 = arith.extui %not3A_4 : i1 to i32
    %cond3A_6 = arith.constant 0 : i32
    %cond3A_7 = arith.cmpi ne, %convert_element_type3A_5, %cond3A_6 : i32
    scf.if %cond3A_7 {
      "tpu.region"() ({
        %run_scoped3A = tpu.sem_alloc : memref<!tpu.dma_semaphore, #tpu.memory_space<semaphore_mem>>
        %dma_start3A_74 = arith.constant 0 : i32
        %dma_start3A_75 = arith.constant 0 : i32
        %dma_start3A_76 = tpu.memref_slice %arg7[%dma_start3A_74, %dma_start3A_75] : memref<126x80xi32, #tpu.memory_space<vmem>> -> memref<124x80xi32, #tpu.memory_space<vmem>>
        %dma_start3A_77 = arith.constant 126 : i32
        %dma_start3A_78 = arith.constant 0 : i32
        %dma_start3A_79 = tpu.memref_slice %arg3[%arg1, %dma_start3A_77, %dma_start3A_78] : memref<16x250x80xi32, #tpu.memory_space<hbm>> -> memref<1x124x80xi32, #tpu.memory_space<hbm>>
        %dma_start3A_80 = tpu.memref_squeeze %dma_start3A_79 : memref<1x124x80xi32, #tpu.memory_space<hbm>> -> memref<124x80xi32, #tpu.memory_space<hbm>>
        %dma_start3A_81 = arith.constant 0 : i32
        %dma_start3A_82 = arith.constant 0 : i32
        %dma_start3A_83 = tpu.memref_slice %arg7[%dma_start3A_81, %dma_start3A_82] : memref<126x80xi32, #tpu.memory_space<vmem>> -> memref<124x80xi32, #tpu.memory_space<vmem>>
        %dma_start3A_84 = arith.constant 126 : i32
        %dma_start3A_85 = arith.constant 0 : i32
        %dma_start3A_86 = tpu.memref_slice %arg3[%arg1, %dma_start3A_84, %dma_start3A_85] : memref<16x250x80xi32, #tpu.memory_space<hbm>> -> memref<1x124x80xi32, #tpu.memory_space<hbm>>
        %dma_start3A_87 = tpu.memref_squeeze %dma_start3A_86 : memref<1x124x80xi32, #tpu.memory_space<hbm>> -> memref<124x80xi32, #tpu.memory_space<hbm>>
        tpu.enqueue_dma source(%dma_start3A_87 : memref<124x80xi32, #tpu.memory_space<hbm>>) target(%dma_start3A_83 : memref<124x80xi32, #tpu.memory_space<vmem>>) target_semaphore(%run_scoped3A : memref<!tpu.dma_semaphore, #tpu.memory_space<semaphore_mem>>)
        %dma_wait3A_88 = arith.constant 0 : i32
        %dma_wait3A_89 = arith.constant 0 : i32
        %dma_wait3A_90 = tpu.memref_slice %arg7[%dma_wait3A_88, %dma_wait3A_89] : memref<126x80xi32, #tpu.memory_space<vmem>> -> memref<124x80xi32, #tpu.memory_space<vmem>>
        %dma_wait3A_91 = arith.constant 126 : i32
        %dma_wait3A_92 = arith.constant 0 : i32
        %dma_wait3A_93 = tpu.memref_slice %arg3[%arg1, %dma_wait3A_91, %dma_wait3A_92] : memref<16x250x80xi32, #tpu.memory_space<hbm>> -> memref<1x124x80xi32, #tpu.memory_space<hbm>>
        %dma_wait3A_94 = tpu.memref_squeeze %dma_wait3A_93 : memref<1x124x80xi32, #tpu.memory_space<hbm>> -> memref<124x80xi32, #tpu.memory_space<hbm>>
        %dma_wait3A_95 = arith.constant 0 : i32
        %dma_wait3A_96 = arith.constant 0 : i32
        %dma_wait3A_97 = tpu.memref_slice %arg7[%dma_wait3A_95, %dma_wait3A_96] : memref<126x80xi32, #tpu.memory_space<vmem>> -> memref<124x80xi32, #tpu.memory_space<vmem>>
        %dma_wait3A_98 = arith.constant 126 : i32
        %dma_wait3A_99 = arith.constant 0 : i32
        %dma_wait3A_100 = tpu.memref_slice %arg3[%arg1, %dma_wait3A_98, %dma_wait3A_99] : memref<16x250x80xi32, #tpu.memory_space<hbm>> -> memref<1x124x80xi32, #tpu.memory_space<hbm>>
        %dma_wait3A_101 = tpu.memref_squeeze %dma_wait3A_100 : memref<1x124x80xi32, #tpu.memory_space<hbm>> -> memref<124x80xi32, #tpu.memory_space<hbm>>
        tpu.wait_dma2 semaphore(%run_scoped3A : memref<!tpu.dma_semaphore, #tpu.memory_space<semaphore_mem>>) src(%dma_wait3A_101 : memref<124x80xi32, #tpu.memory_space<hbm>>) dst(%dma_wait3A_97 : memref<124x80xi32, #tpu.memory_space<vmem>>)
        tpu.yield
      }) : () -> ()
      "tpu.region"() ({
        %run_scoped3A = tpu.sem_alloc : memref<!tpu.dma_semaphore, #tpu.memory_space<semaphore_mem>>
        %dma_start3A_74 = arith.constant 0 : i32
        %dma_start3A_75 = arith.constant 0 : i32
        %dma_start3A_76 = tpu.memref_slice %arg8[%dma_start3A_74, %dma_start3A_75] : memref<126x80xi32, #tpu.memory_space<vmem>> -> memref<124x80xi32, #tpu.memory_space<vmem>>
        %dma_start3A_77 = arith.constant 126 : i32
        %dma_start3A_78 = arith.constant 0 : i32
        %dma_start3A_79 = tpu.memref_slice %arg4[%arg1, %dma_start3A_77, %dma_start3A_78] : memref<16x250x80xi32, #tpu.memory_space<hbm>> -> memref<1x124x80xi32, #tpu.memory_space<hbm>>
        %dma_start3A_80 = tpu.memref_squeeze %dma_start3A_79 : memref<1x124x80xi32, #tpu.memory_space<hbm>> -> memref<124x80xi32, #tpu.memory_space<hbm>>
        %dma_start3A_81 = arith.constant 0 : i32
        %dma_start3A_82 = arith.constant 0 : i32
        %dma_start3A_83 = tpu.memref_slice %arg8[%dma_start3A_81, %dma_start3A_82] : memref<126x80xi32, #tpu.memory_space<vmem>> -> memref<124x80xi32, #tpu.memory_space<vmem>>
        %dma_start3A_84 = arith.constant 126 : i32
        %dma_start3A_85 = arith.constant 0 : i32
        %dma_start3A_86 = tpu.memref_slice %arg4[%arg1, %dma_start3A_84, %dma_start3A_85] : memref<16x250x80xi32, #tpu.memory_space<hbm>> -> memref<1x124x80xi32, #tpu.memory_space<hbm>>
        %dma_start3A_87 = tpu.memref_squeeze %dma_start3A_86 : memref<1x124x80xi32, #tpu.memory_space<hbm>> -> memref<124x80xi32, #tpu.memory_space<hbm>>
        tpu.enqueue_dma source(%dma_start3A_87 : memref<124x80xi32, #tpu.memory_space<hbm>>) target(%dma_start3A_83 : memref<124x80xi32, #tpu.memory_space<vmem>>) target_semaphore(%run_scoped3A : memref<!tpu.dma_semaphore, #tpu.memory_space<semaphore_mem>>)
        %dma_wait3A_88 = arith.constant 0 : i32
        %dma_wait3A_89 = arith.constant 0 : i32
        %dma_wait3A_90 = tpu.memref_slice %arg8[%dma_wait3A_88, %dma_wait3A_89] : memref<126x80xi32, #tpu.memory_space<vmem>> -> memref<124x80xi32, #tpu.memory_space<vmem>>
        %dma_wait3A_91 = arith.constant 126 : i32
        %dma_wait3A_92 = arith.constant 0 : i32
        %dma_wait3A_93 = tpu.memref_slice %arg4[%arg1, %dma_wait3A_91, %dma_wait3A_92] : memref<16x250x80xi32, #tpu.memory_space<hbm>> -> memref<1x124x80xi32, #tpu.memory_space<hbm>>
        %dma_wait3A_94 = tpu.memref_squeeze %dma_wait3A_93 : memref<1x124x80xi32, #tpu.memory_space<hbm>> -> memref<124x80xi32, #tpu.memory_space<hbm>>
        %dma_wait3A_95 = arith.constant 0 : i32
        %dma_wait3A_96 = arith.constant 0 : i32
        %dma_wait3A_97 = tpu.memref_slice %arg8[%dma_wait3A_95, %dma_wait3A_96] : memref<126x80xi32, #tpu.memory_space<vmem>> -> memref<124x80xi32, #tpu.memory_space<vmem>>
        %dma_wait3A_98 = arith.constant 126 : i32
        %dma_wait3A_99 = arith.constant 0 : i32
        %dma_wait3A_100 = tpu.memref_slice %arg4[%arg1, %dma_wait3A_98, %dma_wait3A_99] : memref<16x250x80xi32, #tpu.memory_space<hbm>> -> memref<1x124x80xi32, #tpu.memory_space<hbm>>
        %dma_wait3A_101 = tpu.memref_squeeze %dma_wait3A_100 : memref<1x124x80xi32, #tpu.memory_space<hbm>> -> memref<124x80xi32, #tpu.memory_space<hbm>>
        tpu.wait_dma2 semaphore(%run_scoped3A : memref<!tpu.dma_semaphore, #tpu.memory_space<semaphore_mem>>) src(%dma_wait3A_101 : memref<124x80xi32, #tpu.memory_space<hbm>>) dst(%dma_wait3A_97 : memref<124x80xi32, #tpu.memory_space<vmem>>)
        tpu.yield
      }) : () -> ()
    } else {
    }
    %barrier3A = arith.constant 0 : index
    tpu.barrier barrier_id(%barrier3A)
    %dma_start3A = arith.constant 0 : i32
    %dma_start3A_8 = arith.constant 0 : i32
    %dma_start3A_9 = tpu.memref_slice %arg7[%dma_start3A, %dma_start3A_8] : memref<126x80xi32, #tpu.memory_space<vmem>> -> memref<1x80xi32, #tpu.memory_space<vmem>>
    %dma_start3A_10 = tpu.memref_squeeze %dma_start3A_9 : memref<1x80xi32, #tpu.memory_space<vmem>> -> memref<80xi32, #tpu.memory_space<vmem>>
    %dma_start3A_11 = arith.constant 0 : i32
    %dma_start3A_12 = arith.constant 0 : i32
    %dma_start3A_13 = tpu.memref_slice %arg2[%dma_start3A_11, %dma_start3A_12] : memref<10000x128xf32, #tpu.memory_space<hbm>> -> memref<10000x128xf32, #tpu.memory_space<hbm>>
    tpu.enqueue_indirect_dma source(%dma_start3A_13 : memref<10000x128xf32, #tpu.memory_space<hbm>>) target(%arg9 : memref<80x128xf32, #tpu.memory_space<vmem>>) offsets(%dma_start3A_10 : memref<80xi32, #tpu.memory_space<vmem>>) semaphore(%arg12 : memref<!tpu.dma_semaphore, #tpu.memory_space<semaphore_mem>>)
    %dma_start3A_14 = arith.constant 1 : i32
    %dma_start3A_15 = arith.constant 0 : i32
    %dma_start3A_16 = tpu.memref_slice %arg7[%dma_start3A_14, %dma_start3A_15] : memref<126x80xi32, #tpu.memory_space<vmem>> -> memref<1x80xi32, #tpu.memory_space<vmem>>
    %dma_start3A_17 = tpu.memref_squeeze %dma_start3A_16 : memref<1x80xi32, #tpu.memory_space<vmem>> -> memref<80xi32, #tpu.memory_space<vmem>>
    %dma_start3A_18 = arith.constant 0 : i32
    %dma_start3A_19 = arith.constant 0 : i32
    %dma_start3A_20 = tpu.memref_slice %arg2[%dma_start3A_18, %dma_start3A_19] : memref<10000x128xf32, #tpu.memory_space<hbm>> -> memref<10000x128xf32, #tpu.memory_space<hbm>>
    tpu.enqueue_indirect_dma source(%dma_start3A_20 : memref<10000x128xf32, #tpu.memory_space<hbm>>) target(%arg10 : memref<80x128xf32, #tpu.memory_space<vmem>>) offsets(%dma_start3A_17 : memref<80xi32, #tpu.memory_space<vmem>>) semaphore(%arg13 : memref<!tpu.dma_semaphore, #tpu.memory_space<semaphore_mem>>)
    %jit3A_21 = arith.constant 2 : i32
    %div3A = arith.divsi %select_n3A, %jit3A_21 : i32
    %sign3A = arith.constant 0 : i32
    %sign3A_22 = arith.cmpi sgt, %select_n3A, %sign3A : i32
    %sign3A_23 = arith.extui %sign3A_22 : i1 to i32
    %sign3A_24 = arith.constant 0 : i32
    %sign3A_25 = arith.cmpi slt, %select_n3A, %sign3A_24 : i32
    %sign3A_26 = arith.extui %sign3A_25 : i1 to i32
    %sign3A_27 = arith.subi %sign3A_23, %sign3A_26 : i32
    %sign3A_28 = arith.constant 0 : i32
    %sign3A_29 = arith.cmpi sgt, %jit3A_21, %sign3A_28 : i32
    %sign3A_30 = arith.extui %sign3A_29 : i1 to i32
    %sign3A_31 = arith.constant 0 : i32
    %sign3A_32 = arith.cmpi slt, %jit3A_21, %sign3A_31 : i32
    %sign3A_33 = arith.extui %sign3A_32 : i1 to i32
    %sign3A_34 = arith.subi %sign3A_30, %sign3A_33 : i32
    %ne3A = arith.cmpi ne, %sign3A_27, %sign3A_34 : i32
    %rem3A = arith.remsi %select_n3A, %jit3A_21 : i32
    %ne3A_35 = arith.constant 0 : i32
    %ne3A_36 = arith.cmpi ne, %rem3A, %ne3A_35 : i32
    %and3A = arith.andi %ne3A, %ne3A_36 : i1
    %sub3A = arith.constant 1 : i32
    %sub3A_37 = arith.subi %div3A, %sub3A : i32
    %select_n3A_38 = arith.select %and3A, %sub3A_37, %div3A : i32
    %sub3A_39 = arith.constant 1 : i32
    %sub3A_40 = arith.subi %select_n3A_38, %sub3A_39 : i32
    %while3A = arith.constant 0 : i32
    %while3A_41 = arith.constant 0 : i32
    %while3A_42 = arith.subi %sub3A_40, %while3A_41 : i32
    %while3A_43 = arith.addi %while3A_41, %while3A_42 : i32
    %while3A_44 = arith.constant 1 : i32
    %while3A_45 = arith.divsi %while3A_42, %while3A_44 : i32
    %while3A_46 = arith.muli %while3A_45, %while3A_44 : i32
    %while3A_47 = arith.addi %while3A_41, %while3A_46 : i32
    %while3A_48 = arith.constant 1 : i32
    scf.for %while3A_74 = %while3A_41 to %while3A_47 step %while3A_48  : i32 {
      %mul3A_75 = arith.constant 2 : i32
      %mul3A_76 = arith.muli %mul3A_75, %while3A_74 : i32
      %dma_wait3A_77 = arith.constant 0 : i32
      %dma_wait3A_78 = arith.constant 0 : i32
      %dma_wait3A_79 = tpu.memref_slice %arg7[%dma_wait3A_77, %dma_wait3A_78] : memref<126x80xi32, #tpu.memory_space<vmem>> -> memref<1x80xi32, #tpu.memory_space<vmem>>
      %dma_wait3A_80 = tpu.memref_squeeze %dma_wait3A_79 : memref<1x80xi32, #tpu.memory_space<vmem>> -> memref<80xi32, #tpu.memory_space<vmem>>
      %dma_wait3A_81 = arith.constant 0 : i32
      %dma_wait3A_82 = arith.constant 0 : i32
      %dma_wait3A_83 = tpu.memref_slice %arg2[%dma_wait3A_81, %dma_wait3A_82] : memref<10000x128xf32, #tpu.memory_space<hbm>> -> memref<10000x128xf32, #tpu.memory_space<hbm>>
      tpu.wait_indirect_dma semaphore(%arg12 : memref<!tpu.dma_semaphore, #tpu.memory_space<semaphore_mem>>) src(%dma_wait3A_83 : memref<10000x128xf32, #tpu.memory_space<hbm>>) dst(%arg9 : memref<80x128xf32, #tpu.memory_space<vmem>>)
      %add3A_84 = arith.constant 0 : i32
      %add3A_85 = arith.addi %mul3A_76, %add3A_84 : i32
      "tpu.region"() ({
        %run_scoped3A = tpu.sem_alloc : memref<!tpu.dma_semaphore, #tpu.memory_space<semaphore_mem>>
        %dma_start3A_115 = arith.constant 0 : i32
        %dma_start3A_116 = tpu.memref_slice %arg8[%add3A_85, %dma_start3A_115] : memref<126x80xi32, #tpu.memory_space<vmem>> -> memref<1x80xi32, #tpu.memory_space<vmem>>
        %dma_start3A_117 = tpu.memref_squeeze %dma_start3A_116 : memref<1x80xi32, #tpu.memory_space<vmem>> -> memref<80xi32, #tpu.memory_space<vmem>>
        %dma_start3A_118 = arith.constant 0 : i32
        %dma_start3A_119 = arith.constant 0 : i32
        %dma_start3A_120 = tpu.memref_slice %arg11[%dma_start3A_118, %dma_start3A_119] : memref<10000x128xf32, #tpu.memory_space<vmem_shared>> -> memref<10000x128xf32, #tpu.memory_space<vmem_shared>>
        tpu.enqueue_indirect_dma source(%arg9 : memref<80x128xf32, #tpu.memory_space<vmem>>) target(%dma_start3A_120 : memref<10000x128xf32, #tpu.memory_space<vmem_shared>>) offsets(%dma_start3A_117 : memref<80xi32, #tpu.memory_space<vmem>>) semaphore(%run_scoped3A : memref<!tpu.dma_semaphore, #tpu.memory_space<semaphore_mem>>) {add = true}
        %dma_wait3A_121 = arith.constant 0 : i32
        %dma_wait3A_122 = tpu.memref_slice %arg8[%add3A_85, %dma_wait3A_121] : memref<126x80xi32, #tpu.memory_space<vmem>> -> memref<1x80xi32, #tpu.memory_space<vmem>>
        %dma_wait3A_123 = tpu.memref_squeeze %dma_wait3A_122 : memref<1x80xi32, #tpu.memory_space<vmem>> -> memref<80xi32, #tpu.memory_space<vmem>>
        %dma_wait3A_124 = arith.constant 0 : i32
        %dma_wait3A_125 = arith.constant 0 : i32
        %dma_wait3A_126 = tpu.memref_slice %arg11[%dma_wait3A_124, %dma_wait3A_125] : memref<10000x128xf32, #tpu.memory_space<vmem_shared>> -> memref<10000x128xf32, #tpu.memory_space<vmem_shared>>
        tpu.wait_indirect_dma semaphore(%run_scoped3A : memref<!tpu.dma_semaphore, #tpu.memory_space<semaphore_mem>>) src(%arg9 : memref<80x128xf32, #tpu.memory_space<vmem>>) dst(%dma_wait3A_126 : memref<10000x128xf32, #tpu.memory_space<vmem_shared>>)
        tpu.yield
      }) : () -> ()
      %add3A_86 = arith.constant 2 : i32
      %add3A_87 = arith.addi %mul3A_76, %add3A_86 : i32
      %add3A_88 = arith.constant 0 : i32
      %add3A_89 = arith.addi %add3A_87, %add3A_88 : i32
      %dma_start3A_90 = arith.constant 0 : i32
      %dma_start3A_91 = tpu.memref_slice %arg7[%add3A_89, %dma_start3A_90] : memref<126x80xi32, #tpu.memory_space<vmem>> -> memref<1x80xi32, #tpu.memory_space<vmem>>
      %dma_start3A_92 = tpu.memref_squeeze %dma_start3A_91 : memref<1x80xi32, #tpu.memory_space<vmem>> -> memref<80xi32, #tpu.memory_space<vmem>>
      %dma_start3A_93 = arith.constant 0 : i32
      %dma_start3A_94 = arith.constant 0 : i32
      %dma_start3A_95 = tpu.memref_slice %arg2[%dma_start3A_93, %dma_start3A_94] : memref<10000x128xf32, #tpu.memory_space<hbm>> -> memref<10000x128xf32, #tpu.memory_space<hbm>>
      tpu.enqueue_indirect_dma source(%dma_start3A_95 : memref<10000x128xf32, #tpu.memory_space<hbm>>) target(%arg9 : memref<80x128xf32, #tpu.memory_space<vmem>>) offsets(%dma_start3A_92 : memref<80xi32, #tpu.memory_space<vmem>>) semaphore(%arg12 : memref<!tpu.dma_semaphore, #tpu.memory_space<semaphore_mem>>)
      %dma_wait3A_96 = arith.constant 0 : i32
      %dma_wait3A_97 = arith.constant 0 : i32
      %dma_wait3A_98 = tpu.memref_slice %arg7[%dma_wait3A_96, %dma_wait3A_97] : memref<126x80xi32, #tpu.memory_space<vmem>> -> memref<1x80xi32, #tpu.memory_space<vmem>>
      %dma_wait3A_99 = tpu.memref_squeeze %dma_wait3A_98 : memref<1x80xi32, #tpu.memory_space<vmem>> -> memref<80xi32, #tpu.memory_space<vmem>>
      %dma_wait3A_100 = arith.constant 0 : i32
      %dma_wait3A_101 = arith.constant 0 : i32
      %dma_wait3A_102 = tpu.memref_slice %arg2[%dma_wait3A_100, %dma_wait3A_101] : memref<10000x128xf32, #tpu.memory_space<hbm>> -> memref<10000x128xf32, #tpu.memory_space<hbm>>
      tpu.wait_indirect_dma semaphore(%arg13 : memref<!tpu.dma_semaphore, #tpu.memory_space<semaphore_mem>>) src(%dma_wait3A_102 : memref<10000x128xf32, #tpu.memory_space<hbm>>) dst(%arg10 : memref<80x128xf32, #tpu.memory_space<vmem>>)
      %add3A_103 = arith.constant 1 : i32
      %add3A_104 = arith.addi %mul3A_76, %add3A_103 : i32
      "tpu.region"() ({
        %run_scoped3A = tpu.sem_alloc : memref<!tpu.dma_semaphore, #tpu.memory_space<semaphore_mem>>
        %dma_start3A_115 = arith.constant 0 : i32
        %dma_start3A_116 = tpu.memref_slice %arg8[%add3A_104, %dma_start3A_115] : memref<126x80xi32, #tpu.memory_space<vmem>> -> memref<1x80xi32, #tpu.memory_space<vmem>>
        %dma_start3A_117 = tpu.memref_squeeze %dma_start3A_116 : memref<1x80xi32, #tpu.memory_space<vmem>> -> memref<80xi32, #tpu.memory_space<vmem>>
        %dma_start3A_118 = arith.constant 0 : i32
        %dma_start3A_119 = arith.constant 0 : i32
        %dma_start3A_120 = tpu.memref_slice %arg11[%dma_start3A_118, %dma_start3A_119] : memref<10000x128xf32, #tpu.memory_space<vmem_shared>> -> memref<10000x128xf32, #tpu.memory_space<vmem_shared>>
        tpu.enqueue_indirect_dma source(%arg10 : memref<80x128xf32, #tpu.memory_space<vmem>>) target(%dma_start3A_120 : memref<10000x128xf32, #tpu.memory_space<vmem_shared>>) offsets(%dma_start3A_117 : memref<80xi32, #tpu.memory_space<vmem>>) semaphore(%run_scoped3A : memref<!tpu.dma_semaphore, #tpu.memory_space<semaphore_mem>>) {add = true}
        %dma_wait3A_121 = arith.constant 0 : i32
        %dma_wait3A_122 = tpu.memref_slice %arg8[%add3A_104, %dma_wait3A_121] : memref<126x80xi32, #tpu.memory_space<vmem>> -> memref<1x80xi32, #tpu.memory_space<vmem>>
        %dma_wait3A_123 = tpu.memref_squeeze %dma_wait3A_122 : memref<1x80xi32, #tpu.memory_space<vmem>> -> memref<80xi32, #tpu.memory_space<vmem>>
        %dma_wait3A_124 = arith.constant 0 : i32
        %dma_wait3A_125 = arith.constant 0 : i32
        %dma_wait3A_126 = tpu.memref_slice %arg11[%dma_wait3A_124, %dma_wait3A_125] : memref<10000x128xf32, #tpu.memory_space<vmem_shared>> -> memref<10000x128xf32, #tpu.memory_space<vmem_shared>>
        tpu.wait_indirect_dma semaphore(%run_scoped3A : memref<!tpu.dma_semaphore, #tpu.memory_space<semaphore_mem>>) src(%arg10 : memref<80x128xf32, #tpu.memory_space<vmem>>) dst(%dma_wait3A_126 : memref<10000x128xf32, #tpu.memory_space<vmem_shared>>)
        tpu.yield
      }) : () -> ()
      %add3A_105 = arith.constant 2 : i32
      %add3A_106 = arith.addi %mul3A_76, %add3A_105 : i32
      %add3A_107 = arith.constant 1 : i32
      %add3A_108 = arith.addi %add3A_106, %add3A_107 : i32
      %dma_start3A_109 = arith.constant 0 : i32
      %dma_start3A_110 = tpu.memref_slice %arg7[%add3A_108, %dma_start3A_109] : memref<126x80xi32, #tpu.memory_space<vmem>> -> memref<1x80xi32, #tpu.memory_space<vmem>>
      %dma_start3A_111 = tpu.memref_squeeze %dma_start3A_110 : memref<1x80xi32, #tpu.memory_space<vmem>> -> memref<80xi32, #tpu.memory_space<vmem>>
      %dma_start3A_112 = arith.constant 0 : i32
      %dma_start3A_113 = arith.constant 0 : i32
      %dma_start3A_114 = tpu.memref_slice %arg2[%dma_start3A_112, %dma_start3A_113] : memref<10000x128xf32, #tpu.memory_space<hbm>> -> memref<10000x128xf32, #tpu.memory_space<hbm>>
      tpu.enqueue_indirect_dma source(%dma_start3A_114 : memref<10000x128xf32, #tpu.memory_space<hbm>>) target(%arg10 : memref<80x128xf32, #tpu.memory_space<vmem>>) offsets(%dma_start3A_111 : memref<80xi32, #tpu.memory_space<vmem>>) semaphore(%arg13 : memref<!tpu.dma_semaphore, #tpu.memory_space<semaphore_mem>>)
    }
    %while3A_49 = arith.constant 1 : i32
    scf.for %while3A_74 = %while3A_47 to %while3A_43 step %while3A_49  : i32 {
      %mul3A_75 = arith.constant 2 : i32
      %mul3A_76 = arith.muli %mul3A_75, %while3A_74 : i32
      %dma_wait3A_77 = arith.constant 0 : i32
      %dma_wait3A_78 = arith.constant 0 : i32
      %dma_wait3A_79 = tpu.memref_slice %arg7[%dma_wait3A_77, %dma_wait3A_78] : memref<126x80xi32, #tpu.memory_space<vmem>> -> memref<1x80xi32, #tpu.memory_space<vmem>>
      %dma_wait3A_80 = tpu.memref_squeeze %dma_wait3A_79 : memref<1x80xi32, #tpu.memory_space<vmem>> -> memref<80xi32, #tpu.memory_space<vmem>>
      %dma_wait3A_81 = arith.constant 0 : i32
      %dma_wait3A_82 = arith.constant 0 : i32
      %dma_wait3A_83 = tpu.memref_slice %arg2[%dma_wait3A_81, %dma_wait3A_82] : memref<10000x128xf32, #tpu.memory_space<hbm>> -> memref<10000x128xf32, #tpu.memory_space<hbm>>
      tpu.wait_indirect_dma semaphore(%arg12 : memref<!tpu.dma_semaphore, #tpu.memory_space<semaphore_mem>>) src(%dma_wait3A_83 : memref<10000x128xf32, #tpu.memory_space<hbm>>) dst(%arg9 : memref<80x128xf32, #tpu.memory_space<vmem>>)
      %add3A_84 = arith.constant 0 : i32
      %add3A_85 = arith.addi %mul3A_76, %add3A_84 : i32
      "tpu.region"() ({
        %run_scoped3A = tpu.sem_alloc : memref<!tpu.dma_semaphore, #tpu.memory_space<semaphore_mem>>
        %dma_start3A_115 = arith.constant 0 : i32
        %dma_start3A_116 = tpu.memref_slice %arg8[%add3A_85, %dma_start3A_115] : memref<126x80xi32, #tpu.memory_space<vmem>> -> memref<1x80xi32, #tpu.memory_space<vmem>>
        %dma_start3A_117 = tpu.memref_squeeze %dma_start3A_116 : memref<1x80xi32, #tpu.memory_space<vmem>> -> memref<80xi32, #tpu.memory_space<vmem>>
        %dma_start3A_118 = arith.constant 0 : i32
        %dma_start3A_119 = arith.constant 0 : i32
        %dma_start3A_120 = tpu.memref_slice %arg11[%dma_start3A_118, %dma_start3A_119] : memref<10000x128xf32, #tpu.memory_space<vmem_shared>> -> memref<10000x128xf32, #tpu.memory_space<vmem_shared>>
        tpu.enqueue_indirect_dma source(%arg9 : memref<80x128xf32, #tpu.memory_space<vmem>>) target(%dma_start3A_120 : memref<10000x128xf32, #tpu.memory_space<vmem_shared>>) offsets(%dma_start3A_117 : memref<80xi32, #tpu.memory_space<vmem>>) semaphore(%run_scoped3A : memref<!tpu.dma_semaphore, #tpu.memory_space<semaphore_mem>>) {add = true}
        %dma_wait3A_121 = arith.constant 0 : i32
        %dma_wait3A_122 = tpu.memref_slice %arg8[%add3A_85, %dma_wait3A_121] : memref<126x80xi32, #tpu.memory_space<vmem>> -> memref<1x80xi32, #tpu.memory_space<vmem>>
        %dma_wait3A_123 = tpu.memref_squeeze %dma_wait3A_122 : memref<1x80xi32, #tpu.memory_space<vmem>> -> memref<80xi32, #tpu.memory_space<vmem>>
        %dma_wait3A_124 = arith.constant 0 : i32
        %dma_wait3A_125 = arith.constant 0 : i32
        %dma_wait3A_126 = tpu.memref_slice %arg11[%dma_wait3A_124, %dma_wait3A_125] : memref<10000x128xf32, #tpu.memory_space<vmem_shared>> -> memref<10000x128xf32, #tpu.memory_space<vmem_shared>>
        tpu.wait_indirect_dma semaphore(%run_scoped3A : memref<!tpu.dma_semaphore, #tpu.memory_space<semaphore_mem>>) src(%arg9 : memref<80x128xf32, #tpu.memory_space<vmem>>) dst(%dma_wait3A_126 : memref<10000x128xf32, #tpu.memory_space<vmem_shared>>)
        tpu.yield
      }) : () -> ()
      %add3A_86 = arith.constant 2 : i32
      %add3A_87 = arith.addi %mul3A_76, %add3A_86 : i32
      %add3A_88 = arith.constant 0 : i32
      %add3A_89 = arith.addi %add3A_87, %add3A_88 : i32
      %dma_start3A_90 = arith.constant 0 : i32
      %dma_start3A_91 = tpu.memref_slice %arg7[%add3A_89, %dma_start3A_90] : memref<126x80xi32, #tpu.memory_space<vmem>> -> memref<1x80xi32, #tpu.memory_space<vmem>>
      %dma_start3A_92 = tpu.memref_squeeze %dma_start3A_91 : memref<1x80xi32, #tpu.memory_space<vmem>> -> memref<80xi32, #tpu.memory_space<vmem>>
      %dma_start3A_93 = arith.constant 0 : i32
      %dma_start3A_94 = arith.constant 0 : i32
      %dma_start3A_95 = tpu.memref_slice %arg2[%dma_start3A_93, %dma_start3A_94] : memref<10000x128xf32, #tpu.memory_space<hbm>> -> memref<10000x128xf32, #tpu.memory_space<hbm>>
      tpu.enqueue_indirect_dma source(%dma_start3A_95 : memref<10000x128xf32, #tpu.memory_space<hbm>>) target(%arg9 : memref<80x128xf32, #tpu.memory_space<vmem>>) offsets(%dma_start3A_92 : memref<80xi32, #tpu.memory_space<vmem>>) semaphore(%arg12 : memref<!tpu.dma_semaphore, #tpu.memory_space<semaphore_mem>>)
      %dma_wait3A_96 = arith.constant 0 : i32
      %dma_wait3A_97 = arith.constant 0 : i32
      %dma_wait3A_98 = tpu.memref_slice %arg7[%dma_wait3A_96, %dma_wait3A_97] : memref<126x80xi32, #tpu.memory_space<vmem>> -> memref<1x80xi32, #tpu.memory_space<vmem>>
      %dma_wait3A_99 = tpu.memref_squeeze %dma_wait3A_98 : memref<1x80xi32, #tpu.memory_space<vmem>> -> memref<80xi32, #tpu.memory_space<vmem>>
      %dma_wait3A_100 = arith.constant 0 : i32
      %dma_wait3A_101 = arith.constant 0 : i32
      %dma_wait3A_102 = tpu.memref_slice %arg2[%dma_wait3A_100, %dma_wait3A_101] : memref<10000x128xf32, #tpu.memory_space<hbm>> -> memref<10000x128xf32, #tpu.memory_space<hbm>>
      tpu.wait_indirect_dma semaphore(%arg13 : memref<!tpu.dma_semaphore, #tpu.memory_space<semaphore_mem>>) src(%dma_wait3A_102 : memref<10000x128xf32, #tpu.memory_space<hbm>>) dst(%arg10 : memref<80x128xf32, #tpu.memory_space<vmem>>)
      %add3A_103 = arith.constant 1 : i32
      %add3A_104 = arith.addi %mul3A_76, %add3A_103 : i32
      "tpu.region"() ({
        %run_scoped3A = tpu.sem_alloc : memref<!tpu.dma_semaphore, #tpu.memory_space<semaphore_mem>>
        %dma_start3A_115 = arith.constant 0 : i32
        %dma_start3A_116 = tpu.memref_slice %arg8[%add3A_104, %dma_start3A_115] : memref<126x80xi32, #tpu.memory_space<vmem>> -> memref<1x80xi32, #tpu.memory_space<vmem>>
        %dma_start3A_117 = tpu.memref_squeeze %dma_start3A_116 : memref<1x80xi32, #tpu.memory_space<vmem>> -> memref<80xi32, #tpu.memory_space<vmem>>
        %dma_start3A_118 = arith.constant 0 : i32
        %dma_start3A_119 = arith.constant 0 : i32
        %dma_start3A_120 = tpu.memref_slice %arg11[%dma_start3A_118, %dma_start3A_119] : memref<10000x128xf32, #tpu.memory_space<vmem_shared>> -> memref<10000x128xf32, #tpu.memory_space<vmem_shared>>
        tpu.enqueue_indirect_dma source(%arg10 : memref<80x128xf32, #tpu.memory_space<vmem>>) target(%dma_start3A_120 : memref<10000x128xf32, #tpu.memory_space<vmem_shared>>) offsets(%dma_start3A_117 : memref<80xi32, #tpu.memory_space<vmem>>) semaphore(%run_scoped3A : memref<!tpu.dma_semaphore, #tpu.memory_space<semaphore_mem>>) {add = true}
        %dma_wait3A_121 = arith.constant 0 : i32
        %dma_wait3A_122 = tpu.memref_slice %arg8[%add3A_104, %dma_wait3A_121] : memref<126x80xi32, #tpu.memory_space<vmem>> -> memref<1x80xi32, #tpu.memory_space<vmem>>
        %dma_wait3A_123 = tpu.memref_squeeze %dma_wait3A_122 : memref<1x80xi32, #tpu.memory_space<vmem>> -> memref<80xi32, #tpu.memory_space<vmem>>
        %dma_wait3A_124 = arith.constant 0 : i32
        %dma_wait3A_125 = arith.constant 0 : i32
        %dma_wait3A_126 = tpu.memref_slice %arg11[%dma_wait3A_124, %dma_wait3A_125] : memref<10000x128xf32, #tpu.memory_space<vmem_shared>> -> memref<10000x128xf32, #tpu.memory_space<vmem_shared>>
        tpu.wait_indirect_dma semaphore(%run_scoped3A : memref<!tpu.dma_semaphore, #tpu.memory_space<semaphore_mem>>) src(%arg10 : memref<80x128xf32, #tpu.memory_space<vmem>>) dst(%dma_wait3A_126 : memref<10000x128xf32, #tpu.memory_space<vmem_shared>>)
        tpu.yield
      }) : () -> ()
      %add3A_105 = arith.constant 2 : i32
      %add3A_106 = arith.addi %mul3A_76, %add3A_105 : i32
      %add3A_107 = arith.constant 1 : i32
      %add3A_108 = arith.addi %add3A_106, %add3A_107 : i32
      %dma_start3A_109 = arith.constant 0 : i32
      %dma_start3A_110 = tpu.memref_slice %arg7[%add3A_108, %dma_start3A_109] : memref<126x80xi32, #tpu.memory_space<vmem>> -> memref<1x80xi32, #tpu.memory_space<vmem>>
      %dma_start3A_111 = tpu.memref_squeeze %dma_start3A_110 : memref<1x80xi32, #tpu.memory_space<vmem>> -> memref<80xi32, #tpu.memory_space<vmem>>
      %dma_start3A_112 = arith.constant 0 : i32
      %dma_start3A_113 = arith.constant 0 : i32
      %dma_start3A_114 = tpu.memref_slice %arg2[%dma_start3A_112, %dma_start3A_113] : memref<10000x128xf32, #tpu.memory_space<hbm>> -> memref<10000x128xf32, #tpu.memory_space<hbm>>
      tpu.enqueue_indirect_dma source(%dma_start3A_114 : memref<10000x128xf32, #tpu.memory_space<hbm>>) target(%arg10 : memref<80x128xf32, #tpu.memory_space<vmem>>) offsets(%dma_start3A_111 : memref<80xi32, #tpu.memory_space<vmem>>) semaphore(%arg13 : memref<!tpu.dma_semaphore, #tpu.memory_space<semaphore_mem>>)
    }
    %dma_wait3A = arith.constant 0 : i32
    %dma_wait3A_50 = arith.constant 0 : i32
    %dma_wait3A_51 = tpu.memref_slice %arg7[%dma_wait3A, %dma_wait3A_50] : memref<126x80xi32, #tpu.memory_space<vmem>> -> memref<1x80xi32, #tpu.memory_space<vmem>>
    %dma_wait3A_52 = tpu.memref_squeeze %dma_wait3A_51 : memref<1x80xi32, #tpu.memory_space<vmem>> -> memref<80xi32, #tpu.memory_space<vmem>>
    %dma_wait3A_53 = arith.constant 0 : i32
    %dma_wait3A_54 = arith.constant 0 : i32
    %dma_wait3A_55 = tpu.memref_slice %arg2[%dma_wait3A_53, %dma_wait3A_54] : memref<10000x128xf32, #tpu.memory_space<hbm>> -> memref<10000x128xf32, #tpu.memory_space<hbm>>
    tpu.wait_indirect_dma semaphore(%arg12 : memref<!tpu.dma_semaphore, #tpu.memory_space<semaphore_mem>>) src(%dma_wait3A_55 : memref<10000x128xf32, #tpu.memory_space<hbm>>) dst(%arg9 : memref<80x128xf32, #tpu.memory_space<vmem>>)
    %sub3A_56 = arith.constant 2 : i32
    %sub3A_57 = arith.subi %select_n3A, %sub3A_56 : i32
    %add3A = arith.constant 0 : i32
    %add3A_58 = arith.addi %sub3A_57, %add3A : i32
    "tpu.region"() ({
      %run_scoped3A = tpu.sem_alloc : memref<!tpu.dma_semaphore, #tpu.memory_space<semaphore_mem>>
      %dma_start3A_74 = arith.constant 0 : i32
      %dma_start3A_75 = tpu.memref_slice %arg8[%add3A_58, %dma_start3A_74] : memref<126x80xi32, #tpu.memory_space<vmem>> -> memref<1x80xi32, #tpu.memory_space<vmem>>
      %dma_start3A_76 = tpu.memref_squeeze %dma_start3A_75 : memref<1x80xi32, #tpu.memory_space<vmem>> -> memref<80xi32, #tpu.memory_space<vmem>>
      %dma_start3A_77 = arith.constant 0 : i32
      %dma_start3A_78 = arith.constant 0 : i32
      %dma_start3A_79 = tpu.memref_slice %arg11[%dma_start3A_77, %dma_start3A_78] : memref<10000x128xf32, #tpu.memory_space<vmem_shared>> -> memref<10000x128xf32, #tpu.memory_space<vmem_shared>>
      tpu.enqueue_indirect_dma source(%arg9 : memref<80x128xf32, #tpu.memory_space<vmem>>) target(%dma_start3A_79 : memref<10000x128xf32, #tpu.memory_space<vmem_shared>>) offsets(%dma_start3A_76 : memref<80xi32, #tpu.memory_space<vmem>>) semaphore(%run_scoped3A : memref<!tpu.dma_semaphore, #tpu.memory_space<semaphore_mem>>) {add = true}
      %dma_wait3A_80 = arith.constant 0 : i32
      %dma_wait3A_81 = tpu.memref_slice %arg8[%add3A_58, %dma_wait3A_80] : memref<126x80xi32, #tpu.memory_space<vmem>> -> memref<1x80xi32, #tpu.memory_space<vmem>>
      %dma_wait3A_82 = tpu.memref_squeeze %dma_wait3A_81 : memref<1x80xi32, #tpu.memory_space<vmem>> -> memref<80xi32, #tpu.memory_space<vmem>>
      %dma_wait3A_83 = arith.constant 0 : i32
      %dma_wait3A_84 = arith.constant 0 : i32
      %dma_wait3A_85 = tpu.memref_slice %arg11[%dma_wait3A_83, %dma_wait3A_84] : memref<10000x128xf32, #tpu.memory_space<vmem_shared>> -> memref<10000x128xf32, #tpu.memory_space<vmem_shared>>
      tpu.wait_indirect_dma semaphore(%run_scoped3A : memref<!tpu.dma_semaphore, #tpu.memory_space<semaphore_mem>>) src(%arg9 : memref<80x128xf32, #tpu.memory_space<vmem>>) dst(%dma_wait3A_85 : memref<10000x128xf32, #tpu.memory_space<vmem_shared>>)
      tpu.yield
    }) : () -> ()
    %dma_wait3A_59 = arith.constant 0 : i32
    %dma_wait3A_60 = arith.constant 0 : i32
    %dma_wait3A_61 = tpu.memref_slice %arg7[%dma_wait3A_59, %dma_wait3A_60] : memref<126x80xi32, #tpu.memory_space<vmem>> -> memref<1x80xi32, #tpu.memory_space<vmem>>
    %dma_wait3A_62 = tpu.memref_squeeze %dma_wait3A_61 : memref<1x80xi32, #tpu.memory_space<vmem>> -> memref<80xi32, #tpu.memory_space<vmem>>
    %dma_wait3A_63 = arith.constant 0 : i32
    %dma_wait3A_64 = arith.constant 0 : i32
    %dma_wait3A_65 = tpu.memref_slice %arg2[%dma_wait3A_63, %dma_wait3A_64] : memref<10000x128xf32, #tpu.memory_space<hbm>> -> memref<10000x128xf32, #tpu.memory_space<hbm>>
    tpu.wait_indirect_dma semaphore(%arg13 : memref<!tpu.dma_semaphore, #tpu.memory_space<semaphore_mem>>) src(%dma_wait3A_65 : memref<10000x128xf32, #tpu.memory_space<hbm>>) dst(%arg10 : memref<80x128xf32, #tpu.memory_space<vmem>>)
    %sub3A_66 = arith.constant 2 : i32
    %sub3A_67 = arith.subi %select_n3A, %sub3A_66 : i32
    %add3A_68 = arith.constant 1 : i32
    %add3A_69 = arith.addi %sub3A_67, %add3A_68 : i32
    "tpu.region"() ({
      %run_scoped3A = tpu.sem_alloc : memref<!tpu.dma_semaphore, #tpu.memory_space<semaphore_mem>>
      %dma_start3A_74 = arith.constant 0 : i32
      %dma_start3A_75 = tpu.memref_slice %arg8[%add3A_69, %dma_start3A_74] : memref<126x80xi32, #tpu.memory_space<vmem>> -> memref<1x80xi32, #tpu.memory_space<vmem>>
      %dma_start3A_76 = tpu.memref_squeeze %dma_start3A_75 : memref<1x80xi32, #tpu.memory_space<vmem>> -> memref<80xi32, #tpu.memory_space<vmem>>
      %dma_start3A_77 = arith.constant 0 : i32
      %dma_start3A_78 = arith.constant 0 : i32
      %dma_start3A_79 = tpu.memref_slice %arg11[%dma_start3A_77, %dma_start3A_78] : memref<10000x128xf32, #tpu.memory_space<vmem_shared>> -> memref<10000x128xf32, #tpu.memory_space<vmem_shared>>
      tpu.enqueue_indirect_dma source(%arg10 : memref<80x128xf32, #tpu.memory_space<vmem>>) target(%dma_start3A_79 : memref<10000x128xf32, #tpu.memory_space<vmem_shared>>) offsets(%dma_start3A_76 : memref<80xi32, #tpu.memory_space<vmem>>) semaphore(%run_scoped3A : memref<!tpu.dma_semaphore, #tpu.memory_space<semaphore_mem>>) {add = true}
      %dma_wait3A_80 = arith.constant 0 : i32
      %dma_wait3A_81 = tpu.memref_slice %arg8[%add3A_69, %dma_wait3A_80] : memref<126x80xi32, #tpu.memory_space<vmem>> -> memref<1x80xi32, #tpu.memory_space<vmem>>
      %dma_wait3A_82 = tpu.memref_squeeze %dma_wait3A_81 : memref<1x80xi32, #tpu.memory_space<vmem>> -> memref<80xi32, #tpu.memory_space<vmem>>
      %dma_wait3A_83 = arith.constant 0 : i32
      %dma_wait3A_84 = arith.constant 0 : i32
      %dma_wait3A_85 = tpu.memref_slice %arg11[%dma_wait3A_83, %dma_wait3A_84] : memref<10000x128xf32, #tpu.memory_space<vmem_shared>> -> memref<10000x128xf32, #tpu.memory_space<vmem_shared>>
      tpu.wait_indirect_dma semaphore(%run_scoped3A : memref<!tpu.dma_semaphore, #tpu.memory_space<semaphore_mem>>) src(%arg10 : memref<80x128xf32, #tpu.memory_space<vmem>>) dst(%dma_wait3A_85 : memref<10000x128xf32, #tpu.memory_space<vmem_shared>>)
      tpu.yield
    }) : () -> ()
    %barrier3A_70 = arith.constant 0 : index
    tpu.barrier barrier_id(%barrier3A_70)
    %mul3A_71 = arith.constant 10000 : i32
    %mul3A_72 = arith.muli %arg0, %mul3A_71 : i32
    %add3A_73 = arith.addi %mul3A_72, %mul3A_2 : i32
    "tpu.region"() ({
      %run_scoped3A = tpu.sem_alloc : memref<!tpu.dma_semaphore, #tpu.memory_space<semaphore_mem>>
      %dma_start3A_74 = arith.constant 0 : i32
      %dma_start3A_75 = tpu.memref_slice %arg6[%add3A_73, %dma_start3A_74] : memref<20000x128xf32, #tpu.memory_space<hbm>> -> memref<625x128xf32, #tpu.memory_space<hbm>>
      %dma_start3A_76 = arith.constant 0 : i32
      %dma_start3A_77 = tpu.memref_slice %arg11[%mul3A_2, %dma_start3A_76] : memref<10000x128xf32, #tpu.memory_space<vmem_shared>> -> memref<625x128xf32, #tpu.memory_space<vmem_shared>>
      tpu.enqueue_dma source(%dma_start3A_77 : memref<625x128xf32, #tpu.memory_space<vmem_shared>>) target(%dma_start3A_75 : memref<625x128xf32, #tpu.memory_space<hbm>>) target_semaphore(%run_scoped3A : memref<!tpu.dma_semaphore, #tpu.memory_space<semaphore_mem>>)
      %dma_wait3A_78 = arith.constant 0 : i32
      %dma_wait3A_79 = tpu.memref_slice %arg6[%add3A_73, %dma_wait3A_78] : memref<20000x128xf32, #tpu.memory_space<hbm>> -> memref<625x128xf32, #tpu.memory_space<hbm>>
      %dma_wait3A_80 = arith.constant 0 : i32
      %dma_wait3A_81 = tpu.memref_slice %arg11[%mul3A_2, %dma_wait3A_80] : memref<10000x128xf32, #tpu.memory_space<vmem_shared>> -> memref<625x128xf32, #tpu.memory_space<vmem_shared>>
      tpu.wait_dma2 semaphore(%run_scoped3A : memref<!tpu.dma_semaphore, #tpu.memory_space<semaphore_mem>>) src(%dma_wait3A_81 : memref<625x128xf32, #tpu.memory_space<vmem_shared>>) dst(%dma_wait3A_79 : memref<625x128xf32, #tpu.memory_space<hbm>>)
      tpu.yield
    }) : () -> ()
    return
  }
}

#map = affine_map<(d0, d1) -> (0, 0)>
#map1 = affine_map<(d0, d1) -> (0, 0, 0)>
module attributes {stable_mosaic.version = 14 : i64} {
  func.func @k(%arg0: i32, %arg1: i32, %arg2: memref<10000x32xf32, #tpu.memory_space<hbm>>, %arg3: memref<16x250x80xi32, #tpu.memory_space<hbm>>, %arg4: memref<16x250x80xi32, #tpu.memory_space<hbm>>, %arg5: memref<625x32xf32, #tpu.memory_space<hbm>>, %arg6: memref<20000x128xf32, #tpu.memory_space<hbm>>, %arg7: memref<126x80xi32, #tpu.memory_space<vmem>>, %arg8: memref<126x80xi32, #tpu.memory_space<vmem>>, %arg9: memref<80x32xf32, #tpu.memory_space<vmem>>, %arg10: memref<80x32xf32, #tpu.memory_space<vmem>>, %arg11: memref<10000x32xf32, #tpu.memory_space<vmem_shared>>, %arg12: memref<!tpu.dma_semaphore, #tpu.memory_space<semaphore_mem>>, %arg13: memref<!tpu.dma_semaphore, #tpu.memory_space<semaphore_mem>>) attributes {dimension_semantics = [#tpu.dimension_semantics<core_parallel>, #tpu.dimension_semantics<subcore_parallel>], iteration_bounds = array<i64: 2, 16>, scalar_prefetch = 0 : i64, scratch_operands = 7 : i64, tpu.core_type = #tpu.core_type<sc_vector_subcore>, window_params = [{transform_indices = #map}, {transform_indices = #map1}, {transform_indices = #map1}, {transform_indices = #map}, {transform_indices = #map}]} {
    %eq3A = arith.constant 1 : i32
    %eq3A_0 = arith.cmpi eq, %arg0, %eq3A : i32
    %jit3A = arith.constant 126 : i32
    %jit3A_1 = arith.constant 124 : i32
    %select_n3A = arith.select %eq3A_0, %jit3A, %jit3A_1 : i32
    %mul3A = arith.constant 625 : i32
    %mul3A_2 = arith.muli %arg1, %mul3A : i32
    "tpu.region"() ({
      %run_scoped3A = tpu.sem_alloc : memref<!tpu.dma_semaphore, #tpu.memory_space<semaphore_mem>>
      %dma_start3A_74 = arith.constant 0 : i32
      %dma_start3A_75 = tpu.memref_slice %arg11[%mul3A_2, %dma_start3A_74] : memref<10000x32xf32, #tpu.memory_space<vmem_shared>> -> memref<625x32xf32, #tpu.memory_space<vmem_shared>>
      tpu.enqueue_dma source(%arg5 : memref<625x32xf32, #tpu.memory_space<hbm>>) target(%dma_start3A_75 : memref<625x32xf32, #tpu.memory_space<vmem_shared>>) target_semaphore(%run_scoped3A : memref<!tpu.dma_semaphore, #tpu.memory_space<semaphore_mem>>)
      %dma_wait3A_76 = arith.constant 0 : i32
      %dma_wait3A_77 = tpu.memref_slice %arg11[%mul3A_2, %dma_wait3A_76] : memref<10000x32xf32, #tpu.memory_space<vmem_shared>> -> memref<625x32xf32, #tpu.memory_space<vmem_shared>>
      tpu.wait_dma2 semaphore(%run_scoped3A : memref<!tpu.dma_semaphore, #tpu.memory_space<semaphore_mem>>) src(%arg5 : memref<625x32xf32, #tpu.memory_space<hbm>>) dst(%dma_wait3A_77 : memref<625x32xf32, #tpu.memory_space<vmem_shared>>)
      tpu.yield
    }) : () -> ()
    %convert_element_type3A = arith.extui %eq3A_0 : i1 to i32
    %cond3A = arith.constant 0 : i32
    %cond3A_3 = arith.cmpi ne, %convert_element_type3A, %cond3A : i32
    scf.if %cond3A_3 {
      "tpu.region"() ({
        %run_scoped3A = tpu.sem_alloc : memref<!tpu.dma_semaphore, #tpu.memory_space<semaphore_mem>>
        %dma_start3A_74 = arith.constant 0 : i32
        %dma_start3A_75 = arith.constant 0 : i32
        %dma_start3A_76 = tpu.memref_slice %arg3[%arg1, %dma_start3A_74, %dma_start3A_75] : memref<16x250x80xi32, #tpu.memory_space<hbm>> -> memref<1x126x80xi32, #tpu.memory_space<hbm>>
        %dma_start3A_77 = tpu.memref_squeeze %dma_start3A_76 : memref<1x126x80xi32, #tpu.memory_space<hbm>> -> memref<126x80xi32, #tpu.memory_space<hbm>>
        %dma_start3A_78 = arith.constant 0 : i32
        %dma_start3A_79 = arith.constant 0 : i32
        %dma_start3A_80 = tpu.memref_slice %arg3[%arg1, %dma_start3A_78, %dma_start3A_79] : memref<16x250x80xi32, #tpu.memory_space<hbm>> -> memref<1x126x80xi32, #tpu.memory_space<hbm>>
        %dma_start3A_81 = tpu.memref_squeeze %dma_start3A_80 : memref<1x126x80xi32, #tpu.memory_space<hbm>> -> memref<126x80xi32, #tpu.memory_space<hbm>>
        tpu.enqueue_dma source(%dma_start3A_81 : memref<126x80xi32, #tpu.memory_space<hbm>>) target(%arg7 : memref<126x80xi32, #tpu.memory_space<vmem>>) target_semaphore(%run_scoped3A : memref<!tpu.dma_semaphore, #tpu.memory_space<semaphore_mem>>)
        %dma_wait3A_82 = arith.constant 0 : i32
        %dma_wait3A_83 = arith.constant 0 : i32
        %dma_wait3A_84 = tpu.memref_slice %arg3[%arg1, %dma_wait3A_82, %dma_wait3A_83] : memref<16x250x80xi32, #tpu.memory_space<hbm>> -> memref<1x126x80xi32, #tpu.memory_space<hbm>>
        %dma_wait3A_85 = tpu.memref_squeeze %dma_wait3A_84 : memref<1x126x80xi32, #tpu.memory_space<hbm>> -> memref<126x80xi32, #tpu.memory_space<hbm>>
        %dma_wait3A_86 = arith.constant 0 : i32
        %dma_wait3A_87 = arith.constant 0 : i32
        %dma_wait3A_88 = tpu.memref_slice %arg3[%arg1, %dma_wait3A_86, %dma_wait3A_87] : memref<16x250x80xi32, #tpu.memory_space<hbm>> -> memref<1x126x80xi32, #tpu.memory_space<hbm>>
        %dma_wait3A_89 = tpu.memref_squeeze %dma_wait3A_88 : memref<1x126x80xi32, #tpu.memory_space<hbm>> -> memref<126x80xi32, #tpu.memory_space<hbm>>
        tpu.wait_dma2 semaphore(%run_scoped3A : memref<!tpu.dma_semaphore, #tpu.memory_space<semaphore_mem>>) src(%dma_wait3A_89 : memref<126x80xi32, #tpu.memory_space<hbm>>) dst(%arg7 : memref<126x80xi32, #tpu.memory_space<vmem>>)
        tpu.yield
      }) : () -> ()
      "tpu.region"() ({
        %run_scoped3A = tpu.sem_alloc : memref<!tpu.dma_semaphore, #tpu.memory_space<semaphore_mem>>
        %dma_start3A_74 = arith.constant 0 : i32
        %dma_start3A_75 = arith.constant 0 : i32
        %dma_start3A_76 = tpu.memref_slice %arg4[%arg1, %dma_start3A_74, %dma_start3A_75] : memref<16x250x80xi32, #tpu.memory_space<hbm>> -> memref<1x126x80xi32, #tpu.memory_space<hbm>>
        %dma_start3A_77 = tpu.memref_squeeze %dma_start3A_76 : memref<1x126x80xi32, #tpu.memory_space<hbm>> -> memref<126x80xi32, #tpu.memory_space<hbm>>
        %dma_start3A_78 = arith.constant 0 : i32
        %dma_start3A_79 = arith.constant 0 : i32
        %dma_start3A_80 = tpu.memref_slice %arg4[%arg1, %dma_start3A_78, %dma_start3A_79] : memref<16x250x80xi32, #tpu.memory_space<hbm>> -> memref<1x126x80xi32, #tpu.memory_space<hbm>>
        %dma_start3A_81 = tpu.memref_squeeze %dma_start3A_80 : memref<1x126x80xi32, #tpu.memory_space<hbm>> -> memref<126x80xi32, #tpu.memory_space<hbm>>
        tpu.enqueue_dma source(%dma_start3A_81 : memref<126x80xi32, #tpu.memory_space<hbm>>) target(%arg8 : memref<126x80xi32, #tpu.memory_space<vmem>>) target_semaphore(%run_scoped3A : memref<!tpu.dma_semaphore, #tpu.memory_space<semaphore_mem>>)
        %dma_wait3A_82 = arith.constant 0 : i32
        %dma_wait3A_83 = arith.constant 0 : i32
        %dma_wait3A_84 = tpu.memref_slice %arg4[%arg1, %dma_wait3A_82, %dma_wait3A_83] : memref<16x250x80xi32, #tpu.memory_space<hbm>> -> memref<1x126x80xi32, #tpu.memory_space<hbm>>
        %dma_wait3A_85 = tpu.memref_squeeze %dma_wait3A_84 : memref<1x126x80xi32, #tpu.memory_space<hbm>> -> memref<126x80xi32, #tpu.memory_space<hbm>>
        %dma_wait3A_86 = arith.constant 0 : i32
        %dma_wait3A_87 = arith.constant 0 : i32
        %dma_wait3A_88 = tpu.memref_slice %arg4[%arg1, %dma_wait3A_86, %dma_wait3A_87] : memref<16x250x80xi32, #tpu.memory_space<hbm>> -> memref<1x126x80xi32, #tpu.memory_space<hbm>>
        %dma_wait3A_89 = tpu.memref_squeeze %dma_wait3A_88 : memref<1x126x80xi32, #tpu.memory_space<hbm>> -> memref<126x80xi32, #tpu.memory_space<hbm>>
        tpu.wait_dma2 semaphore(%run_scoped3A : memref<!tpu.dma_semaphore, #tpu.memory_space<semaphore_mem>>) src(%dma_wait3A_89 : memref<126x80xi32, #tpu.memory_space<hbm>>) dst(%arg8 : memref<126x80xi32, #tpu.memory_space<vmem>>)
        tpu.yield
      }) : () -> ()
    } else {
    }
    %not3A = arith.constant true
    %not3A_4 = arith.xori %eq3A_0, %not3A : i1
    %convert_element_type3A_5 = arith.extui %not3A_4 : i1 to i32
    %cond3A_6 = arith.constant 0 : i32
    %cond3A_7 = arith.cmpi ne, %convert_element_type3A_5, %cond3A_6 : i32
    scf.if %cond3A_7 {
      "tpu.region"() ({
        %run_scoped3A = tpu.sem_alloc : memref<!tpu.dma_semaphore, #tpu.memory_space<semaphore_mem>>
        %dma_start3A_74 = arith.constant 0 : i32
        %dma_start3A_75 = arith.constant 0 : i32
        %dma_start3A_76 = tpu.memref_slice %arg7[%dma_start3A_74, %dma_start3A_75] : memref<126x80xi32, #tpu.memory_space<vmem>> -> memref<124x80xi32, #tpu.memory_space<vmem>>
        %dma_start3A_77 = arith.constant 126 : i32
        %dma_start3A_78 = arith.constant 0 : i32
        %dma_start3A_79 = tpu.memref_slice %arg3[%arg1, %dma_start3A_77, %dma_start3A_78] : memref<16x250x80xi32, #tpu.memory_space<hbm>> -> memref<1x124x80xi32, #tpu.memory_space<hbm>>
        %dma_start3A_80 = tpu.memref_squeeze %dma_start3A_79 : memref<1x124x80xi32, #tpu.memory_space<hbm>> -> memref<124x80xi32, #tpu.memory_space<hbm>>
        %dma_start3A_81 = arith.constant 0 : i32
        %dma_start3A_82 = arith.constant 0 : i32
        %dma_start3A_83 = tpu.memref_slice %arg7[%dma_start3A_81, %dma_start3A_82] : memref<126x80xi32, #tpu.memory_space<vmem>> -> memref<124x80xi32, #tpu.memory_space<vmem>>
        %dma_start3A_84 = arith.constant 126 : i32
        %dma_start3A_85 = arith.constant 0 : i32
        %dma_start3A_86 = tpu.memref_slice %arg3[%arg1, %dma_start3A_84, %dma_start3A_85] : memref<16x250x80xi32, #tpu.memory_space<hbm>> -> memref<1x124x80xi32, #tpu.memory_space<hbm>>
        %dma_start3A_87 = tpu.memref_squeeze %dma_start3A_86 : memref<1x124x80xi32, #tpu.memory_space<hbm>> -> memref<124x80xi32, #tpu.memory_space<hbm>>
        tpu.enqueue_dma source(%dma_start3A_87 : memref<124x80xi32, #tpu.memory_space<hbm>>) target(%dma_start3A_83 : memref<124x80xi32, #tpu.memory_space<vmem>>) target_semaphore(%run_scoped3A : memref<!tpu.dma_semaphore, #tpu.memory_space<semaphore_mem>>)
        %dma_wait3A_88 = arith.constant 0 : i32
        %dma_wait3A_89 = arith.constant 0 : i32
        %dma_wait3A_90 = tpu.memref_slice %arg7[%dma_wait3A_88, %dma_wait3A_89] : memref<126x80xi32, #tpu.memory_space<vmem>> -> memref<124x80xi32, #tpu.memory_space<vmem>>
        %dma_wait3A_91 = arith.constant 126 : i32
        %dma_wait3A_92 = arith.constant 0 : i32
        %dma_wait3A_93 = tpu.memref_slice %arg3[%arg1, %dma_wait3A_91, %dma_wait3A_92] : memref<16x250x80xi32, #tpu.memory_space<hbm>> -> memref<1x124x80xi32, #tpu.memory_space<hbm>>
        %dma_wait3A_94 = tpu.memref_squeeze %dma_wait3A_93 : memref<1x124x80xi32, #tpu.memory_space<hbm>> -> memref<124x80xi32, #tpu.memory_space<hbm>>
        %dma_wait3A_95 = arith.constant 0 : i32
        %dma_wait3A_96 = arith.constant 0 : i32
        %dma_wait3A_97 = tpu.memref_slice %arg7[%dma_wait3A_95, %dma_wait3A_96] : memref<126x80xi32, #tpu.memory_space<vmem>> -> memref<124x80xi32, #tpu.memory_space<vmem>>
        %dma_wait3A_98 = arith.constant 126 : i32
        %dma_wait3A_99 = arith.constant 0 : i32
        %dma_wait3A_100 = tpu.memref_slice %arg3[%arg1, %dma_wait3A_98, %dma_wait3A_99] : memref<16x250x80xi32, #tpu.memory_space<hbm>> -> memref<1x124x80xi32, #tpu.memory_space<hbm>>
        %dma_wait3A_101 = tpu.memref_squeeze %dma_wait3A_100 : memref<1x124x80xi32, #tpu.memory_space<hbm>> -> memref<124x80xi32, #tpu.memory_space<hbm>>
        tpu.wait_dma2 semaphore(%run_scoped3A : memref<!tpu.dma_semaphore, #tpu.memory_space<semaphore_mem>>) src(%dma_wait3A_101 : memref<124x80xi32, #tpu.memory_space<hbm>>) dst(%dma_wait3A_97 : memref<124x80xi32, #tpu.memory_space<vmem>>)
        tpu.yield
      }) : () -> ()
      "tpu.region"() ({
        %run_scoped3A = tpu.sem_alloc : memref<!tpu.dma_semaphore, #tpu.memory_space<semaphore_mem>>
        %dma_start3A_74 = arith.constant 0 : i32
        %dma_start3A_75 = arith.constant 0 : i32
        %dma_start3A_76 = tpu.memref_slice %arg8[%dma_start3A_74, %dma_start3A_75] : memref<126x80xi32, #tpu.memory_space<vmem>> -> memref<124x80xi32, #tpu.memory_space<vmem>>
        %dma_start3A_77 = arith.constant 126 : i32
        %dma_start3A_78 = arith.constant 0 : i32
        %dma_start3A_79 = tpu.memref_slice %arg4[%arg1, %dma_start3A_77, %dma_start3A_78] : memref<16x250x80xi32, #tpu.memory_space<hbm>> -> memref<1x124x80xi32, #tpu.memory_space<hbm>>
        %dma_start3A_80 = tpu.memref_squeeze %dma_start3A_79 : memref<1x124x80xi32, #tpu.memory_space<hbm>> -> memref<124x80xi32, #tpu.memory_space<hbm>>
        %dma_start3A_81 = arith.constant 0 : i32
        %dma_start3A_82 = arith.constant 0 : i32
        %dma_start3A_83 = tpu.memref_slice %arg8[%dma_start3A_81, %dma_start3A_82] : memref<126x80xi32, #tpu.memory_space<vmem>> -> memref<124x80xi32, #tpu.memory_space<vmem>>
        %dma_start3A_84 = arith.constant 126 : i32
        %dma_start3A_85 = arith.constant 0 : i32
        %dma_start3A_86 = tpu.memref_slice %arg4[%arg1, %dma_start3A_84, %dma_start3A_85] : memref<16x250x80xi32, #tpu.memory_space<hbm>> -> memref<1x124x80xi32, #tpu.memory_space<hbm>>
        %dma_start3A_87 = tpu.memref_squeeze %dma_start3A_86 : memref<1x124x80xi32, #tpu.memory_space<hbm>> -> memref<124x80xi32, #tpu.memory_space<hbm>>
        tpu.enqueue_dma source(%dma_start3A_87 : memref<124x80xi32, #tpu.memory_space<hbm>>) target(%dma_start3A_83 : memref<124x80xi32, #tpu.memory_space<vmem>>) target_semaphore(%run_scoped3A : memref<!tpu.dma_semaphore, #tpu.memory_space<semaphore_mem>>)
        %dma_wait3A_88 = arith.constant 0 : i32
        %dma_wait3A_89 = arith.constant 0 : i32
        %dma_wait3A_90 = tpu.memref_slice %arg8[%dma_wait3A_88, %dma_wait3A_89] : memref<126x80xi32, #tpu.memory_space<vmem>> -> memref<124x80xi32, #tpu.memory_space<vmem>>
        %dma_wait3A_91 = arith.constant 126 : i32
        %dma_wait3A_92 = arith.constant 0 : i32
        %dma_wait3A_93 = tpu.memref_slice %arg4[%arg1, %dma_wait3A_91, %dma_wait3A_92] : memref<16x250x80xi32, #tpu.memory_space<hbm>> -> memref<1x124x80xi32, #tpu.memory_space<hbm>>
        %dma_wait3A_94 = tpu.memref_squeeze %dma_wait3A_93 : memref<1x124x80xi32, #tpu.memory_space<hbm>> -> memref<124x80xi32, #tpu.memory_space<hbm>>
        %dma_wait3A_95 = arith.constant 0 : i32
        %dma_wait3A_96 = arith.constant 0 : i32
        %dma_wait3A_97 = tpu.memref_slice %arg8[%dma_wait3A_95, %dma_wait3A_96] : memref<126x80xi32, #tpu.memory_space<vmem>> -> memref<124x80xi32, #tpu.memory_space<vmem>>
        %dma_wait3A_98 = arith.constant 126 : i32
        %dma_wait3A_99 = arith.constant 0 : i32
        %dma_wait3A_100 = tpu.memref_slice %arg4[%arg1, %dma_wait3A_98, %dma_wait3A_99] : memref<16x250x80xi32, #tpu.memory_space<hbm>> -> memref<1x124x80xi32, #tpu.memory_space<hbm>>
        %dma_wait3A_101 = tpu.memref_squeeze %dma_wait3A_100 : memref<1x124x80xi32, #tpu.memory_space<hbm>> -> memref<124x80xi32, #tpu.memory_space<hbm>>
        tpu.wait_dma2 semaphore(%run_scoped3A : memref<!tpu.dma_semaphore, #tpu.memory_space<semaphore_mem>>) src(%dma_wait3A_101 : memref<124x80xi32, #tpu.memory_space<hbm>>) dst(%dma_wait3A_97 : memref<124x80xi32, #tpu.memory_space<vmem>>)
        tpu.yield
      }) : () -> ()
    } else {
    }
    %barrier3A = arith.constant 0 : index
    tpu.barrier barrier_id(%barrier3A)
    %dma_start3A = arith.constant 0 : i32
    %dma_start3A_8 = arith.constant 0 : i32
    %dma_start3A_9 = tpu.memref_slice %arg7[%dma_start3A, %dma_start3A_8] : memref<126x80xi32, #tpu.memory_space<vmem>> -> memref<1x80xi32, #tpu.memory_space<vmem>>
    %dma_start3A_10 = tpu.memref_squeeze %dma_start3A_9 : memref<1x80xi32, #tpu.memory_space<vmem>> -> memref<80xi32, #tpu.memory_space<vmem>>
    %dma_start3A_11 = arith.constant 0 : i32
    %dma_start3A_12 = arith.constant 0 : i32
    %dma_start3A_13 = tpu.memref_slice %arg2[%dma_start3A_11, %dma_start3A_12] : memref<10000x32xf32, #tpu.memory_space<hbm>> -> memref<10000x32xf32, #tpu.memory_space<hbm>>
    tpu.enqueue_indirect_dma source(%dma_start3A_13 : memref<10000x32xf32, #tpu.memory_space<hbm>>) target(%arg9 : memref<80x32xf32, #tpu.memory_space<vmem>>) offsets(%dma_start3A_10 : memref<80xi32, #tpu.memory_space<vmem>>) semaphore(%arg12 : memref<!tpu.dma_semaphore, #tpu.memory_space<semaphore_mem>>)
    %dma_start3A_14 = arith.constant 1 : i32
    %dma_start3A_15 = arith.constant 0 : i32
    %dma_start3A_16 = tpu.memref_slice %arg7[%dma_start3A_14, %dma_start3A_15] : memref<126x80xi32, #tpu.memory_space<vmem>> -> memref<1x80xi32, #tpu.memory_space<vmem>>
    %dma_start3A_17 = tpu.memref_squeeze %dma_start3A_16 : memref<1x80xi32, #tpu.memory_space<vmem>> -> memref<80xi32, #tpu.memory_space<vmem>>
    %dma_start3A_18 = arith.constant 0 : i32
    %dma_start3A_19 = arith.constant 0 : i32
    %dma_start3A_20 = tpu.memref_slice %arg2[%dma_start3A_18, %dma_start3A_19] : memref<10000x32xf32, #tpu.memory_space<hbm>> -> memref<10000x32xf32, #tpu.memory_space<hbm>>
    tpu.enqueue_indirect_dma source(%dma_start3A_20 : memref<10000x32xf32, #tpu.memory_space<hbm>>) target(%arg10 : memref<80x32xf32, #tpu.memory_space<vmem>>) offsets(%dma_start3A_17 : memref<80xi32, #tpu.memory_space<vmem>>) semaphore(%arg13 : memref<!tpu.dma_semaphore, #tpu.memory_space<semaphore_mem>>)
    %jit3A_21 = arith.constant 2 : i32
    %div3A = arith.divsi %select_n3A, %jit3A_21 : i32
    %sign3A = arith.constant 0 : i32
    %sign3A_22 = arith.cmpi sgt, %select_n3A, %sign3A : i32
    %sign3A_23 = arith.extui %sign3A_22 : i1 to i32
    %sign3A_24 = arith.constant 0 : i32
    %sign3A_25 = arith.cmpi slt, %select_n3A, %sign3A_24 : i32
    %sign3A_26 = arith.extui %sign3A_25 : i1 to i32
    %sign3A_27 = arith.subi %sign3A_23, %sign3A_26 : i32
    %sign3A_28 = arith.constant 0 : i32
    %sign3A_29 = arith.cmpi sgt, %jit3A_21, %sign3A_28 : i32
    %sign3A_30 = arith.extui %sign3A_29 : i1 to i32
    %sign3A_31 = arith.constant 0 : i32
    %sign3A_32 = arith.cmpi slt, %jit3A_21, %sign3A_31 : i32
    %sign3A_33 = arith.extui %sign3A_32 : i1 to i32
    %sign3A_34 = arith.subi %sign3A_30, %sign3A_33 : i32
    %ne3A = arith.cmpi ne, %sign3A_27, %sign3A_34 : i32
    %rem3A = arith.remsi %select_n3A, %jit3A_21 : i32
    %ne3A_35 = arith.constant 0 : i32
    %ne3A_36 = arith.cmpi ne, %rem3A, %ne3A_35 : i32
    %and3A = arith.andi %ne3A, %ne3A_36 : i1
    %sub3A = arith.constant 1 : i32
    %sub3A_37 = arith.subi %div3A, %sub3A : i32
    %select_n3A_38 = arith.select %and3A, %sub3A_37, %div3A : i32
    %sub3A_39 = arith.constant 1 : i32
    %sub3A_40 = arith.subi %select_n3A_38, %sub3A_39 : i32
    %while3A = arith.constant 0 : i32
    %while3A_41 = arith.constant 0 : i32
    %while3A_42 = arith.subi %sub3A_40, %while3A_41 : i32
    %while3A_43 = arith.addi %while3A_41, %while3A_42 : i32
    %while3A_44 = arith.constant 1 : i32
    %while3A_45 = arith.divsi %while3A_42, %while3A_44 : i32
    %while3A_46 = arith.muli %while3A_45, %while3A_44 : i32
    %while3A_47 = arith.addi %while3A_41, %while3A_46 : i32
    %while3A_48 = arith.constant 1 : i32
    scf.for %while3A_74 = %while3A_41 to %while3A_47 step %while3A_48  : i32 {
      %mul3A_75 = arith.constant 2 : i32
      %mul3A_76 = arith.muli %mul3A_75, %while3A_74 : i32
      %dma_wait3A_77 = arith.constant 0 : i32
      %dma_wait3A_78 = arith.constant 0 : i32
      %dma_wait3A_79 = tpu.memref_slice %arg7[%dma_wait3A_77, %dma_wait3A_78] : memref<126x80xi32, #tpu.memory_space<vmem>> -> memref<1x80xi32, #tpu.memory_space<vmem>>
      %dma_wait3A_80 = tpu.memref_squeeze %dma_wait3A_79 : memref<1x80xi32, #tpu.memory_space<vmem>> -> memref<80xi32, #tpu.memory_space<vmem>>
      %dma_wait3A_81 = arith.constant 0 : i32
      %dma_wait3A_82 = arith.constant 0 : i32
      %dma_wait3A_83 = tpu.memref_slice %arg2[%dma_wait3A_81, %dma_wait3A_82] : memref<10000x32xf32, #tpu.memory_space<hbm>> -> memref<10000x32xf32, #tpu.memory_space<hbm>>
      tpu.wait_indirect_dma semaphore(%arg12 : memref<!tpu.dma_semaphore, #tpu.memory_space<semaphore_mem>>) src(%dma_wait3A_83 : memref<10000x32xf32, #tpu.memory_space<hbm>>) dst(%arg9 : memref<80x32xf32, #tpu.memory_space<vmem>>)
      %add3A_84 = arith.constant 0 : i32
      %add3A_85 = arith.addi %mul3A_76, %add3A_84 : i32
      "tpu.region"() ({
        %run_scoped3A = tpu.sem_alloc : memref<!tpu.dma_semaphore, #tpu.memory_space<semaphore_mem>>
        %dma_start3A_115 = arith.constant 0 : i32
        %dma_start3A_116 = tpu.memref_slice %arg8[%add3A_85, %dma_start3A_115] : memref<126x80xi32, #tpu.memory_space<vmem>> -> memref<1x80xi32, #tpu.memory_space<vmem>>
        %dma_start3A_117 = tpu.memref_squeeze %dma_start3A_116 : memref<1x80xi32, #tpu.memory_space<vmem>> -> memref<80xi32, #tpu.memory_space<vmem>>
        %dma_start3A_118 = arith.constant 0 : i32
        %dma_start3A_119 = arith.constant 0 : i32
        %dma_start3A_120 = tpu.memref_slice %arg11[%dma_start3A_118, %dma_start3A_119] : memref<10000x32xf32, #tpu.memory_space<vmem_shared>> -> memref<10000x32xf32, #tpu.memory_space<vmem_shared>>
        tpu.enqueue_indirect_dma source(%arg9 : memref<80x32xf32, #tpu.memory_space<vmem>>) target(%dma_start3A_120 : memref<10000x32xf32, #tpu.memory_space<vmem_shared>>) offsets(%dma_start3A_117 : memref<80xi32, #tpu.memory_space<vmem>>) semaphore(%run_scoped3A : memref<!tpu.dma_semaphore, #tpu.memory_space<semaphore_mem>>) {add = true}
        %dma_wait3A_121 = arith.constant 0 : i32
        %dma_wait3A_122 = tpu.memref_slice %arg8[%add3A_85, %dma_wait3A_121] : memref<126x80xi32, #tpu.memory_space<vmem>> -> memref<1x80xi32, #tpu.memory_space<vmem>>
        %dma_wait3A_123 = tpu.memref_squeeze %dma_wait3A_122 : memref<1x80xi32, #tpu.memory_space<vmem>> -> memref<80xi32, #tpu.memory_space<vmem>>
        %dma_wait3A_124 = arith.constant 0 : i32
        %dma_wait3A_125 = arith.constant 0 : i32
        %dma_wait3A_126 = tpu.memref_slice %arg11[%dma_wait3A_124, %dma_wait3A_125] : memref<10000x32xf32, #tpu.memory_space<vmem_shared>> -> memref<10000x32xf32, #tpu.memory_space<vmem_shared>>
        tpu.wait_indirect_dma semaphore(%run_scoped3A : memref<!tpu.dma_semaphore, #tpu.memory_space<semaphore_mem>>) src(%arg9 : memref<80x32xf32, #tpu.memory_space<vmem>>) dst(%dma_wait3A_126 : memref<10000x32xf32, #tpu.memory_space<vmem_shared>>)
        tpu.yield
      }) : () -> ()
      %add3A_86 = arith.constant 2 : i32
      %add3A_87 = arith.addi %mul3A_76, %add3A_86 : i32
      %add3A_88 = arith.constant 0 : i32
      %add3A_89 = arith.addi %add3A_87, %add3A_88 : i32
      %dma_start3A_90 = arith.constant 0 : i32
      %dma_start3A_91 = tpu.memref_slice %arg7[%add3A_89, %dma_start3A_90] : memref<126x80xi32, #tpu.memory_space<vmem>> -> memref<1x80xi32, #tpu.memory_space<vmem>>
      %dma_start3A_92 = tpu.memref_squeeze %dma_start3A_91 : memref<1x80xi32, #tpu.memory_space<vmem>> -> memref<80xi32, #tpu.memory_space<vmem>>
      %dma_start3A_93 = arith.constant 0 : i32
      %dma_start3A_94 = arith.constant 0 : i32
      %dma_start3A_95 = tpu.memref_slice %arg2[%dma_start3A_93, %dma_start3A_94] : memref<10000x32xf32, #tpu.memory_space<hbm>> -> memref<10000x32xf32, #tpu.memory_space<hbm>>
      tpu.enqueue_indirect_dma source(%dma_start3A_95 : memref<10000x32xf32, #tpu.memory_space<hbm>>) target(%arg9 : memref<80x32xf32, #tpu.memory_space<vmem>>) offsets(%dma_start3A_92 : memref<80xi32, #tpu.memory_space<vmem>>) semaphore(%arg12 : memref<!tpu.dma_semaphore, #tpu.memory_space<semaphore_mem>>)
      %dma_wait3A_96 = arith.constant 0 : i32
      %dma_wait3A_97 = arith.constant 0 : i32
      %dma_wait3A_98 = tpu.memref_slice %arg7[%dma_wait3A_96, %dma_wait3A_97] : memref<126x80xi32, #tpu.memory_space<vmem>> -> memref<1x80xi32, #tpu.memory_space<vmem>>
      %dma_wait3A_99 = tpu.memref_squeeze %dma_wait3A_98 : memref<1x80xi32, #tpu.memory_space<vmem>> -> memref<80xi32, #tpu.memory_space<vmem>>
      %dma_wait3A_100 = arith.constant 0 : i32
      %dma_wait3A_101 = arith.constant 0 : i32
      %dma_wait3A_102 = tpu.memref_slice %arg2[%dma_wait3A_100, %dma_wait3A_101] : memref<10000x32xf32, #tpu.memory_space<hbm>> -> memref<10000x32xf32, #tpu.memory_space<hbm>>
      tpu.wait_indirect_dma semaphore(%arg13 : memref<!tpu.dma_semaphore, #tpu.memory_space<semaphore_mem>>) src(%dma_wait3A_102 : memref<10000x32xf32, #tpu.memory_space<hbm>>) dst(%arg10 : memref<80x32xf32, #tpu.memory_space<vmem>>)
      %add3A_103 = arith.constant 1 : i32
      %add3A_104 = arith.addi %mul3A_76, %add3A_103 : i32
      "tpu.region"() ({
        %run_scoped3A = tpu.sem_alloc : memref<!tpu.dma_semaphore, #tpu.memory_space<semaphore_mem>>
        %dma_start3A_115 = arith.constant 0 : i32
        %dma_start3A_116 = tpu.memref_slice %arg8[%add3A_104, %dma_start3A_115] : memref<126x80xi32, #tpu.memory_space<vmem>> -> memref<1x80xi32, #tpu.memory_space<vmem>>
        %dma_start3A_117 = tpu.memref_squeeze %dma_start3A_116 : memref<1x80xi32, #tpu.memory_space<vmem>> -> memref<80xi32, #tpu.memory_space<vmem>>
        %dma_start3A_118 = arith.constant 0 : i32
        %dma_start3A_119 = arith.constant 0 : i32
        %dma_start3A_120 = tpu.memref_slice %arg11[%dma_start3A_118, %dma_start3A_119] : memref<10000x32xf32, #tpu.memory_space<vmem_shared>> -> memref<10000x32xf32, #tpu.memory_space<vmem_shared>>
        tpu.enqueue_indirect_dma source(%arg10 : memref<80x32xf32, #tpu.memory_space<vmem>>) target(%dma_start3A_120 : memref<10000x32xf32, #tpu.memory_space<vmem_shared>>) offsets(%dma_start3A_117 : memref<80xi32, #tpu.memory_space<vmem>>) semaphore(%run_scoped3A : memref<!tpu.dma_semaphore, #tpu.memory_space<semaphore_mem>>) {add = true}
        %dma_wait3A_121 = arith.constant 0 : i32
        %dma_wait3A_122 = tpu.memref_slice %arg8[%add3A_104, %dma_wait3A_121] : memref<126x80xi32, #tpu.memory_space<vmem>> -> memref<1x80xi32, #tpu.memory_space<vmem>>
        %dma_wait3A_123 = tpu.memref_squeeze %dma_wait3A_122 : memref<1x80xi32, #tpu.memory_space<vmem>> -> memref<80xi32, #tpu.memory_space<vmem>>
        %dma_wait3A_124 = arith.constant 0 : i32
        %dma_wait3A_125 = arith.constant 0 : i32
        %dma_wait3A_126 = tpu.memref_slice %arg11[%dma_wait3A_124, %dma_wait3A_125] : memref<10000x32xf32, #tpu.memory_space<vmem_shared>> -> memref<10000x32xf32, #tpu.memory_space<vmem_shared>>
        tpu.wait_indirect_dma semaphore(%run_scoped3A : memref<!tpu.dma_semaphore, #tpu.memory_space<semaphore_mem>>) src(%arg10 : memref<80x32xf32, #tpu.memory_space<vmem>>) dst(%dma_wait3A_126 : memref<10000x32xf32, #tpu.memory_space<vmem_shared>>)
        tpu.yield
      }) : () -> ()
      %add3A_105 = arith.constant 2 : i32
      %add3A_106 = arith.addi %mul3A_76, %add3A_105 : i32
      %add3A_107 = arith.constant 1 : i32
      %add3A_108 = arith.addi %add3A_106, %add3A_107 : i32
      %dma_start3A_109 = arith.constant 0 : i32
      %dma_start3A_110 = tpu.memref_slice %arg7[%add3A_108, %dma_start3A_109] : memref<126x80xi32, #tpu.memory_space<vmem>> -> memref<1x80xi32, #tpu.memory_space<vmem>>
      %dma_start3A_111 = tpu.memref_squeeze %dma_start3A_110 : memref<1x80xi32, #tpu.memory_space<vmem>> -> memref<80xi32, #tpu.memory_space<vmem>>
      %dma_start3A_112 = arith.constant 0 : i32
      %dma_start3A_113 = arith.constant 0 : i32
      %dma_start3A_114 = tpu.memref_slice %arg2[%dma_start3A_112, %dma_start3A_113] : memref<10000x32xf32, #tpu.memory_space<hbm>> -> memref<10000x32xf32, #tpu.memory_space<hbm>>
      tpu.enqueue_indirect_dma source(%dma_start3A_114 : memref<10000x32xf32, #tpu.memory_space<hbm>>) target(%arg10 : memref<80x32xf32, #tpu.memory_space<vmem>>) offsets(%dma_start3A_111 : memref<80xi32, #tpu.memory_space<vmem>>) semaphore(%arg13 : memref<!tpu.dma_semaphore, #tpu.memory_space<semaphore_mem>>)
    }
    %while3A_49 = arith.constant 1 : i32
    scf.for %while3A_74 = %while3A_47 to %while3A_43 step %while3A_49  : i32 {
      %mul3A_75 = arith.constant 2 : i32
      %mul3A_76 = arith.muli %mul3A_75, %while3A_74 : i32
      %dma_wait3A_77 = arith.constant 0 : i32
      %dma_wait3A_78 = arith.constant 0 : i32
      %dma_wait3A_79 = tpu.memref_slice %arg7[%dma_wait3A_77, %dma_wait3A_78] : memref<126x80xi32, #tpu.memory_space<vmem>> -> memref<1x80xi32, #tpu.memory_space<vmem>>
      %dma_wait3A_80 = tpu.memref_squeeze %dma_wait3A_79 : memref<1x80xi32, #tpu.memory_space<vmem>> -> memref<80xi32, #tpu.memory_space<vmem>>
      %dma_wait3A_81 = arith.constant 0 : i32
      %dma_wait3A_82 = arith.constant 0 : i32
      %dma_wait3A_83 = tpu.memref_slice %arg2[%dma_wait3A_81, %dma_wait3A_82] : memref<10000x32xf32, #tpu.memory_space<hbm>> -> memref<10000x32xf32, #tpu.memory_space<hbm>>
      tpu.wait_indirect_dma semaphore(%arg12 : memref<!tpu.dma_semaphore, #tpu.memory_space<semaphore_mem>>) src(%dma_wait3A_83 : memref<10000x32xf32, #tpu.memory_space<hbm>>) dst(%arg9 : memref<80x32xf32, #tpu.memory_space<vmem>>)
      %add3A_84 = arith.constant 0 : i32
      %add3A_85 = arith.addi %mul3A_76, %add3A_84 : i32
      "tpu.region"() ({
        %run_scoped3A = tpu.sem_alloc : memref<!tpu.dma_semaphore, #tpu.memory_space<semaphore_mem>>
        %dma_start3A_115 = arith.constant 0 : i32
        %dma_start3A_116 = tpu.memref_slice %arg8[%add3A_85, %dma_start3A_115] : memref<126x80xi32, #tpu.memory_space<vmem>> -> memref<1x80xi32, #tpu.memory_space<vmem>>
        %dma_start3A_117 = tpu.memref_squeeze %dma_start3A_116 : memref<1x80xi32, #tpu.memory_space<vmem>> -> memref<80xi32, #tpu.memory_space<vmem>>
        %dma_start3A_118 = arith.constant 0 : i32
        %dma_start3A_119 = arith.constant 0 : i32
        %dma_start3A_120 = tpu.memref_slice %arg11[%dma_start3A_118, %dma_start3A_119] : memref<10000x32xf32, #tpu.memory_space<vmem_shared>> -> memref<10000x32xf32, #tpu.memory_space<vmem_shared>>
        tpu.enqueue_indirect_dma source(%arg9 : memref<80x32xf32, #tpu.memory_space<vmem>>) target(%dma_start3A_120 : memref<10000x32xf32, #tpu.memory_space<vmem_shared>>) offsets(%dma_start3A_117 : memref<80xi32, #tpu.memory_space<vmem>>) semaphore(%run_scoped3A : memref<!tpu.dma_semaphore, #tpu.memory_space<semaphore_mem>>) {add = true}
        %dma_wait3A_121 = arith.constant 0 : i32
        %dma_wait3A_122 = tpu.memref_slice %arg8[%add3A_85, %dma_wait3A_121] : memref<126x80xi32, #tpu.memory_space<vmem>> -> memref<1x80xi32, #tpu.memory_space<vmem>>
        %dma_wait3A_123 = tpu.memref_squeeze %dma_wait3A_122 : memref<1x80xi32, #tpu.memory_space<vmem>> -> memref<80xi32, #tpu.memory_space<vmem>>
        %dma_wait3A_124 = arith.constant 0 : i32
        %dma_wait3A_125 = arith.constant 0 : i32
        %dma_wait3A_126 = tpu.memref_slice %arg11[%dma_wait3A_124, %dma_wait3A_125] : memref<10000x32xf32, #tpu.memory_space<vmem_shared>> -> memref<10000x32xf32, #tpu.memory_space<vmem_shared>>
        tpu.wait_indirect_dma semaphore(%run_scoped3A : memref<!tpu.dma_semaphore, #tpu.memory_space<semaphore_mem>>) src(%arg9 : memref<80x32xf32, #tpu.memory_space<vmem>>) dst(%dma_wait3A_126 : memref<10000x32xf32, #tpu.memory_space<vmem_shared>>)
        tpu.yield
      }) : () -> ()
      %add3A_86 = arith.constant 2 : i32
      %add3A_87 = arith.addi %mul3A_76, %add3A_86 : i32
      %add3A_88 = arith.constant 0 : i32
      %add3A_89 = arith.addi %add3A_87, %add3A_88 : i32
      %dma_start3A_90 = arith.constant 0 : i32
      %dma_start3A_91 = tpu.memref_slice %arg7[%add3A_89, %dma_start3A_90] : memref<126x80xi32, #tpu.memory_space<vmem>> -> memref<1x80xi32, #tpu.memory_space<vmem>>
      %dma_start3A_92 = tpu.memref_squeeze %dma_start3A_91 : memref<1x80xi32, #tpu.memory_space<vmem>> -> memref<80xi32, #tpu.memory_space<vmem>>
      %dma_start3A_93 = arith.constant 0 : i32
      %dma_start3A_94 = arith.constant 0 : i32
      %dma_start3A_95 = tpu.memref_slice %arg2[%dma_start3A_93, %dma_start3A_94] : memref<10000x32xf32, #tpu.memory_space<hbm>> -> memref<10000x32xf32, #tpu.memory_space<hbm>>
      tpu.enqueue_indirect_dma source(%dma_start3A_95 : memref<10000x32xf32, #tpu.memory_space<hbm>>) target(%arg9 : memref<80x32xf32, #tpu.memory_space<vmem>>) offsets(%dma_start3A_92 : memref<80xi32, #tpu.memory_space<vmem>>) semaphore(%arg12 : memref<!tpu.dma_semaphore, #tpu.memory_space<semaphore_mem>>)
      %dma_wait3A_96 = arith.constant 0 : i32
      %dma_wait3A_97 = arith.constant 0 : i32
      %dma_wait3A_98 = tpu.memref_slice %arg7[%dma_wait3A_96, %dma_wait3A_97] : memref<126x80xi32, #tpu.memory_space<vmem>> -> memref<1x80xi32, #tpu.memory_space<vmem>>
      %dma_wait3A_99 = tpu.memref_squeeze %dma_wait3A_98 : memref<1x80xi32, #tpu.memory_space<vmem>> -> memref<80xi32, #tpu.memory_space<vmem>>
      %dma_wait3A_100 = arith.constant 0 : i32
      %dma_wait3A_101 = arith.constant 0 : i32
      %dma_wait3A_102 = tpu.memref_slice %arg2[%dma_wait3A_100, %dma_wait3A_101] : memref<10000x32xf32, #tpu.memory_space<hbm>> -> memref<10000x32xf32, #tpu.memory_space<hbm>>
      tpu.wait_indirect_dma semaphore(%arg13 : memref<!tpu.dma_semaphore, #tpu.memory_space<semaphore_mem>>) src(%dma_wait3A_102 : memref<10000x32xf32, #tpu.memory_space<hbm>>) dst(%arg10 : memref<80x32xf32, #tpu.memory_space<vmem>>)
      %add3A_103 = arith.constant 1 : i32
      %add3A_104 = arith.addi %mul3A_76, %add3A_103 : i32
      "tpu.region"() ({
        %run_scoped3A = tpu.sem_alloc : memref<!tpu.dma_semaphore, #tpu.memory_space<semaphore_mem>>
        %dma_start3A_115 = arith.constant 0 : i32
        %dma_start3A_116 = tpu.memref_slice %arg8[%add3A_104, %dma_start3A_115] : memref<126x80xi32, #tpu.memory_space<vmem>> -> memref<1x80xi32, #tpu.memory_space<vmem>>
        %dma_start3A_117 = tpu.memref_squeeze %dma_start3A_116 : memref<1x80xi32, #tpu.memory_space<vmem>> -> memref<80xi32, #tpu.memory_space<vmem>>
        %dma_start3A_118 = arith.constant 0 : i32
        %dma_start3A_119 = arith.constant 0 : i32
        %dma_start3A_120 = tpu.memref_slice %arg11[%dma_start3A_118, %dma_start3A_119] : memref<10000x32xf32, #tpu.memory_space<vmem_shared>> -> memref<10000x32xf32, #tpu.memory_space<vmem_shared>>
        tpu.enqueue_indirect_dma source(%arg10 : memref<80x32xf32, #tpu.memory_space<vmem>>) target(%dma_start3A_120 : memref<10000x32xf32, #tpu.memory_space<vmem_shared>>) offsets(%dma_start3A_117 : memref<80xi32, #tpu.memory_space<vmem>>) semaphore(%run_scoped3A : memref<!tpu.dma_semaphore, #tpu.memory_space<semaphore_mem>>) {add = true}
        %dma_wait3A_121 = arith.constant 0 : i32
        %dma_wait3A_122 = tpu.memref_slice %arg8[%add3A_104, %dma_wait3A_121] : memref<126x80xi32, #tpu.memory_space<vmem>> -> memref<1x80xi32, #tpu.memory_space<vmem>>
        %dma_wait3A_123 = tpu.memref_squeeze %dma_wait3A_122 : memref<1x80xi32, #tpu.memory_space<vmem>> -> memref<80xi32, #tpu.memory_space<vmem>>
        %dma_wait3A_124 = arith.constant 0 : i32
        %dma_wait3A_125 = arith.constant 0 : i32
        %dma_wait3A_126 = tpu.memref_slice %arg11[%dma_wait3A_124, %dma_wait3A_125] : memref<10000x32xf32, #tpu.memory_space<vmem_shared>> -> memref<10000x32xf32, #tpu.memory_space<vmem_shared>>
        tpu.wait_indirect_dma semaphore(%run_scoped3A : memref<!tpu.dma_semaphore, #tpu.memory_space<semaphore_mem>>) src(%arg10 : memref<80x32xf32, #tpu.memory_space<vmem>>) dst(%dma_wait3A_126 : memref<10000x32xf32, #tpu.memory_space<vmem_shared>>)
        tpu.yield
      }) : () -> ()
      %add3A_105 = arith.constant 2 : i32
      %add3A_106 = arith.addi %mul3A_76, %add3A_105 : i32
      %add3A_107 = arith.constant 1 : i32
      %add3A_108 = arith.addi %add3A_106, %add3A_107 : i32
      %dma_start3A_109 = arith.constant 0 : i32
      %dma_start3A_110 = tpu.memref_slice %arg7[%add3A_108, %dma_start3A_109] : memref<126x80xi32, #tpu.memory_space<vmem>> -> memref<1x80xi32, #tpu.memory_space<vmem>>
      %dma_start3A_111 = tpu.memref_squeeze %dma_start3A_110 : memref<1x80xi32, #tpu.memory_space<vmem>> -> memref<80xi32, #tpu.memory_space<vmem>>
      %dma_start3A_112 = arith.constant 0 : i32
      %dma_start3A_113 = arith.constant 0 : i32
      %dma_start3A_114 = tpu.memref_slice %arg2[%dma_start3A_112, %dma_start3A_113] : memref<10000x32xf32, #tpu.memory_space<hbm>> -> memref<10000x32xf32, #tpu.memory_space<hbm>>
      tpu.enqueue_indirect_dma source(%dma_start3A_114 : memref<10000x32xf32, #tpu.memory_space<hbm>>) target(%arg10 : memref<80x32xf32, #tpu.memory_space<vmem>>) offsets(%dma_start3A_111 : memref<80xi32, #tpu.memory_space<vmem>>) semaphore(%arg13 : memref<!tpu.dma_semaphore, #tpu.memory_space<semaphore_mem>>)
    }
    %dma_wait3A = arith.constant 0 : i32
    %dma_wait3A_50 = arith.constant 0 : i32
    %dma_wait3A_51 = tpu.memref_slice %arg7[%dma_wait3A, %dma_wait3A_50] : memref<126x80xi32, #tpu.memory_space<vmem>> -> memref<1x80xi32, #tpu.memory_space<vmem>>
    %dma_wait3A_52 = tpu.memref_squeeze %dma_wait3A_51 : memref<1x80xi32, #tpu.memory_space<vmem>> -> memref<80xi32, #tpu.memory_space<vmem>>
    %dma_wait3A_53 = arith.constant 0 : i32
    %dma_wait3A_54 = arith.constant 0 : i32
    %dma_wait3A_55 = tpu.memref_slice %arg2[%dma_wait3A_53, %dma_wait3A_54] : memref<10000x32xf32, #tpu.memory_space<hbm>> -> memref<10000x32xf32, #tpu.memory_space<hbm>>
    tpu.wait_indirect_dma semaphore(%arg12 : memref<!tpu.dma_semaphore, #tpu.memory_space<semaphore_mem>>) src(%dma_wait3A_55 : memref<10000x32xf32, #tpu.memory_space<hbm>>) dst(%arg9 : memref<80x32xf32, #tpu.memory_space<vmem>>)
    %sub3A_56 = arith.constant 2 : i32
    %sub3A_57 = arith.subi %select_n3A, %sub3A_56 : i32
    %add3A = arith.constant 0 : i32
    %add3A_58 = arith.addi %sub3A_57, %add3A : i32
    "tpu.region"() ({
      %run_scoped3A = tpu.sem_alloc : memref<!tpu.dma_semaphore, #tpu.memory_space<semaphore_mem>>
      %dma_start3A_74 = arith.constant 0 : i32
      %dma_start3A_75 = tpu.memref_slice %arg8[%add3A_58, %dma_start3A_74] : memref<126x80xi32, #tpu.memory_space<vmem>> -> memref<1x80xi32, #tpu.memory_space<vmem>>
      %dma_start3A_76 = tpu.memref_squeeze %dma_start3A_75 : memref<1x80xi32, #tpu.memory_space<vmem>> -> memref<80xi32, #tpu.memory_space<vmem>>
      %dma_start3A_77 = arith.constant 0 : i32
      %dma_start3A_78 = arith.constant 0 : i32
      %dma_start3A_79 = tpu.memref_slice %arg11[%dma_start3A_77, %dma_start3A_78] : memref<10000x32xf32, #tpu.memory_space<vmem_shared>> -> memref<10000x32xf32, #tpu.memory_space<vmem_shared>>
      tpu.enqueue_indirect_dma source(%arg9 : memref<80x32xf32, #tpu.memory_space<vmem>>) target(%dma_start3A_79 : memref<10000x32xf32, #tpu.memory_space<vmem_shared>>) offsets(%dma_start3A_76 : memref<80xi32, #tpu.memory_space<vmem>>) semaphore(%run_scoped3A : memref<!tpu.dma_semaphore, #tpu.memory_space<semaphore_mem>>) {add = true}
      %dma_wait3A_80 = arith.constant 0 : i32
      %dma_wait3A_81 = tpu.memref_slice %arg8[%add3A_58, %dma_wait3A_80] : memref<126x80xi32, #tpu.memory_space<vmem>> -> memref<1x80xi32, #tpu.memory_space<vmem>>
      %dma_wait3A_82 = tpu.memref_squeeze %dma_wait3A_81 : memref<1x80xi32, #tpu.memory_space<vmem>> -> memref<80xi32, #tpu.memory_space<vmem>>
      %dma_wait3A_83 = arith.constant 0 : i32
      %dma_wait3A_84 = arith.constant 0 : i32
      %dma_wait3A_85 = tpu.memref_slice %arg11[%dma_wait3A_83, %dma_wait3A_84] : memref<10000x32xf32, #tpu.memory_space<vmem_shared>> -> memref<10000x32xf32, #tpu.memory_space<vmem_shared>>
      tpu.wait_indirect_dma semaphore(%run_scoped3A : memref<!tpu.dma_semaphore, #tpu.memory_space<semaphore_mem>>) src(%arg9 : memref<80x32xf32, #tpu.memory_space<vmem>>) dst(%dma_wait3A_85 : memref<10000x32xf32, #tpu.memory_space<vmem_shared>>)
      tpu.yield
    }) : () -> ()
    %dma_wait3A_59 = arith.constant 0 : i32
    %dma_wait3A_60 = arith.constant 0 : i32
    %dma_wait3A_61 = tpu.memref_slice %arg7[%dma_wait3A_59, %dma_wait3A_60] : memref<126x80xi32, #tpu.memory_space<vmem>> -> memref<1x80xi32, #tpu.memory_space<vmem>>
    %dma_wait3A_62 = tpu.memref_squeeze %dma_wait3A_61 : memref<1x80xi32, #tpu.memory_space<vmem>> -> memref<80xi32, #tpu.memory_space<vmem>>
    %dma_wait3A_63 = arith.constant 0 : i32
    %dma_wait3A_64 = arith.constant 0 : i32
    %dma_wait3A_65 = tpu.memref_slice %arg2[%dma_wait3A_63, %dma_wait3A_64] : memref<10000x32xf32, #tpu.memory_space<hbm>> -> memref<10000x32xf32, #tpu.memory_space<hbm>>
    tpu.wait_indirect_dma semaphore(%arg13 : memref<!tpu.dma_semaphore, #tpu.memory_space<semaphore_mem>>) src(%dma_wait3A_65 : memref<10000x32xf32, #tpu.memory_space<hbm>>) dst(%arg10 : memref<80x32xf32, #tpu.memory_space<vmem>>)
    %sub3A_66 = arith.constant 2 : i32
    %sub3A_67 = arith.subi %select_n3A, %sub3A_66 : i32
    %add3A_68 = arith.constant 1 : i32
    %add3A_69 = arith.addi %sub3A_67, %add3A_68 : i32
    "tpu.region"() ({
      %run_scoped3A = tpu.sem_alloc : memref<!tpu.dma_semaphore, #tpu.memory_space<semaphore_mem>>
      %dma_start3A_74 = arith.constant 0 : i32
      %dma_start3A_75 = tpu.memref_slice %arg8[%add3A_69, %dma_start3A_74] : memref<126x80xi32, #tpu.memory_space<vmem>> -> memref<1x80xi32, #tpu.memory_space<vmem>>
      %dma_start3A_76 = tpu.memref_squeeze %dma_start3A_75 : memref<1x80xi32, #tpu.memory_space<vmem>> -> memref<80xi32, #tpu.memory_space<vmem>>
      %dma_start3A_77 = arith.constant 0 : i32
      %dma_start3A_78 = arith.constant 0 : i32
      %dma_start3A_79 = tpu.memref_slice %arg11[%dma_start3A_77, %dma_start3A_78] : memref<10000x32xf32, #tpu.memory_space<vmem_shared>> -> memref<10000x32xf32, #tpu.memory_space<vmem_shared>>
      tpu.enqueue_indirect_dma source(%arg10 : memref<80x32xf32, #tpu.memory_space<vmem>>) target(%dma_start3A_79 : memref<10000x32xf32, #tpu.memory_space<vmem_shared>>) offsets(%dma_start3A_76 : memref<80xi32, #tpu.memory_space<vmem>>) semaphore(%run_scoped3A : memref<!tpu.dma_semaphore, #tpu.memory_space<semaphore_mem>>) {add = true}
      %dma_wait3A_80 = arith.constant 0 : i32
      %dma_wait3A_81 = tpu.memref_slice %arg8[%add3A_69, %dma_wait3A_80] : memref<126x80xi32, #tpu.memory_space<vmem>> -> memref<1x80xi32, #tpu.memory_space<vmem>>
      %dma_wait3A_82 = tpu.memref_squeeze %dma_wait3A_81 : memref<1x80xi32, #tpu.memory_space<vmem>> -> memref<80xi32, #tpu.memory_space<vmem>>
      %dma_wait3A_83 = arith.constant 0 : i32
      %dma_wait3A_84 = arith.constant 0 : i32
      %dma_wait3A_85 = tpu.memref_slice %arg11[%dma_wait3A_83, %dma_wait3A_84] : memref<10000x32xf32, #tpu.memory_space<vmem_shared>> -> memref<10000x32xf32, #tpu.memory_space<vmem_shared>>
      tpu.wait_indirect_dma semaphore(%run_scoped3A : memref<!tpu.dma_semaphore, #tpu.memory_space<semaphore_mem>>) src(%arg10 : memref<80x32xf32, #tpu.memory_space<vmem>>) dst(%dma_wait3A_85 : memref<10000x32xf32, #tpu.memory_space<vmem_shared>>)
      tpu.yield
    }) : () -> ()
    %barrier3A_70 = arith.constant 0 : index
    tpu.barrier barrier_id(%barrier3A_70)
    %mul3A_71 = arith.constant 10000 : i32
    %mul3A_72 = arith.muli %arg0, %mul3A_71 : i32
    %add3A_73 = arith.addi %mul3A_72, %mul3A_2 : i32
    "tpu.region"() ({
      %run_scoped3A = tpu.sem_alloc : memref<!tpu.dma_semaphore, #tpu.memory_space<semaphore_mem>>
      %dma_start3A_74 = arith.constant 0 : i32
      %dma_start3A_75 = tpu.memref_slice %arg6[%add3A_73, %dma_start3A_74] : memref<20000x128xf32, #tpu.memory_space<hbm>> -> memref<625x32xf32, #tpu.memory_space<hbm>>
      %dma_start3A_76 = arith.constant 0 : i32
      %dma_start3A_77 = tpu.memref_slice %arg11[%mul3A_2, %dma_start3A_76] : memref<10000x32xf32, #tpu.memory_space<vmem_shared>> -> memref<625x32xf32, #tpu.memory_space<vmem_shared>>
      tpu.enqueue_dma source(%dma_start3A_77 : memref<625x32xf32, #tpu.memory_space<vmem_shared>>) target(%dma_start3A_75 : memref<625x32xf32, #tpu.memory_space<hbm>>) target_semaphore(%run_scoped3A : memref<!tpu.dma_semaphore, #tpu.memory_space<semaphore_mem>>)
      %dma_wait3A_78 = arith.constant 0 : i32
      %dma_wait3A_79 = tpu.memref_slice %arg6[%add3A_73, %dma_wait3A_78] : memref<20000x128xf32, #tpu.memory_space<hbm>> -> memref<625x32xf32, #tpu.memory_space<hbm>>
      %dma_wait3A_80 = arith.constant 0 : i32
      %dma_wait3A_81 = tpu.memref_slice %arg11[%mul3A_2, %dma_wait3A_80] : memref<10000x32xf32, #tpu.memory_space<vmem_shared>> -> memref<625x32xf32, #tpu.memory_space<vmem_shared>>
      tpu.wait_dma2 semaphore(%run_scoped3A : memref<!tpu.dma_semaphore, #tpu.memory_space<semaphore_mem>>) src(%dma_wait3A_81 : memref<625x32xf32, #tpu.memory_space<vmem_shared>>) dst(%dma_wait3A_79 : memref<625x32xf32, #tpu.memory_space<hbm>>)
      tpu.yield
    }) : () -> ()
    return
  }
}

#map = affine_map<(d0, d1) -> (0, 0)>
#map1 = affine_map<(d0, d1) -> (0, 0, 0)>
module attributes {stable_mosaic.version = 14 : i64} {
  func.func @k(%arg0: i32, %arg1: i32, %arg2: memref<10000x32xf32, #tpu.memory_space<hbm>>, %arg3: memref<16x250x80xi32, #tpu.memory_space<hbm>>, %arg4: memref<16x250x80xi32, #tpu.memory_space<hbm>>, %arg5: memref<625x32xf32, #tpu.memory_space<hbm>>, %arg6: memref<20000x128xf32, #tpu.memory_space<hbm>>, %arg7: memref<126x80xi32, #tpu.memory_space<vmem>>, %arg8: memref<126x80xi32, #tpu.memory_space<vmem>>, %arg9: memref<80x32xf32, #tpu.memory_space<vmem>>, %arg10: memref<80x32xf32, #tpu.memory_space<vmem>>, %arg11: memref<10000x32xf32, #tpu.memory_space<vmem_shared>>, %arg12: memref<!tpu.dma_semaphore, #tpu.memory_space<semaphore_mem>>, %arg13: memref<!tpu.dma_semaphore, #tpu.memory_space<semaphore_mem>>) attributes {dimension_semantics = [#tpu.dimension_semantics<core_parallel>, #tpu.dimension_semantics<subcore_parallel>], iteration_bounds = array<i64: 2, 16>, scalar_prefetch = 0 : i64, scratch_operands = 7 : i64, tpu.core_type = #tpu.core_type<sc_vector_subcore>, window_params = [{transform_indices = #map}, {transform_indices = #map1}, {transform_indices = #map1}, {transform_indices = #map}, {transform_indices = #map}]} {
    %eq3A = arith.constant 1 : i32
    %eq3A_0 = arith.cmpi eq, %arg0, %eq3A : i32
    %jit3A = arith.constant 126 : i32
    %jit3A_1 = arith.constant 124 : i32
    %select_n3A = arith.select %eq3A_0, %jit3A, %jit3A_1 : i32
    %mul3A = arith.constant 625 : i32
    %mul3A_2 = arith.muli %arg1, %mul3A : i32
    "tpu.region"() ({
      %run_scoped3A = tpu.sem_alloc : memref<!tpu.dma_semaphore, #tpu.memory_space<semaphore_mem>>
      %dma_start3A_74 = arith.constant 0 : i32
      %dma_start3A_75 = tpu.memref_slice %arg11[%mul3A_2, %dma_start3A_74] : memref<10000x32xf32, #tpu.memory_space<vmem_shared>> -> memref<625x32xf32, #tpu.memory_space<vmem_shared>>
      tpu.enqueue_dma source(%arg5 : memref<625x32xf32, #tpu.memory_space<hbm>>) target(%dma_start3A_75 : memref<625x32xf32, #tpu.memory_space<vmem_shared>>) target_semaphore(%run_scoped3A : memref<!tpu.dma_semaphore, #tpu.memory_space<semaphore_mem>>)
      %dma_wait3A_76 = arith.constant 0 : i32
      %dma_wait3A_77 = tpu.memref_slice %arg11[%mul3A_2, %dma_wait3A_76] : memref<10000x32xf32, #tpu.memory_space<vmem_shared>> -> memref<625x32xf32, #tpu.memory_space<vmem_shared>>
      tpu.wait_dma2 semaphore(%run_scoped3A : memref<!tpu.dma_semaphore, #tpu.memory_space<semaphore_mem>>) src(%arg5 : memref<625x32xf32, #tpu.memory_space<hbm>>) dst(%dma_wait3A_77 : memref<625x32xf32, #tpu.memory_space<vmem_shared>>)
      tpu.yield
    }) : () -> ()
    %convert_element_type3A = arith.extui %eq3A_0 : i1 to i32
    %cond3A = arith.constant 0 : i32
    %cond3A_3 = arith.cmpi ne, %convert_element_type3A, %cond3A : i32
    scf.if %cond3A_3 {
      "tpu.region"() ({
        %run_scoped3A = tpu.sem_alloc : memref<!tpu.dma_semaphore, #tpu.memory_space<semaphore_mem>>
        %dma_start3A_74 = arith.constant 0 : i32
        %dma_start3A_75 = arith.constant 0 : i32
        %dma_start3A_76 = tpu.memref_slice %arg3[%arg1, %dma_start3A_74, %dma_start3A_75] : memref<16x250x80xi32, #tpu.memory_space<hbm>> -> memref<1x126x80xi32, #tpu.memory_space<hbm>>
        %dma_start3A_77 = tpu.memref_squeeze %dma_start3A_76 : memref<1x126x80xi32, #tpu.memory_space<hbm>> -> memref<126x80xi32, #tpu.memory_space<hbm>>
        %dma_start3A_78 = arith.constant 0 : i32
        %dma_start3A_79 = arith.constant 0 : i32
        %dma_start3A_80 = tpu.memref_slice %arg3[%arg1, %dma_start3A_78, %dma_start3A_79] : memref<16x250x80xi32, #tpu.memory_space<hbm>> -> memref<1x126x80xi32, #tpu.memory_space<hbm>>
        %dma_start3A_81 = tpu.memref_squeeze %dma_start3A_80 : memref<1x126x80xi32, #tpu.memory_space<hbm>> -> memref<126x80xi32, #tpu.memory_space<hbm>>
        tpu.enqueue_dma source(%dma_start3A_81 : memref<126x80xi32, #tpu.memory_space<hbm>>) target(%arg7 : memref<126x80xi32, #tpu.memory_space<vmem>>) target_semaphore(%run_scoped3A : memref<!tpu.dma_semaphore, #tpu.memory_space<semaphore_mem>>)
        %dma_wait3A_82 = arith.constant 0 : i32
        %dma_wait3A_83 = arith.constant 0 : i32
        %dma_wait3A_84 = tpu.memref_slice %arg3[%arg1, %dma_wait3A_82, %dma_wait3A_83] : memref<16x250x80xi32, #tpu.memory_space<hbm>> -> memref<1x126x80xi32, #tpu.memory_space<hbm>>
        %dma_wait3A_85 = tpu.memref_squeeze %dma_wait3A_84 : memref<1x126x80xi32, #tpu.memory_space<hbm>> -> memref<126x80xi32, #tpu.memory_space<hbm>>
        %dma_wait3A_86 = arith.constant 0 : i32
        %dma_wait3A_87 = arith.constant 0 : i32
        %dma_wait3A_88 = tpu.memref_slice %arg3[%arg1, %dma_wait3A_86, %dma_wait3A_87] : memref<16x250x80xi32, #tpu.memory_space<hbm>> -> memref<1x126x80xi32, #tpu.memory_space<hbm>>
        %dma_wait3A_89 = tpu.memref_squeeze %dma_wait3A_88 : memref<1x126x80xi32, #tpu.memory_space<hbm>> -> memref<126x80xi32, #tpu.memory_space<hbm>>
        tpu.wait_dma2 semaphore(%run_scoped3A : memref<!tpu.dma_semaphore, #tpu.memory_space<semaphore_mem>>) src(%dma_wait3A_89 : memref<126x80xi32, #tpu.memory_space<hbm>>) dst(%arg7 : memref<126x80xi32, #tpu.memory_space<vmem>>)
        tpu.yield
      }) : () -> ()
      "tpu.region"() ({
        %run_scoped3A = tpu.sem_alloc : memref<!tpu.dma_semaphore, #tpu.memory_space<semaphore_mem>>
        %dma_start3A_74 = arith.constant 0 : i32
        %dma_start3A_75 = arith.constant 0 : i32
        %dma_start3A_76 = tpu.memref_slice %arg4[%arg1, %dma_start3A_74, %dma_start3A_75] : memref<16x250x80xi32, #tpu.memory_space<hbm>> -> memref<1x126x80xi32, #tpu.memory_space<hbm>>
        %dma_start3A_77 = tpu.memref_squeeze %dma_start3A_76 : memref<1x126x80xi32, #tpu.memory_space<hbm>> -> memref<126x80xi32, #tpu.memory_space<hbm>>
        %dma_start3A_78 = arith.constant 0 : i32
        %dma_start3A_79 = arith.constant 0 : i32
        %dma_start3A_80 = tpu.memref_slice %arg4[%arg1, %dma_start3A_78, %dma_start3A_79] : memref<16x250x80xi32, #tpu.memory_space<hbm>> -> memref<1x126x80xi32, #tpu.memory_space<hbm>>
        %dma_start3A_81 = tpu.memref_squeeze %dma_start3A_80 : memref<1x126x80xi32, #tpu.memory_space<hbm>> -> memref<126x80xi32, #tpu.memory_space<hbm>>
        tpu.enqueue_dma source(%dma_start3A_81 : memref<126x80xi32, #tpu.memory_space<hbm>>) target(%arg8 : memref<126x80xi32, #tpu.memory_space<vmem>>) target_semaphore(%run_scoped3A : memref<!tpu.dma_semaphore, #tpu.memory_space<semaphore_mem>>)
        %dma_wait3A_82 = arith.constant 0 : i32
        %dma_wait3A_83 = arith.constant 0 : i32
        %dma_wait3A_84 = tpu.memref_slice %arg4[%arg1, %dma_wait3A_82, %dma_wait3A_83] : memref<16x250x80xi32, #tpu.memory_space<hbm>> -> memref<1x126x80xi32, #tpu.memory_space<hbm>>
        %dma_wait3A_85 = tpu.memref_squeeze %dma_wait3A_84 : memref<1x126x80xi32, #tpu.memory_space<hbm>> -> memref<126x80xi32, #tpu.memory_space<hbm>>
        %dma_wait3A_86 = arith.constant 0 : i32
        %dma_wait3A_87 = arith.constant 0 : i32
        %dma_wait3A_88 = tpu.memref_slice %arg4[%arg1, %dma_wait3A_86, %dma_wait3A_87] : memref<16x250x80xi32, #tpu.memory_space<hbm>> -> memref<1x126x80xi32, #tpu.memory_space<hbm>>
        %dma_wait3A_89 = tpu.memref_squeeze %dma_wait3A_88 : memref<1x126x80xi32, #tpu.memory_space<hbm>> -> memref<126x80xi32, #tpu.memory_space<hbm>>
        tpu.wait_dma2 semaphore(%run_scoped3A : memref<!tpu.dma_semaphore, #tpu.memory_space<semaphore_mem>>) src(%dma_wait3A_89 : memref<126x80xi32, #tpu.memory_space<hbm>>) dst(%arg8 : memref<126x80xi32, #tpu.memory_space<vmem>>)
        tpu.yield
      }) : () -> ()
    } else {
    }
    %not3A = arith.constant true
    %not3A_4 = arith.xori %eq3A_0, %not3A : i1
    %convert_element_type3A_5 = arith.extui %not3A_4 : i1 to i32
    %cond3A_6 = arith.constant 0 : i32
    %cond3A_7 = arith.cmpi ne, %convert_element_type3A_5, %cond3A_6 : i32
    scf.if %cond3A_7 {
      "tpu.region"() ({
        %run_scoped3A = tpu.sem_alloc : memref<!tpu.dma_semaphore, #tpu.memory_space<semaphore_mem>>
        %dma_start3A_74 = arith.constant 0 : i32
        %dma_start3A_75 = arith.constant 0 : i32
        %dma_start3A_76 = tpu.memref_slice %arg7[%dma_start3A_74, %dma_start3A_75] : memref<126x80xi32, #tpu.memory_space<vmem>> -> memref<124x80xi32, #tpu.memory_space<vmem>>
        %dma_start3A_77 = arith.constant 126 : i32
        %dma_start3A_78 = arith.constant 0 : i32
        %dma_start3A_79 = tpu.memref_slice %arg3[%arg1, %dma_start3A_77, %dma_start3A_78] : memref<16x250x80xi32, #tpu.memory_space<hbm>> -> memref<1x124x80xi32, #tpu.memory_space<hbm>>
        %dma_start3A_80 = tpu.memref_squeeze %dma_start3A_79 : memref<1x124x80xi32, #tpu.memory_space<hbm>> -> memref<124x80xi32, #tpu.memory_space<hbm>>
        %dma_start3A_81 = arith.constant 0 : i32
        %dma_start3A_82 = arith.constant 0 : i32
        %dma_start3A_83 = tpu.memref_slice %arg7[%dma_start3A_81, %dma_start3A_82] : memref<126x80xi32, #tpu.memory_space<vmem>> -> memref<124x80xi32, #tpu.memory_space<vmem>>
        %dma_start3A_84 = arith.constant 126 : i32
        %dma_start3A_85 = arith.constant 0 : i32
        %dma_start3A_86 = tpu.memref_slice %arg3[%arg1, %dma_start3A_84, %dma_start3A_85] : memref<16x250x80xi32, #tpu.memory_space<hbm>> -> memref<1x124x80xi32, #tpu.memory_space<hbm>>
        %dma_start3A_87 = tpu.memref_squeeze %dma_start3A_86 : memref<1x124x80xi32, #tpu.memory_space<hbm>> -> memref<124x80xi32, #tpu.memory_space<hbm>>
        tpu.enqueue_dma source(%dma_start3A_87 : memref<124x80xi32, #tpu.memory_space<hbm>>) target(%dma_start3A_83 : memref<124x80xi32, #tpu.memory_space<vmem>>) target_semaphore(%run_scoped3A : memref<!tpu.dma_semaphore, #tpu.memory_space<semaphore_mem>>)
        %dma_wait3A_88 = arith.constant 0 : i32
        %dma_wait3A_89 = arith.constant 0 : i32
        %dma_wait3A_90 = tpu.memref_slice %arg7[%dma_wait3A_88, %dma_wait3A_89] : memref<126x80xi32, #tpu.memory_space<vmem>> -> memref<124x80xi32, #tpu.memory_space<vmem>>
        %dma_wait3A_91 = arith.constant 126 : i32
        %dma_wait3A_92 = arith.constant 0 : i32
        %dma_wait3A_93 = tpu.memref_slice %arg3[%arg1, %dma_wait3A_91, %dma_wait3A_92] : memref<16x250x80xi32, #tpu.memory_space<hbm>> -> memref<1x124x80xi32, #tpu.memory_space<hbm>>
        %dma_wait3A_94 = tpu.memref_squeeze %dma_wait3A_93 : memref<1x124x80xi32, #tpu.memory_space<hbm>> -> memref<124x80xi32, #tpu.memory_space<hbm>>
        %dma_wait3A_95 = arith.constant 0 : i32
        %dma_wait3A_96 = arith.constant 0 : i32
        %dma_wait3A_97 = tpu.memref_slice %arg7[%dma_wait3A_95, %dma_wait3A_96] : memref<126x80xi32, #tpu.memory_space<vmem>> -> memref<124x80xi32, #tpu.memory_space<vmem>>
        %dma_wait3A_98 = arith.constant 126 : i32
        %dma_wait3A_99 = arith.constant 0 : i32
        %dma_wait3A_100 = tpu.memref_slice %arg3[%arg1, %dma_wait3A_98, %dma_wait3A_99] : memref<16x250x80xi32, #tpu.memory_space<hbm>> -> memref<1x124x80xi32, #tpu.memory_space<hbm>>
        %dma_wait3A_101 = tpu.memref_squeeze %dma_wait3A_100 : memref<1x124x80xi32, #tpu.memory_space<hbm>> -> memref<124x80xi32, #tpu.memory_space<hbm>>
        tpu.wait_dma2 semaphore(%run_scoped3A : memref<!tpu.dma_semaphore, #tpu.memory_space<semaphore_mem>>) src(%dma_wait3A_101 : memref<124x80xi32, #tpu.memory_space<hbm>>) dst(%dma_wait3A_97 : memref<124x80xi32, #tpu.memory_space<vmem>>)
        tpu.yield
      }) : () -> ()
      "tpu.region"() ({
        %run_scoped3A = tpu.sem_alloc : memref<!tpu.dma_semaphore, #tpu.memory_space<semaphore_mem>>
        %dma_start3A_74 = arith.constant 0 : i32
        %dma_start3A_75 = arith.constant 0 : i32
        %dma_start3A_76 = tpu.memref_slice %arg8[%dma_start3A_74, %dma_start3A_75] : memref<126x80xi32, #tpu.memory_space<vmem>> -> memref<124x80xi32, #tpu.memory_space<vmem>>
        %dma_start3A_77 = arith.constant 126 : i32
        %dma_start3A_78 = arith.constant 0 : i32
        %dma_start3A_79 = tpu.memref_slice %arg4[%arg1, %dma_start3A_77, %dma_start3A_78] : memref<16x250x80xi32, #tpu.memory_space<hbm>> -> memref<1x124x80xi32, #tpu.memory_space<hbm>>
        %dma_start3A_80 = tpu.memref_squeeze %dma_start3A_79 : memref<1x124x80xi32, #tpu.memory_space<hbm>> -> memref<124x80xi32, #tpu.memory_space<hbm>>
        %dma_start3A_81 = arith.constant 0 : i32
        %dma_start3A_82 = arith.constant 0 : i32
        %dma_start3A_83 = tpu.memref_slice %arg8[%dma_start3A_81, %dma_start3A_82] : memref<126x80xi32, #tpu.memory_space<vmem>> -> memref<124x80xi32, #tpu.memory_space<vmem>>
        %dma_start3A_84 = arith.constant 126 : i32
        %dma_start3A_85 = arith.constant 0 : i32
        %dma_start3A_86 = tpu.memref_slice %arg4[%arg1, %dma_start3A_84, %dma_start3A_85] : memref<16x250x80xi32, #tpu.memory_space<hbm>> -> memref<1x124x80xi32, #tpu.memory_space<hbm>>
        %dma_start3A_87 = tpu.memref_squeeze %dma_start3A_86 : memref<1x124x80xi32, #tpu.memory_space<hbm>> -> memref<124x80xi32, #tpu.memory_space<hbm>>
        tpu.enqueue_dma source(%dma_start3A_87 : memref<124x80xi32, #tpu.memory_space<hbm>>) target(%dma_start3A_83 : memref<124x80xi32, #tpu.memory_space<vmem>>) target_semaphore(%run_scoped3A : memref<!tpu.dma_semaphore, #tpu.memory_space<semaphore_mem>>)
        %dma_wait3A_88 = arith.constant 0 : i32
        %dma_wait3A_89 = arith.constant 0 : i32
        %dma_wait3A_90 = tpu.memref_slice %arg8[%dma_wait3A_88, %dma_wait3A_89] : memref<126x80xi32, #tpu.memory_space<vmem>> -> memref<124x80xi32, #tpu.memory_space<vmem>>
        %dma_wait3A_91 = arith.constant 126 : i32
        %dma_wait3A_92 = arith.constant 0 : i32
        %dma_wait3A_93 = tpu.memref_slice %arg4[%arg1, %dma_wait3A_91, %dma_wait3A_92] : memref<16x250x80xi32, #tpu.memory_space<hbm>> -> memref<1x124x80xi32, #tpu.memory_space<hbm>>
        %dma_wait3A_94 = tpu.memref_squeeze %dma_wait3A_93 : memref<1x124x80xi32, #tpu.memory_space<hbm>> -> memref<124x80xi32, #tpu.memory_space<hbm>>
        %dma_wait3A_95 = arith.constant 0 : i32
        %dma_wait3A_96 = arith.constant 0 : i32
        %dma_wait3A_97 = tpu.memref_slice %arg8[%dma_wait3A_95, %dma_wait3A_96] : memref<126x80xi32, #tpu.memory_space<vmem>> -> memref<124x80xi32, #tpu.memory_space<vmem>>
        %dma_wait3A_98 = arith.constant 126 : i32
        %dma_wait3A_99 = arith.constant 0 : i32
        %dma_wait3A_100 = tpu.memref_slice %arg4[%arg1, %dma_wait3A_98, %dma_wait3A_99] : memref<16x250x80xi32, #tpu.memory_space<hbm>> -> memref<1x124x80xi32, #tpu.memory_space<hbm>>
        %dma_wait3A_101 = tpu.memref_squeeze %dma_wait3A_100 : memref<1x124x80xi32, #tpu.memory_space<hbm>> -> memref<124x80xi32, #tpu.memory_space<hbm>>
        tpu.wait_dma2 semaphore(%run_scoped3A : memref<!tpu.dma_semaphore, #tpu.memory_space<semaphore_mem>>) src(%dma_wait3A_101 : memref<124x80xi32, #tpu.memory_space<hbm>>) dst(%dma_wait3A_97 : memref<124x80xi32, #tpu.memory_space<vmem>>)
        tpu.yield
      }) : () -> ()
    } else {
    }
    %barrier3A = arith.constant 0 : index
    tpu.barrier barrier_id(%barrier3A)
    %dma_start3A = arith.constant 0 : i32
    %dma_start3A_8 = arith.constant 0 : i32
    %dma_start3A_9 = tpu.memref_slice %arg7[%dma_start3A, %dma_start3A_8] : memref<126x80xi32, #tpu.memory_space<vmem>> -> memref<1x80xi32, #tpu.memory_space<vmem>>
    %dma_start3A_10 = tpu.memref_squeeze %dma_start3A_9 : memref<1x80xi32, #tpu.memory_space<vmem>> -> memref<80xi32, #tpu.memory_space<vmem>>
    %dma_start3A_11 = arith.constant 0 : i32
    %dma_start3A_12 = arith.constant 0 : i32
    %dma_start3A_13 = tpu.memref_slice %arg2[%dma_start3A_11, %dma_start3A_12] : memref<10000x32xf32, #tpu.memory_space<hbm>> -> memref<10000x32xf32, #tpu.memory_space<hbm>>
    tpu.enqueue_indirect_dma source(%dma_start3A_13 : memref<10000x32xf32, #tpu.memory_space<hbm>>) target(%arg9 : memref<80x32xf32, #tpu.memory_space<vmem>>) offsets(%dma_start3A_10 : memref<80xi32, #tpu.memory_space<vmem>>) semaphore(%arg12 : memref<!tpu.dma_semaphore, #tpu.memory_space<semaphore_mem>>)
    %dma_start3A_14 = arith.constant 1 : i32
    %dma_start3A_15 = arith.constant 0 : i32
    %dma_start3A_16 = tpu.memref_slice %arg7[%dma_start3A_14, %dma_start3A_15] : memref<126x80xi32, #tpu.memory_space<vmem>> -> memref<1x80xi32, #tpu.memory_space<vmem>>
    %dma_start3A_17 = tpu.memref_squeeze %dma_start3A_16 : memref<1x80xi32, #tpu.memory_space<vmem>> -> memref<80xi32, #tpu.memory_space<vmem>>
    %dma_start3A_18 = arith.constant 0 : i32
    %dma_start3A_19 = arith.constant 0 : i32
    %dma_start3A_20 = tpu.memref_slice %arg2[%dma_start3A_18, %dma_start3A_19] : memref<10000x32xf32, #tpu.memory_space<hbm>> -> memref<10000x32xf32, #tpu.memory_space<hbm>>
    tpu.enqueue_indirect_dma source(%dma_start3A_20 : memref<10000x32xf32, #tpu.memory_space<hbm>>) target(%arg10 : memref<80x32xf32, #tpu.memory_space<vmem>>) offsets(%dma_start3A_17 : memref<80xi32, #tpu.memory_space<vmem>>) semaphore(%arg13 : memref<!tpu.dma_semaphore, #tpu.memory_space<semaphore_mem>>)
    %jit3A_21 = arith.constant 2 : i32
    %div3A = arith.divsi %select_n3A, %jit3A_21 : i32
    %sign3A = arith.constant 0 : i32
    %sign3A_22 = arith.cmpi sgt, %select_n3A, %sign3A : i32
    %sign3A_23 = arith.extui %sign3A_22 : i1 to i32
    %sign3A_24 = arith.constant 0 : i32
    %sign3A_25 = arith.cmpi slt, %select_n3A, %sign3A_24 : i32
    %sign3A_26 = arith.extui %sign3A_25 : i1 to i32
    %sign3A_27 = arith.subi %sign3A_23, %sign3A_26 : i32
    %sign3A_28 = arith.constant 0 : i32
    %sign3A_29 = arith.cmpi sgt, %jit3A_21, %sign3A_28 : i32
    %sign3A_30 = arith.extui %sign3A_29 : i1 to i32
    %sign3A_31 = arith.constant 0 : i32
    %sign3A_32 = arith.cmpi slt, %jit3A_21, %sign3A_31 : i32
    %sign3A_33 = arith.extui %sign3A_32 : i1 to i32
    %sign3A_34 = arith.subi %sign3A_30, %sign3A_33 : i32
    %ne3A = arith.cmpi ne, %sign3A_27, %sign3A_34 : i32
    %rem3A = arith.remsi %select_n3A, %jit3A_21 : i32
    %ne3A_35 = arith.constant 0 : i32
    %ne3A_36 = arith.cmpi ne, %rem3A, %ne3A_35 : i32
    %and3A = arith.andi %ne3A, %ne3A_36 : i1
    %sub3A = arith.constant 1 : i32
    %sub3A_37 = arith.subi %div3A, %sub3A : i32
    %select_n3A_38 = arith.select %and3A, %sub3A_37, %div3A : i32
    %sub3A_39 = arith.constant 1 : i32
    %sub3A_40 = arith.subi %select_n3A_38, %sub3A_39 : i32
    %while3A = arith.constant 0 : i32
    %while3A_41 = arith.constant 0 : i32
    %while3A_42 = arith.subi %sub3A_40, %while3A_41 : i32
    %while3A_43 = arith.addi %while3A_41, %while3A_42 : i32
    %while3A_44 = arith.constant 1 : i32
    %while3A_45 = arith.divsi %while3A_42, %while3A_44 : i32
    %while3A_46 = arith.muli %while3A_45, %while3A_44 : i32
    %while3A_47 = arith.addi %while3A_41, %while3A_46 : i32
    %while3A_48 = arith.constant 1 : i32
    scf.for %while3A_74 = %while3A_41 to %while3A_47 step %while3A_48  : i32 {
      %mul3A_75 = arith.constant 2 : i32
      %mul3A_76 = arith.muli %mul3A_75, %while3A_74 : i32
      %dma_wait3A_77 = arith.constant 0 : i32
      %dma_wait3A_78 = arith.constant 0 : i32
      %dma_wait3A_79 = tpu.memref_slice %arg7[%dma_wait3A_77, %dma_wait3A_78] : memref<126x80xi32, #tpu.memory_space<vmem>> -> memref<1x80xi32, #tpu.memory_space<vmem>>
      %dma_wait3A_80 = tpu.memref_squeeze %dma_wait3A_79 : memref<1x80xi32, #tpu.memory_space<vmem>> -> memref<80xi32, #tpu.memory_space<vmem>>
      %dma_wait3A_81 = arith.constant 0 : i32
      %dma_wait3A_82 = arith.constant 0 : i32
      %dma_wait3A_83 = tpu.memref_slice %arg2[%dma_wait3A_81, %dma_wait3A_82] : memref<10000x32xf32, #tpu.memory_space<hbm>> -> memref<10000x32xf32, #tpu.memory_space<hbm>>
      tpu.wait_indirect_dma semaphore(%arg12 : memref<!tpu.dma_semaphore, #tpu.memory_space<semaphore_mem>>) src(%dma_wait3A_83 : memref<10000x32xf32, #tpu.memory_space<hbm>>) dst(%arg9 : memref<80x32xf32, #tpu.memory_space<vmem>>)
      %add3A_84 = arith.constant 0 : i32
      %add3A_85 = arith.addi %mul3A_76, %add3A_84 : i32
      "tpu.region"() ({
        %run_scoped3A = tpu.sem_alloc : memref<!tpu.dma_semaphore, #tpu.memory_space<semaphore_mem>>
        %dma_start3A_115 = arith.constant 0 : i32
        %dma_start3A_116 = tpu.memref_slice %arg8[%add3A_85, %dma_start3A_115] : memref<126x80xi32, #tpu.memory_space<vmem>> -> memref<1x80xi32, #tpu.memory_space<vmem>>
        %dma_start3A_117 = tpu.memref_squeeze %dma_start3A_116 : memref<1x80xi32, #tpu.memory_space<vmem>> -> memref<80xi32, #tpu.memory_space<vmem>>
        %dma_start3A_118 = arith.constant 0 : i32
        %dma_start3A_119 = arith.constant 0 : i32
        %dma_start3A_120 = tpu.memref_slice %arg11[%dma_start3A_118, %dma_start3A_119] : memref<10000x32xf32, #tpu.memory_space<vmem_shared>> -> memref<10000x32xf32, #tpu.memory_space<vmem_shared>>
        tpu.enqueue_indirect_dma source(%arg9 : memref<80x32xf32, #tpu.memory_space<vmem>>) target(%dma_start3A_120 : memref<10000x32xf32, #tpu.memory_space<vmem_shared>>) offsets(%dma_start3A_117 : memref<80xi32, #tpu.memory_space<vmem>>) semaphore(%run_scoped3A : memref<!tpu.dma_semaphore, #tpu.memory_space<semaphore_mem>>) {add = true}
        %dma_wait3A_121 = arith.constant 0 : i32
        %dma_wait3A_122 = tpu.memref_slice %arg8[%add3A_85, %dma_wait3A_121] : memref<126x80xi32, #tpu.memory_space<vmem>> -> memref<1x80xi32, #tpu.memory_space<vmem>>
        %dma_wait3A_123 = tpu.memref_squeeze %dma_wait3A_122 : memref<1x80xi32, #tpu.memory_space<vmem>> -> memref<80xi32, #tpu.memory_space<vmem>>
        %dma_wait3A_124 = arith.constant 0 : i32
        %dma_wait3A_125 = arith.constant 0 : i32
        %dma_wait3A_126 = tpu.memref_slice %arg11[%dma_wait3A_124, %dma_wait3A_125] : memref<10000x32xf32, #tpu.memory_space<vmem_shared>> -> memref<10000x32xf32, #tpu.memory_space<vmem_shared>>
        tpu.wait_indirect_dma semaphore(%run_scoped3A : memref<!tpu.dma_semaphore, #tpu.memory_space<semaphore_mem>>) src(%arg9 : memref<80x32xf32, #tpu.memory_space<vmem>>) dst(%dma_wait3A_126 : memref<10000x32xf32, #tpu.memory_space<vmem_shared>>)
        tpu.yield
      }) : () -> ()
      %add3A_86 = arith.constant 2 : i32
      %add3A_87 = arith.addi %mul3A_76, %add3A_86 : i32
      %add3A_88 = arith.constant 0 : i32
      %add3A_89 = arith.addi %add3A_87, %add3A_88 : i32
      %dma_start3A_90 = arith.constant 0 : i32
      %dma_start3A_91 = tpu.memref_slice %arg7[%add3A_89, %dma_start3A_90] : memref<126x80xi32, #tpu.memory_space<vmem>> -> memref<1x80xi32, #tpu.memory_space<vmem>>
      %dma_start3A_92 = tpu.memref_squeeze %dma_start3A_91 : memref<1x80xi32, #tpu.memory_space<vmem>> -> memref<80xi32, #tpu.memory_space<vmem>>
      %dma_start3A_93 = arith.constant 0 : i32
      %dma_start3A_94 = arith.constant 0 : i32
      %dma_start3A_95 = tpu.memref_slice %arg2[%dma_start3A_93, %dma_start3A_94] : memref<10000x32xf32, #tpu.memory_space<hbm>> -> memref<10000x32xf32, #tpu.memory_space<hbm>>
      tpu.enqueue_indirect_dma source(%dma_start3A_95 : memref<10000x32xf32, #tpu.memory_space<hbm>>) target(%arg9 : memref<80x32xf32, #tpu.memory_space<vmem>>) offsets(%dma_start3A_92 : memref<80xi32, #tpu.memory_space<vmem>>) semaphore(%arg12 : memref<!tpu.dma_semaphore, #tpu.memory_space<semaphore_mem>>)
      %dma_wait3A_96 = arith.constant 0 : i32
      %dma_wait3A_97 = arith.constant 0 : i32
      %dma_wait3A_98 = tpu.memref_slice %arg7[%dma_wait3A_96, %dma_wait3A_97] : memref<126x80xi32, #tpu.memory_space<vmem>> -> memref<1x80xi32, #tpu.memory_space<vmem>>
      %dma_wait3A_99 = tpu.memref_squeeze %dma_wait3A_98 : memref<1x80xi32, #tpu.memory_space<vmem>> -> memref<80xi32, #tpu.memory_space<vmem>>
      %dma_wait3A_100 = arith.constant 0 : i32
      %dma_wait3A_101 = arith.constant 0 : i32
      %dma_wait3A_102 = tpu.memref_slice %arg2[%dma_wait3A_100, %dma_wait3A_101] : memref<10000x32xf32, #tpu.memory_space<hbm>> -> memref<10000x32xf32, #tpu.memory_space<hbm>>
      tpu.wait_indirect_dma semaphore(%arg13 : memref<!tpu.dma_semaphore, #tpu.memory_space<semaphore_mem>>) src(%dma_wait3A_102 : memref<10000x32xf32, #tpu.memory_space<hbm>>) dst(%arg10 : memref<80x32xf32, #tpu.memory_space<vmem>>)
      %add3A_103 = arith.constant 1 : i32
      %add3A_104 = arith.addi %mul3A_76, %add3A_103 : i32
      "tpu.region"() ({
        %run_scoped3A = tpu.sem_alloc : memref<!tpu.dma_semaphore, #tpu.memory_space<semaphore_mem>>
        %dma_start3A_115 = arith.constant 0 : i32
        %dma_start3A_116 = tpu.memref_slice %arg8[%add3A_104, %dma_start3A_115] : memref<126x80xi32, #tpu.memory_space<vmem>> -> memref<1x80xi32, #tpu.memory_space<vmem>>
        %dma_start3A_117 = tpu.memref_squeeze %dma_start3A_116 : memref<1x80xi32, #tpu.memory_space<vmem>> -> memref<80xi32, #tpu.memory_space<vmem>>
        %dma_start3A_118 = arith.constant 0 : i32
        %dma_start3A_119 = arith.constant 0 : i32
        %dma_start3A_120 = tpu.memref_slice %arg11[%dma_start3A_118, %dma_start3A_119] : memref<10000x32xf32, #tpu.memory_space<vmem_shared>> -> memref<10000x32xf32, #tpu.memory_space<vmem_shared>>
        tpu.enqueue_indirect_dma source(%arg10 : memref<80x32xf32, #tpu.memory_space<vmem>>) target(%dma_start3A_120 : memref<10000x32xf32, #tpu.memory_space<vmem_shared>>) offsets(%dma_start3A_117 : memref<80xi32, #tpu.memory_space<vmem>>) semaphore(%run_scoped3A : memref<!tpu.dma_semaphore, #tpu.memory_space<semaphore_mem>>) {add = true}
        %dma_wait3A_121 = arith.constant 0 : i32
        %dma_wait3A_122 = tpu.memref_slice %arg8[%add3A_104, %dma_wait3A_121] : memref<126x80xi32, #tpu.memory_space<vmem>> -> memref<1x80xi32, #tpu.memory_space<vmem>>
        %dma_wait3A_123 = tpu.memref_squeeze %dma_wait3A_122 : memref<1x80xi32, #tpu.memory_space<vmem>> -> memref<80xi32, #tpu.memory_space<vmem>>
        %dma_wait3A_124 = arith.constant 0 : i32
        %dma_wait3A_125 = arith.constant 0 : i32
        %dma_wait3A_126 = tpu.memref_slice %arg11[%dma_wait3A_124, %dma_wait3A_125] : memref<10000x32xf32, #tpu.memory_space<vmem_shared>> -> memref<10000x32xf32, #tpu.memory_space<vmem_shared>>
        tpu.wait_indirect_dma semaphore(%run_scoped3A : memref<!tpu.dma_semaphore, #tpu.memory_space<semaphore_mem>>) src(%arg10 : memref<80x32xf32, #tpu.memory_space<vmem>>) dst(%dma_wait3A_126 : memref<10000x32xf32, #tpu.memory_space<vmem_shared>>)
        tpu.yield
      }) : () -> ()
      %add3A_105 = arith.constant 2 : i32
      %add3A_106 = arith.addi %mul3A_76, %add3A_105 : i32
      %add3A_107 = arith.constant 1 : i32
      %add3A_108 = arith.addi %add3A_106, %add3A_107 : i32
      %dma_start3A_109 = arith.constant 0 : i32
      %dma_start3A_110 = tpu.memref_slice %arg7[%add3A_108, %dma_start3A_109] : memref<126x80xi32, #tpu.memory_space<vmem>> -> memref<1x80xi32, #tpu.memory_space<vmem>>
      %dma_start3A_111 = tpu.memref_squeeze %dma_start3A_110 : memref<1x80xi32, #tpu.memory_space<vmem>> -> memref<80xi32, #tpu.memory_space<vmem>>
      %dma_start3A_112 = arith.constant 0 : i32
      %dma_start3A_113 = arith.constant 0 : i32
      %dma_start3A_114 = tpu.memref_slice %arg2[%dma_start3A_112, %dma_start3A_113] : memref<10000x32xf32, #tpu.memory_space<hbm>> -> memref<10000x32xf32, #tpu.memory_space<hbm>>
      tpu.enqueue_indirect_dma source(%dma_start3A_114 : memref<10000x32xf32, #tpu.memory_space<hbm>>) target(%arg10 : memref<80x32xf32, #tpu.memory_space<vmem>>) offsets(%dma_start3A_111 : memref<80xi32, #tpu.memory_space<vmem>>) semaphore(%arg13 : memref<!tpu.dma_semaphore, #tpu.memory_space<semaphore_mem>>)
    }
    %while3A_49 = arith.constant 1 : i32
    scf.for %while3A_74 = %while3A_47 to %while3A_43 step %while3A_49  : i32 {
      %mul3A_75 = arith.constant 2 : i32
      %mul3A_76 = arith.muli %mul3A_75, %while3A_74 : i32
      %dma_wait3A_77 = arith.constant 0 : i32
      %dma_wait3A_78 = arith.constant 0 : i32
      %dma_wait3A_79 = tpu.memref_slice %arg7[%dma_wait3A_77, %dma_wait3A_78] : memref<126x80xi32, #tpu.memory_space<vmem>> -> memref<1x80xi32, #tpu.memory_space<vmem>>
      %dma_wait3A_80 = tpu.memref_squeeze %dma_wait3A_79 : memref<1x80xi32, #tpu.memory_space<vmem>> -> memref<80xi32, #tpu.memory_space<vmem>>
      %dma_wait3A_81 = arith.constant 0 : i32
      %dma_wait3A_82 = arith.constant 0 : i32
      %dma_wait3A_83 = tpu.memref_slice %arg2[%dma_wait3A_81, %dma_wait3A_82] : memref<10000x32xf32, #tpu.memory_space<hbm>> -> memref<10000x32xf32, #tpu.memory_space<hbm>>
      tpu.wait_indirect_dma semaphore(%arg12 : memref<!tpu.dma_semaphore, #tpu.memory_space<semaphore_mem>>) src(%dma_wait3A_83 : memref<10000x32xf32, #tpu.memory_space<hbm>>) dst(%arg9 : memref<80x32xf32, #tpu.memory_space<vmem>>)
      %add3A_84 = arith.constant 0 : i32
      %add3A_85 = arith.addi %mul3A_76, %add3A_84 : i32
      "tpu.region"() ({
        %run_scoped3A = tpu.sem_alloc : memref<!tpu.dma_semaphore, #tpu.memory_space<semaphore_mem>>
        %dma_start3A_115 = arith.constant 0 : i32
        %dma_start3A_116 = tpu.memref_slice %arg8[%add3A_85, %dma_start3A_115] : memref<126x80xi32, #tpu.memory_space<vmem>> -> memref<1x80xi32, #tpu.memory_space<vmem>>
        %dma_start3A_117 = tpu.memref_squeeze %dma_start3A_116 : memref<1x80xi32, #tpu.memory_space<vmem>> -> memref<80xi32, #tpu.memory_space<vmem>>
        %dma_start3A_118 = arith.constant 0 : i32
        %dma_start3A_119 = arith.constant 0 : i32
        %dma_start3A_120 = tpu.memref_slice %arg11[%dma_start3A_118, %dma_start3A_119] : memref<10000x32xf32, #tpu.memory_space<vmem_shared>> -> memref<10000x32xf32, #tpu.memory_space<vmem_shared>>
        tpu.enqueue_indirect_dma source(%arg9 : memref<80x32xf32, #tpu.memory_space<vmem>>) target(%dma_start3A_120 : memref<10000x32xf32, #tpu.memory_space<vmem_shared>>) offsets(%dma_start3A_117 : memref<80xi32, #tpu.memory_space<vmem>>) semaphore(%run_scoped3A : memref<!tpu.dma_semaphore, #tpu.memory_space<semaphore_mem>>) {add = true}
        %dma_wait3A_121 = arith.constant 0 : i32
        %dma_wait3A_122 = tpu.memref_slice %arg8[%add3A_85, %dma_wait3A_121] : memref<126x80xi32, #tpu.memory_space<vmem>> -> memref<1x80xi32, #tpu.memory_space<vmem>>
        %dma_wait3A_123 = tpu.memref_squeeze %dma_wait3A_122 : memref<1x80xi32, #tpu.memory_space<vmem>> -> memref<80xi32, #tpu.memory_space<vmem>>
        %dma_wait3A_124 = arith.constant 0 : i32
        %dma_wait3A_125 = arith.constant 0 : i32
        %dma_wait3A_126 = tpu.memref_slice %arg11[%dma_wait3A_124, %dma_wait3A_125] : memref<10000x32xf32, #tpu.memory_space<vmem_shared>> -> memref<10000x32xf32, #tpu.memory_space<vmem_shared>>
        tpu.wait_indirect_dma semaphore(%run_scoped3A : memref<!tpu.dma_semaphore, #tpu.memory_space<semaphore_mem>>) src(%arg9 : memref<80x32xf32, #tpu.memory_space<vmem>>) dst(%dma_wait3A_126 : memref<10000x32xf32, #tpu.memory_space<vmem_shared>>)
        tpu.yield
      }) : () -> ()
      %add3A_86 = arith.constant 2 : i32
      %add3A_87 = arith.addi %mul3A_76, %add3A_86 : i32
      %add3A_88 = arith.constant 0 : i32
      %add3A_89 = arith.addi %add3A_87, %add3A_88 : i32
      %dma_start3A_90 = arith.constant 0 : i32
      %dma_start3A_91 = tpu.memref_slice %arg7[%add3A_89, %dma_start3A_90] : memref<126x80xi32, #tpu.memory_space<vmem>> -> memref<1x80xi32, #tpu.memory_space<vmem>>
      %dma_start3A_92 = tpu.memref_squeeze %dma_start3A_91 : memref<1x80xi32, #tpu.memory_space<vmem>> -> memref<80xi32, #tpu.memory_space<vmem>>
      %dma_start3A_93 = arith.constant 0 : i32
      %dma_start3A_94 = arith.constant 0 : i32
      %dma_start3A_95 = tpu.memref_slice %arg2[%dma_start3A_93, %dma_start3A_94] : memref<10000x32xf32, #tpu.memory_space<hbm>> -> memref<10000x32xf32, #tpu.memory_space<hbm>>
      tpu.enqueue_indirect_dma source(%dma_start3A_95 : memref<10000x32xf32, #tpu.memory_space<hbm>>) target(%arg9 : memref<80x32xf32, #tpu.memory_space<vmem>>) offsets(%dma_start3A_92 : memref<80xi32, #tpu.memory_space<vmem>>) semaphore(%arg12 : memref<!tpu.dma_semaphore, #tpu.memory_space<semaphore_mem>>)
      %dma_wait3A_96 = arith.constant 0 : i32
      %dma_wait3A_97 = arith.constant 0 : i32
      %dma_wait3A_98 = tpu.memref_slice %arg7[%dma_wait3A_96, %dma_wait3A_97] : memref<126x80xi32, #tpu.memory_space<vmem>> -> memref<1x80xi32, #tpu.memory_space<vmem>>
      %dma_wait3A_99 = tpu.memref_squeeze %dma_wait3A_98 : memref<1x80xi32, #tpu.memory_space<vmem>> -> memref<80xi32, #tpu.memory_space<vmem>>
      %dma_wait3A_100 = arith.constant 0 : i32
      %dma_wait3A_101 = arith.constant 0 : i32
      %dma_wait3A_102 = tpu.memref_slice %arg2[%dma_wait3A_100, %dma_wait3A_101] : memref<10000x32xf32, #tpu.memory_space<hbm>> -> memref<10000x32xf32, #tpu.memory_space<hbm>>
      tpu.wait_indirect_dma semaphore(%arg13 : memref<!tpu.dma_semaphore, #tpu.memory_space<semaphore_mem>>) src(%dma_wait3A_102 : memref<10000x32xf32, #tpu.memory_space<hbm>>) dst(%arg10 : memref<80x32xf32, #tpu.memory_space<vmem>>)
      %add3A_103 = arith.constant 1 : i32
      %add3A_104 = arith.addi %mul3A_76, %add3A_103 : i32
      "tpu.region"() ({
        %run_scoped3A = tpu.sem_alloc : memref<!tpu.dma_semaphore, #tpu.memory_space<semaphore_mem>>
        %dma_start3A_115 = arith.constant 0 : i32
        %dma_start3A_116 = tpu.memref_slice %arg8[%add3A_104, %dma_start3A_115] : memref<126x80xi32, #tpu.memory_space<vmem>> -> memref<1x80xi32, #tpu.memory_space<vmem>>
        %dma_start3A_117 = tpu.memref_squeeze %dma_start3A_116 : memref<1x80xi32, #tpu.memory_space<vmem>> -> memref<80xi32, #tpu.memory_space<vmem>>
        %dma_start3A_118 = arith.constant 0 : i32
        %dma_start3A_119 = arith.constant 0 : i32
        %dma_start3A_120 = tpu.memref_slice %arg11[%dma_start3A_118, %dma_start3A_119] : memref<10000x32xf32, #tpu.memory_space<vmem_shared>> -> memref<10000x32xf32, #tpu.memory_space<vmem_shared>>
        tpu.enqueue_indirect_dma source(%arg10 : memref<80x32xf32, #tpu.memory_space<vmem>>) target(%dma_start3A_120 : memref<10000x32xf32, #tpu.memory_space<vmem_shared>>) offsets(%dma_start3A_117 : memref<80xi32, #tpu.memory_space<vmem>>) semaphore(%run_scoped3A : memref<!tpu.dma_semaphore, #tpu.memory_space<semaphore_mem>>) {add = true}
        %dma_wait3A_121 = arith.constant 0 : i32
        %dma_wait3A_122 = tpu.memref_slice %arg8[%add3A_104, %dma_wait3A_121] : memref<126x80xi32, #tpu.memory_space<vmem>> -> memref<1x80xi32, #tpu.memory_space<vmem>>
        %dma_wait3A_123 = tpu.memref_squeeze %dma_wait3A_122 : memref<1x80xi32, #tpu.memory_space<vmem>> -> memref<80xi32, #tpu.memory_space<vmem>>
        %dma_wait3A_124 = arith.constant 0 : i32
        %dma_wait3A_125 = arith.constant 0 : i32
        %dma_wait3A_126 = tpu.memref_slice %arg11[%dma_wait3A_124, %dma_wait3A_125] : memref<10000x32xf32, #tpu.memory_space<vmem_shared>> -> memref<10000x32xf32, #tpu.memory_space<vmem_shared>>
        tpu.wait_indirect_dma semaphore(%run_scoped3A : memref<!tpu.dma_semaphore, #tpu.memory_space<semaphore_mem>>) src(%arg10 : memref<80x32xf32, #tpu.memory_space<vmem>>) dst(%dma_wait3A_126 : memref<10000x32xf32, #tpu.memory_space<vmem_shared>>)
        tpu.yield
      }) : () -> ()
      %add3A_105 = arith.constant 2 : i32
      %add3A_106 = arith.addi %mul3A_76, %add3A_105 : i32
      %add3A_107 = arith.constant 1 : i32
      %add3A_108 = arith.addi %add3A_106, %add3A_107 : i32
      %dma_start3A_109 = arith.constant 0 : i32
      %dma_start3A_110 = tpu.memref_slice %arg7[%add3A_108, %dma_start3A_109] : memref<126x80xi32, #tpu.memory_space<vmem>> -> memref<1x80xi32, #tpu.memory_space<vmem>>
      %dma_start3A_111 = tpu.memref_squeeze %dma_start3A_110 : memref<1x80xi32, #tpu.memory_space<vmem>> -> memref<80xi32, #tpu.memory_space<vmem>>
      %dma_start3A_112 = arith.constant 0 : i32
      %dma_start3A_113 = arith.constant 0 : i32
      %dma_start3A_114 = tpu.memref_slice %arg2[%dma_start3A_112, %dma_start3A_113] : memref<10000x32xf32, #tpu.memory_space<hbm>> -> memref<10000x32xf32, #tpu.memory_space<hbm>>
      tpu.enqueue_indirect_dma source(%dma_start3A_114 : memref<10000x32xf32, #tpu.memory_space<hbm>>) target(%arg10 : memref<80x32xf32, #tpu.memory_space<vmem>>) offsets(%dma_start3A_111 : memref<80xi32, #tpu.memory_space<vmem>>) semaphore(%arg13 : memref<!tpu.dma_semaphore, #tpu.memory_space<semaphore_mem>>)
    }
    %dma_wait3A = arith.constant 0 : i32
    %dma_wait3A_50 = arith.constant 0 : i32
    %dma_wait3A_51 = tpu.memref_slice %arg7[%dma_wait3A, %dma_wait3A_50] : memref<126x80xi32, #tpu.memory_space<vmem>> -> memref<1x80xi32, #tpu.memory_space<vmem>>
    %dma_wait3A_52 = tpu.memref_squeeze %dma_wait3A_51 : memref<1x80xi32, #tpu.memory_space<vmem>> -> memref<80xi32, #tpu.memory_space<vmem>>
    %dma_wait3A_53 = arith.constant 0 : i32
    %dma_wait3A_54 = arith.constant 0 : i32
    %dma_wait3A_55 = tpu.memref_slice %arg2[%dma_wait3A_53, %dma_wait3A_54] : memref<10000x32xf32, #tpu.memory_space<hbm>> -> memref<10000x32xf32, #tpu.memory_space<hbm>>
    tpu.wait_indirect_dma semaphore(%arg12 : memref<!tpu.dma_semaphore, #tpu.memory_space<semaphore_mem>>) src(%dma_wait3A_55 : memref<10000x32xf32, #tpu.memory_space<hbm>>) dst(%arg9 : memref<80x32xf32, #tpu.memory_space<vmem>>)
    %sub3A_56 = arith.constant 2 : i32
    %sub3A_57 = arith.subi %select_n3A, %sub3A_56 : i32
    %add3A = arith.constant 0 : i32
    %add3A_58 = arith.addi %sub3A_57, %add3A : i32
    "tpu.region"() ({
      %run_scoped3A = tpu.sem_alloc : memref<!tpu.dma_semaphore, #tpu.memory_space<semaphore_mem>>
      %dma_start3A_74 = arith.constant 0 : i32
      %dma_start3A_75 = tpu.memref_slice %arg8[%add3A_58, %dma_start3A_74] : memref<126x80xi32, #tpu.memory_space<vmem>> -> memref<1x80xi32, #tpu.memory_space<vmem>>
      %dma_start3A_76 = tpu.memref_squeeze %dma_start3A_75 : memref<1x80xi32, #tpu.memory_space<vmem>> -> memref<80xi32, #tpu.memory_space<vmem>>
      %dma_start3A_77 = arith.constant 0 : i32
      %dma_start3A_78 = arith.constant 0 : i32
      %dma_start3A_79 = tpu.memref_slice %arg11[%dma_start3A_77, %dma_start3A_78] : memref<10000x32xf32, #tpu.memory_space<vmem_shared>> -> memref<10000x32xf32, #tpu.memory_space<vmem_shared>>
      tpu.enqueue_indirect_dma source(%arg9 : memref<80x32xf32, #tpu.memory_space<vmem>>) target(%dma_start3A_79 : memref<10000x32xf32, #tpu.memory_space<vmem_shared>>) offsets(%dma_start3A_76 : memref<80xi32, #tpu.memory_space<vmem>>) semaphore(%run_scoped3A : memref<!tpu.dma_semaphore, #tpu.memory_space<semaphore_mem>>) {add = true}
      %dma_wait3A_80 = arith.constant 0 : i32
      %dma_wait3A_81 = tpu.memref_slice %arg8[%add3A_58, %dma_wait3A_80] : memref<126x80xi32, #tpu.memory_space<vmem>> -> memref<1x80xi32, #tpu.memory_space<vmem>>
      %dma_wait3A_82 = tpu.memref_squeeze %dma_wait3A_81 : memref<1x80xi32, #tpu.memory_space<vmem>> -> memref<80xi32, #tpu.memory_space<vmem>>
      %dma_wait3A_83 = arith.constant 0 : i32
      %dma_wait3A_84 = arith.constant 0 : i32
      %dma_wait3A_85 = tpu.memref_slice %arg11[%dma_wait3A_83, %dma_wait3A_84] : memref<10000x32xf32, #tpu.memory_space<vmem_shared>> -> memref<10000x32xf32, #tpu.memory_space<vmem_shared>>
      tpu.wait_indirect_dma semaphore(%run_scoped3A : memref<!tpu.dma_semaphore, #tpu.memory_space<semaphore_mem>>) src(%arg9 : memref<80x32xf32, #tpu.memory_space<vmem>>) dst(%dma_wait3A_85 : memref<10000x32xf32, #tpu.memory_space<vmem_shared>>)
      tpu.yield
    }) : () -> ()
    %dma_wait3A_59 = arith.constant 0 : i32
    %dma_wait3A_60 = arith.constant 0 : i32
    %dma_wait3A_61 = tpu.memref_slice %arg7[%dma_wait3A_59, %dma_wait3A_60] : memref<126x80xi32, #tpu.memory_space<vmem>> -> memref<1x80xi32, #tpu.memory_space<vmem>>
    %dma_wait3A_62 = tpu.memref_squeeze %dma_wait3A_61 : memref<1x80xi32, #tpu.memory_space<vmem>> -> memref<80xi32, #tpu.memory_space<vmem>>
    %dma_wait3A_63 = arith.constant 0 : i32
    %dma_wait3A_64 = arith.constant 0 : i32
    %dma_wait3A_65 = tpu.memref_slice %arg2[%dma_wait3A_63, %dma_wait3A_64] : memref<10000x32xf32, #tpu.memory_space<hbm>> -> memref<10000x32xf32, #tpu.memory_space<hbm>>
    tpu.wait_indirect_dma semaphore(%arg13 : memref<!tpu.dma_semaphore, #tpu.memory_space<semaphore_mem>>) src(%dma_wait3A_65 : memref<10000x32xf32, #tpu.memory_space<hbm>>) dst(%arg10 : memref<80x32xf32, #tpu.memory_space<vmem>>)
    %sub3A_66 = arith.constant 2 : i32
    %sub3A_67 = arith.subi %select_n3A, %sub3A_66 : i32
    %add3A_68 = arith.constant 1 : i32
    %add3A_69 = arith.addi %sub3A_67, %add3A_68 : i32
    "tpu.region"() ({
      %run_scoped3A = tpu.sem_alloc : memref<!tpu.dma_semaphore, #tpu.memory_space<semaphore_mem>>
      %dma_start3A_74 = arith.constant 0 : i32
      %dma_start3A_75 = tpu.memref_slice %arg8[%add3A_69, %dma_start3A_74] : memref<126x80xi32, #tpu.memory_space<vmem>> -> memref<1x80xi32, #tpu.memory_space<vmem>>
      %dma_start3A_76 = tpu.memref_squeeze %dma_start3A_75 : memref<1x80xi32, #tpu.memory_space<vmem>> -> memref<80xi32, #tpu.memory_space<vmem>>
      %dma_start3A_77 = arith.constant 0 : i32
      %dma_start3A_78 = arith.constant 0 : i32
      %dma_start3A_79 = tpu.memref_slice %arg11[%dma_start3A_77, %dma_start3A_78] : memref<10000x32xf32, #tpu.memory_space<vmem_shared>> -> memref<10000x32xf32, #tpu.memory_space<vmem_shared>>
      tpu.enqueue_indirect_dma source(%arg10 : memref<80x32xf32, #tpu.memory_space<vmem>>) target(%dma_start3A_79 : memref<10000x32xf32, #tpu.memory_space<vmem_shared>>) offsets(%dma_start3A_76 : memref<80xi32, #tpu.memory_space<vmem>>) semaphore(%run_scoped3A : memref<!tpu.dma_semaphore, #tpu.memory_space<semaphore_mem>>) {add = true}
      %dma_wait3A_80 = arith.constant 0 : i32
      %dma_wait3A_81 = tpu.memref_slice %arg8[%add3A_69, %dma_wait3A_80] : memref<126x80xi32, #tpu.memory_space<vmem>> -> memref<1x80xi32, #tpu.memory_space<vmem>>
      %dma_wait3A_82 = tpu.memref_squeeze %dma_wait3A_81 : memref<1x80xi32, #tpu.memory_space<vmem>> -> memref<80xi32, #tpu.memory_space<vmem>>
      %dma_wait3A_83 = arith.constant 0 : i32
      %dma_wait3A_84 = arith.constant 0 : i32
      %dma_wait3A_85 = tpu.memref_slice %arg11[%dma_wait3A_83, %dma_wait3A_84] : memref<10000x32xf32, #tpu.memory_space<vmem_shared>> -> memref<10000x32xf32, #tpu.memory_space<vmem_shared>>
      tpu.wait_indirect_dma semaphore(%run_scoped3A : memref<!tpu.dma_semaphore, #tpu.memory_space<semaphore_mem>>) src(%arg10 : memref<80x32xf32, #tpu.memory_space<vmem>>) dst(%dma_wait3A_85 : memref<10000x32xf32, #tpu.memory_space<vmem_shared>>)
      tpu.yield
    }) : () -> ()
    %barrier3A_70 = arith.constant 0 : index
    tpu.barrier barrier_id(%barrier3A_70)
    %mul3A_71 = arith.constant 10000 : i32
    %mul3A_72 = arith.muli %arg0, %mul3A_71 : i32
    %add3A_73 = arith.addi %mul3A_72, %mul3A_2 : i32
    "tpu.region"() ({
      %run_scoped3A = tpu.sem_alloc : memref<!tpu.dma_semaphore, #tpu.memory_space<semaphore_mem>>
      %dma_start3A_74 = arith.constant 0 : i32
      %dma_start3A_75 = tpu.memref_slice %arg6[%add3A_73, %dma_start3A_74] : memref<20000x128xf32, #tpu.memory_space<hbm>> -> memref<625x32xf32, #tpu.memory_space<hbm>>
      %dma_start3A_76 = arith.constant 0 : i32
      %dma_start3A_77 = tpu.memref_slice %arg11[%mul3A_2, %dma_start3A_76] : memref<10000x32xf32, #tpu.memory_space<vmem_shared>> -> memref<625x32xf32, #tpu.memory_space<vmem_shared>>
      tpu.enqueue_dma source(%dma_start3A_77 : memref<625x32xf32, #tpu.memory_space<vmem_shared>>) target(%dma_start3A_75 : memref<625x32xf32, #tpu.memory_space<hbm>>) target_semaphore(%run_scoped3A : memref<!tpu.dma_semaphore, #tpu.memory_space<semaphore_mem>>)
      %dma_wait3A_78 = arith.constant 0 : i32
      %dma_wait3A_79 = tpu.memref_slice %arg6[%add3A_73, %dma_wait3A_78] : memref<20000x128xf32, #tpu.memory_space<hbm>> -> memref<625x32xf32, #tpu.memory_space<hbm>>
      %dma_wait3A_80 = arith.constant 0 : i32
      %dma_wait3A_81 = tpu.memref_slice %arg11[%mul3A_2, %dma_wait3A_80] : memref<10000x32xf32, #tpu.memory_space<vmem_shared>> -> memref<625x32xf32, #tpu.memory_space<vmem_shared>>
      tpu.wait_dma2 semaphore(%run_scoped3A : memref<!tpu.dma_semaphore, #tpu.memory_space<semaphore_mem>>) src(%dma_wait3A_81 : memref<625x32xf32, #tpu.memory_space<vmem_shared>>) dst(%dma_wait3A_79 : memref<625x32xf32, #tpu.memory_space<hbm>>)
      tpu.yield
    }) : () -> ()
    return
  }
}

module attributes {stable_mosaic.version = 14 : i64} {
  func.func @body(%arg0: i32, %arg1: memref<2000x128xf32, #tpu.memory_space<vmem>>, %arg2: memref<2000x128xf32, #tpu.memory_space<vmem>>, %arg3: memref<2000x128xf32, #tpu.memory_space<vmem>>, %arg4: memref<128x32xf32, #tpu.memory_space<vmem>>, %arg5: memref<1x32xf32, #tpu.memory_space<vmem>>, %arg6: memref<32x32xf32, #tpu.memory_space<vmem>>, %arg7: memref<1x32xf32, #tpu.memory_space<vmem>>, %arg8: memref<1x32xf32, #tpu.memory_space<vmem>>, %arg9: memref<1x32xf32, #tpu.memory_space<vmem>>, %arg10: memref<2000x32xf32, #tpu.memory_space<vmem>>) attributes {dimension_semantics = [#tpu.dimension_semantics<arbitrary>], iteration_bounds = array<i64: 5>, scalar_prefetch = 0 : i64, scratch_operands = 0 : i64, tpu.core_type = #tpu.core_type<tc>, window_params = [{transform_indices = @transform_0, window_bounds = array<i64: 2000, 128>}, {transform_indices = @transform_1, window_bounds = array<i64: 2000, 128>}, {transform_indices = @transform_2, window_bounds = array<i64: 2000, 128>}, {pipeline_mode = #tpu.pipeline_mode<synchronous>, transform_indices = @transform_3, window_bounds = array<i64: 128, 32>}, {pipeline_mode = #tpu.pipeline_mode<synchronous>, transform_indices = @transform_4, window_bounds = array<i64: 1, 32>}, {pipeline_mode = #tpu.pipeline_mode<synchronous>, transform_indices = @transform_5, window_bounds = array<i64: 32, 32>}, {pipeline_mode = #tpu.pipeline_mode<synchronous>, transform_indices = @transform_6, window_bounds = array<i64: 1, 32>}, {pipeline_mode = #tpu.pipeline_mode<synchronous>, transform_indices = @transform_7, window_bounds = array<i64: 1, 32>}, {pipeline_mode = #tpu.pipeline_mode<synchronous>, transform_indices = @transform_8, window_bounds = array<i64: 1, 32>}, {transform_indices = @transform_9, window_bounds = array<i64: 2000, 32>}]} {
    %get3A = arith.constant 0 : index
    %get3A_0 = arith.constant 0 : index
    %get3A_1 = vector.load %arg3[%get3A, %get3A_0] : memref<2000x128xf32, #tpu.memory_space<vmem>>, vector<2000x128xf32>
    %get3A_2 = arith.constant 0 : index
    %get3A_3 = arith.constant 0 : index
    %get3A_4 = vector.load %arg1[%get3A_2, %get3A_3] : memref<2000x128xf32, #tpu.memory_space<vmem>>, vector<2000x128xf32>
    %add3A = arith.addf %get3A_1, %get3A_4 : vector<2000x128xf32>
    %get3A_5 = arith.constant 0 : index
    %get3A_6 = arith.constant 0 : index
    %get3A_7 = vector.load %arg2[%get3A_5, %get3A_6] : memref<2000x128xf32, #tpu.memory_space<vmem>>, vector<2000x128xf32>
    %add3A_8 = arith.addf %add3A, %get3A_7 : vector<2000x128xf32>
    %get3A_9 = arith.constant 0 : index
    %get3A_10 = arith.constant 0 : index
    %get3A_11 = vector.load %arg4[%get3A_9, %get3A_10] : memref<128x32xf32, #tpu.memory_space<vmem>>, vector<128x32xf32>
    %dot_general3A = arith.constant dense<0.000000e+00> : vector<2000x32xf32>
    %dot_general3A_12 = tpu.matmul %add3A_8, %get3A_11, %dot_general3A {dimension_numbers = #tpu.dot_dimension_numbers<[1], [0], [0], [1], [0, 0, 1, 1], [], []>, transpose_lhs_hint = false} : vector<2000x128xf32>, vector<128x32xf32>, vector<2000x32xf32> -> vector<2000x32xf32>
    %get3A_13 = arith.constant 0 : index
    %get3A_14 = arith.constant 0 : index
    %get3A_15 = vector.load %arg5[%get3A_13, %get3A_14] : memref<1x32xf32, #tpu.memory_space<vmem>>, vector<1x32xf32>
    %add3A_16 = vector.broadcast %get3A_15 : vector<1x32xf32> to vector<2000x32xf32>
    %add3A_17 = arith.addf %dot_general3A_12, %add3A_16 : vector<2000x32xf32>
    %max3A = arith.constant 0.000000e+00 : f32
    %max3A_18 = vector.broadcast %max3A : f32 to vector<2000x32xf32>
    %max3A_19 = arith.maximumf %add3A_17, %max3A_18 : vector<2000x32xf32>
    %get3A_20 = arith.constant 0 : index
    %get3A_21 = arith.constant 0 : index
    %get3A_22 = vector.load %arg6[%get3A_20, %get3A_21] : memref<32x32xf32, #tpu.memory_space<vmem>>, vector<32x32xf32>
    %dot_general3A_23 = arith.constant dense<0.000000e+00> : vector<2000x32xf32>
    %dot_general3A_24 = tpu.matmul %max3A_19, %get3A_22, %dot_general3A_23 {dimension_numbers = #tpu.dot_dimension_numbers<[1], [0], [0], [1], [0, 0, 1, 1], [], []>, transpose_lhs_hint = false} : vector<2000x32xf32>, vector<32x32xf32>, vector<2000x32xf32> -> vector<2000x32xf32>
    %get3A_25 = arith.constant 0 : index
    %get3A_26 = arith.constant 0 : index
    %get3A_27 = vector.load %arg7[%get3A_25, %get3A_26] : memref<1x32xf32, #tpu.memory_space<vmem>>, vector<1x32xf32>
    %add3A_28 = vector.broadcast %get3A_27 : vector<1x32xf32> to vector<2000x32xf32>
    %add3A_29 = arith.addf %dot_general3A_24, %add3A_28 : vector<2000x32xf32>
    %max3A_30 = arith.constant 0.000000e+00 : f32
    %max3A_31 = vector.broadcast %max3A_30 : f32 to vector<2000x32xf32>
    %max3A_32 = arith.maximumf %add3A_29, %max3A_31 : vector<2000x32xf32>
    %get3A_33 = arith.constant 0 : index
    %get3A_34 = arith.constant 0 : index
    %get3A_35 = vector.load %arg8[%get3A_33, %get3A_34] : memref<1x32xf32, #tpu.memory_space<vmem>>, vector<1x32xf32>
    %mul3A = arith.constant 0.999994993 : f32
    %mul3A_36 = vector.broadcast %mul3A : f32 to vector<1x32xf32>
    %mul3A_37 = arith.mulf %get3A_35, %mul3A_36 : vector<1x32xf32>
    %mul3A_38 = vector.broadcast %mul3A_37 : vector<1x32xf32> to vector<2000x32xf32>
    %mul3A_39 = arith.mulf %max3A_32, %mul3A_38 : vector<2000x32xf32>
    %get3A_40 = arith.constant 0 : index
    %get3A_41 = arith.constant 0 : index
    %get3A_42 = vector.load %arg9[%get3A_40, %get3A_41] : memref<1x32xf32, #tpu.memory_space<vmem>>, vector<1x32xf32>
    %add3A_43 = vector.broadcast %get3A_42 : vector<1x32xf32> to vector<2000x32xf32>
    %add3A_44 = arith.addf %mul3A_39, %add3A_43 : vector<2000x32xf32>
    %swap3A = arith.constant 0 : index
    %swap3A_45 = arith.constant 0 : index
    %swap3A_46 = vector.load %arg10[%swap3A, %swap3A_45] : memref<2000x32xf32, #tpu.memory_space<vmem>>, vector<2000x32xf32>
    tpu.vector_store %arg10[%swap3A, %swap3A_45], %add3A_44 {strides = array<i32>} : memref<2000x32xf32, #tpu.memory_space<vmem>>, vector<2000x32xf32>,
    return
  }
  func.func @transform_0(%arg0: i32) -> (i32, i32) {
    %c0_i32 = arith.constant 0 : i32
    %c0_i32_0 = arith.constant 0 : i32
    return %arg0, %c0_i32 : i32, i32
  }
  func.func @transform_1(%arg0: i32) -> (i32, i32) {
    %add3A = arith.constant 5 : i32
    %add3A_0 = arith.addi %arg0, %add3A : i32
    %c0_i32 = arith.constant 0 : i32
    %c0_i32_1 = arith.constant 0 : i32
    return %add3A_0, %c0_i32 : i32, i32
  }
  func.func @transform_2(%arg0: i32) -> (i32, i32) {
    %c0_i32 = arith.constant 0 : i32
    %c0_i32_0 = arith.constant 0 : i32
    return %arg0, %c0_i32 : i32, i32
  }
  func.func @transform_3(%arg0: i32) -> (i32, i32) {
    %c0_i32 = arith.constant 0 : i32
    %c0_i32_0 = arith.constant 0 : i32
    %c0_i32_1 = arith.constant 0 : i32
    return %c0_i32, %c0_i32_0 : i32, i32
  }
  func.func @transform_4(%arg0: i32) -> (i32, i32) {
    %c0_i32 = arith.constant 0 : i32
    %c0_i32_0 = arith.constant 0 : i32
    %c0_i32_1 = arith.constant 0 : i32
    return %c0_i32, %c0_i32_0 : i32, i32
  }
  func.func @transform_5(%arg0: i32) -> (i32, i32) {
    %c0_i32 = arith.constant 0 : i32
    %c0_i32_0 = arith.constant 0 : i32
    %c0_i32_1 = arith.constant 0 : i32
    return %c0_i32, %c0_i32_0 : i32, i32
  }
  func.func @transform_6(%arg0: i32) -> (i32, i32) {
    %c0_i32 = arith.constant 0 : i32
    %c0_i32_0 = arith.constant 0 : i32
    %c0_i32_1 = arith.constant 0 : i32
    return %c0_i32, %c0_i32_0 : i32, i32
  }
  func.func @transform_7(%arg0: i32) -> (i32, i32) {
    %c0_i32 = arith.constant 0 : i32
    %c0_i32_0 = arith.constant 0 : i32
    %c0_i32_1 = arith.constant 0 : i32
    return %c0_i32, %c0_i32_0 : i32, i32
  }
  func.func @transform_8(%arg0: i32) -> (i32, i32) {
    %c0_i32 = arith.constant 0 : i32
    %c0_i32_0 = arith.constant 0 : i32
    %c0_i32_1 = arith.constant 0 : i32
    return %c0_i32, %c0_i32_0 : i32, i32
  }
  func.func @transform_9(%arg0: i32) -> (i32, i32) {
    %c0_i32 = arith.constant 0 : i32
    %c0_i32_0 = arith.constant 0 : i32
    return %arg0, %c0_i32 : i32, i32
  }
}

module attributes {stable_mosaic.version = 14 : i64} {
  func.func @body(%arg0: i32, %arg1: memref<2000x128xf32, #tpu.memory_space<vmem>>, %arg2: memref<2000x128xf32, #tpu.memory_space<vmem>>, %arg3: memref<2000x32xf32, #tpu.memory_space<vmem>>, %arg4: memref<32x32xf32, #tpu.memory_space<vmem>>, %arg5: memref<1x32xf32, #tpu.memory_space<vmem>>, %arg6: memref<32x32xf32, #tpu.memory_space<vmem>>, %arg7: memref<1x32xf32, #tpu.memory_space<vmem>>, %arg8: memref<1x32xf32, #tpu.memory_space<vmem>>, %arg9: memref<1x32xf32, #tpu.memory_space<vmem>>, %arg10: memref<2000x32xf32, #tpu.memory_space<vmem>>) attributes {dimension_semantics = [#tpu.dimension_semantics<arbitrary>], iteration_bounds = array<i64: 5>, scalar_prefetch = 0 : i64, scratch_operands = 0 : i64, tpu.core_type = #tpu.core_type<tc>, window_params = [{transform_indices = @transform_0, window_bounds = array<i64: 2000, 128>}, {transform_indices = @transform_1, window_bounds = array<i64: 2000, 128>}, {transform_indices = @transform_2, window_bounds = array<i64: 2000, 32>}, {pipeline_mode = #tpu.pipeline_mode<synchronous>, transform_indices = @transform_3, window_bounds = array<i64: 32, 32>}, {pipeline_mode = #tpu.pipeline_mode<synchronous>, transform_indices = @transform_4, window_bounds = array<i64: 1, 32>}, {pipeline_mode = #tpu.pipeline_mode<synchronous>, transform_indices = @transform_5, window_bounds = array<i64: 32, 32>}, {pipeline_mode = #tpu.pipeline_mode<synchronous>, transform_indices = @transform_6, window_bounds = array<i64: 1, 32>}, {pipeline_mode = #tpu.pipeline_mode<synchronous>, transform_indices = @transform_7, window_bounds = array<i64: 1, 32>}, {pipeline_mode = #tpu.pipeline_mode<synchronous>, transform_indices = @transform_8, window_bounds = array<i64: 1, 32>}, {transform_indices = @transform_9, window_bounds = array<i64: 2000, 32>}]} {
    %get3A = arith.constant 0 : index
    %get3A_0 = arith.constant 0 : index
    %get3A_1 = vector.load %arg3[%get3A, %get3A_0] : memref<2000x32xf32, #tpu.memory_space<vmem>>, vector<2000x32xf32>
    %get3A_2 = arith.constant 0 : index
    %get3A_3 = arith.constant 0 : index
    %get3A_4 = vector.load %arg1[%get3A_2, %get3A_3] : memref<2000x128xf32, #tpu.memory_space<vmem>>, vector<2000x32xf32>
    %add3A = arith.addf %get3A_1, %get3A_4 : vector<2000x32xf32>
    %get3A_5 = arith.constant 0 : index
    %get3A_6 = arith.constant 0 : index
    %get3A_7 = vector.load %arg2[%get3A_5, %get3A_6] : memref<2000x128xf32, #tpu.memory_space<vmem>>, vector<2000x32xf32>
    %add3A_8 = arith.addf %add3A, %get3A_7 : vector<2000x32xf32>
    %get3A_9 = arith.constant 0 : index
    %get3A_10 = arith.constant 0 : index
    %get3A_11 = vector.load %arg4[%get3A_9, %get3A_10] : memref<32x32xf32, #tpu.memory_space<vmem>>, vector<32x32xf32>
    %dot_general3A = arith.constant dense<0.000000e+00> : vector<2000x32xf32>
    %dot_general3A_12 = tpu.matmul %add3A_8, %get3A_11, %dot_general3A {dimension_numbers = #tpu.dot_dimension_numbers<[1], [0], [0], [1], [0, 0, 1, 1], [], []>, transpose_lhs_hint = false} : vector<2000x32xf32>, vector<32x32xf32>, vector<2000x32xf32> -> vector<2000x32xf32>
    %get3A_13 = arith.constant 0 : index
    %get3A_14 = arith.constant 0 : index
    %get3A_15 = vector.load %arg5[%get3A_13, %get3A_14] : memref<1x32xf32, #tpu.memory_space<vmem>>, vector<1x32xf32>
    %add3A_16 = vector.broadcast %get3A_15 : vector<1x32xf32> to vector<2000x32xf32>
    %add3A_17 = arith.addf %dot_general3A_12, %add3A_16 : vector<2000x32xf32>
    %max3A = arith.constant 0.000000e+00 : f32
    %max3A_18 = vector.broadcast %max3A : f32 to vector<2000x32xf32>
    %max3A_19 = arith.maximumf %add3A_17, %max3A_18 : vector<2000x32xf32>
    %get3A_20 = arith.constant 0 : index
    %get3A_21 = arith.constant 0 : index
    %get3A_22 = vector.load %arg6[%get3A_20, %get3A_21] : memref<32x32xf32, #tpu.memory_space<vmem>>, vector<32x32xf32>
    %dot_general3A_23 = arith.constant dense<0.000000e+00> : vector<2000x32xf32>
    %dot_general3A_24 = tpu.matmul %max3A_19, %get3A_22, %dot_general3A_23 {dimension_numbers = #tpu.dot_dimension_numbers<[1], [0], [0], [1], [0, 0, 1, 1], [], []>, transpose_lhs_hint = false} : vector<2000x32xf32>, vector<32x32xf32>, vector<2000x32xf32> -> vector<2000x32xf32>
    %get3A_25 = arith.constant 0 : index
    %get3A_26 = arith.constant 0 : index
    %get3A_27 = vector.load %arg7[%get3A_25, %get3A_26] : memref<1x32xf32, #tpu.memory_space<vmem>>, vector<1x32xf32>
    %add3A_28 = vector.broadcast %get3A_27 : vector<1x32xf32> to vector<2000x32xf32>
    %add3A_29 = arith.addf %dot_general3A_24, %add3A_28 : vector<2000x32xf32>
    %max3A_30 = arith.constant 0.000000e+00 : f32
    %max3A_31 = vector.broadcast %max3A_30 : f32 to vector<2000x32xf32>
    %max3A_32 = arith.maximumf %add3A_29, %max3A_31 : vector<2000x32xf32>
    %get3A_33 = arith.constant 0 : index
    %get3A_34 = arith.constant 0 : index
    %get3A_35 = vector.load %arg8[%get3A_33, %get3A_34] : memref<1x32xf32, #tpu.memory_space<vmem>>, vector<1x32xf32>
    %mul3A = arith.constant 0.999994993 : f32
    %mul3A_36 = vector.broadcast %mul3A : f32 to vector<1x32xf32>
    %mul3A_37 = arith.mulf %get3A_35, %mul3A_36 : vector<1x32xf32>
    %mul3A_38 = vector.broadcast %mul3A_37 : vector<1x32xf32> to vector<2000x32xf32>
    %mul3A_39 = arith.mulf %max3A_32, %mul3A_38 : vector<2000x32xf32>
    %get3A_40 = arith.constant 0 : index
    %get3A_41 = arith.constant 0 : index
    %get3A_42 = vector.load %arg9[%get3A_40, %get3A_41] : memref<1x32xf32, #tpu.memory_space<vmem>>, vector<1x32xf32>
    %add3A_43 = vector.broadcast %get3A_42 : vector<1x32xf32> to vector<2000x32xf32>
    %add3A_44 = arith.addf %mul3A_39, %add3A_43 : vector<2000x32xf32>
    %swap3A = arith.constant 0 : index
    %swap3A_45 = arith.constant 0 : index
    %swap3A_46 = vector.load %arg10[%swap3A, %swap3A_45] : memref<2000x32xf32, #tpu.memory_space<vmem>>, vector<2000x32xf32>
    tpu.vector_store %arg10[%swap3A, %swap3A_45], %add3A_44 {strides = array<i32>} : memref<2000x32xf32, #tpu.memory_space<vmem>>, vector<2000x32xf32>,
    return
  }
  func.func @transform_0(%arg0: i32) -> (i32, i32) {
    %c0_i32 = arith.constant 0 : i32
    %c0_i32_0 = arith.constant 0 : i32
    return %arg0, %c0_i32 : i32, i32
  }
  func.func @transform_1(%arg0: i32) -> (i32, i32) {
    %add3A = arith.constant 5 : i32
    %add3A_0 = arith.addi %arg0, %add3A : i32
    %c0_i32 = arith.constant 0 : i32
    %c0_i32_1 = arith.constant 0 : i32
    return %add3A_0, %c0_i32 : i32, i32
  }
  func.func @transform_2(%arg0: i32) -> (i32, i32) {
    %c0_i32 = arith.constant 0 : i32
    %c0_i32_0 = arith.constant 0 : i32
    return %arg0, %c0_i32 : i32, i32
  }
  func.func @transform_3(%arg0: i32) -> (i32, i32) {
    %c0_i32 = arith.constant 0 : i32
    %c0_i32_0 = arith.constant 0 : i32
    %c0_i32_1 = arith.constant 0 : i32
    return %c0_i32, %c0_i32_0 : i32, i32
  }
  func.func @transform_4(%arg0: i32) -> (i32, i32) {
    %c0_i32 = arith.constant 0 : i32
    %c0_i32_0 = arith.constant 0 : i32
    %c0_i32_1 = arith.constant 0 : i32
    return %c0_i32, %c0_i32_0 : i32, i32
  }
  func.func @transform_5(%arg0: i32) -> (i32, i32) {
    %c0_i32 = arith.constant 0 : i32
    %c0_i32_0 = arith.constant 0 : i32
    %c0_i32_1 = arith.constant 0 : i32
    return %c0_i32, %c0_i32_0 : i32, i32
  }
  func.func @transform_6(%arg0: i32) -> (i32, i32) {
    %c0_i32 = arith.constant 0 : i32
    %c0_i32_0 = arith.constant 0 : i32
    %c0_i32_1 = arith.constant 0 : i32
    return %c0_i32, %c0_i32_0 : i32, i32
  }
  func.func @transform_7(%arg0: i32) -> (i32, i32) {
    %c0_i32 = arith.constant 0 : i32
    %c0_i32_0 = arith.constant 0 : i32
    %c0_i32_1 = arith.constant 0 : i32
    return %c0_i32, %c0_i32_0 : i32, i32
  }
  func.func @transform_8(%arg0: i32) -> (i32, i32) {
    %c0_i32 = arith.constant 0 : i32
    %c0_i32_0 = arith.constant 0 : i32
    %c0_i32_1 = arith.constant 0 : i32
    return %c0_i32, %c0_i32_0 : i32, i32
  }
  func.func @transform_9(%arg0: i32) -> (i32, i32) {
    %c0_i32 = arith.constant 0 : i32
    %c0_i32_0 = arith.constant 0 : i32
    return %arg0, %c0_i32 : i32, i32
  }
}

module attributes {stable_mosaic.version = 14 : i64} {
  func.func @body(%arg0: i32, %arg1: memref<2000x128xf32, #tpu.memory_space<vmem>>, %arg2: memref<2000x128xf32, #tpu.memory_space<vmem>>, %arg3: memref<2000x32xf32, #tpu.memory_space<vmem>>, %arg4: memref<32x32xf32, #tpu.memory_space<vmem>>, %arg5: memref<1x32xf32, #tpu.memory_space<vmem>>, %arg6: memref<32x32xf32, #tpu.memory_space<vmem>>, %arg7: memref<1x32xf32, #tpu.memory_space<vmem>>, %arg8: memref<1x32xf32, #tpu.memory_space<vmem>>, %arg9: memref<1x32xf32, #tpu.memory_space<vmem>>, %arg10: memref<32x32xf32, #tpu.memory_space<vmem>>, %arg11: memref<1x32xf32, #tpu.memory_space<vmem>>, %arg12: memref<32x2xf32, #tpu.memory_space<vmem>>, %arg13: memref<1x2xf32, #tpu.memory_space<vmem>>, %arg14: memref<2000x2xf32, #tpu.memory_space<vmem>>) attributes {dimension_semantics = [#tpu.dimension_semantics<arbitrary>], iteration_bounds = array<i64: 5>, scalar_prefetch = 0 : i64, scratch_operands = 0 : i64, tpu.core_type = #tpu.core_type<tc>, window_params = [{transform_indices = @transform_0, window_bounds = array<i64: 2000, 128>}, {transform_indices = @transform_1, window_bounds = array<i64: 2000, 128>}, {transform_indices = @transform_2, window_bounds = array<i64: 2000, 32>}, {pipeline_mode = #tpu.pipeline_mode<synchronous>, transform_indices = @transform_3, window_bounds = array<i64: 32, 32>}, {pipeline_mode = #tpu.pipeline_mode<synchronous>, transform_indices = @transform_4, window_bounds = array<i64: 1, 32>}, {pipeline_mode = #tpu.pipeline_mode<synchronous>, transform_indices = @transform_5, window_bounds = array<i64: 32, 32>}, {pipeline_mode = #tpu.pipeline_mode<synchronous>, transform_indices = @transform_6, window_bounds = array<i64: 1, 32>}, {pipeline_mode = #tpu.pipeline_mode<synchronous>, transform_indices = @transform_7, window_bounds = array<i64: 1, 32>}, {pipeline_mode = #tpu.pipeline_mode<synchronous>, transform_indices = @transform_8, window_bounds = array<i64: 1, 32>}, {pipeline_mode = #tpu.pipeline_mode<synchronous>, transform_indices = @transform_9, window_bounds = array<i64: 32, 32>}, {pipeline_mode = #tpu.pipeline_mode<synchronous>, transform_indices = @transform_10, window_bounds = array<i64: 1, 32>}, {pipeline_mode = #tpu.pipeline_mode<synchronous>, transform_indices = @transform_11, window_bounds = array<i64: 32, 2>}, {pipeline_mode = #tpu.pipeline_mode<synchronous>, transform_indices = @transform_12, window_bounds = array<i64: 1, 2>}, {transform_indices = @transform_13, window_bounds = array<i64: 2000, 2>}]} {
    %get3A = arith.constant 0 : index
    %get3A_0 = arith.constant 0 : index
    %get3A_1 = vector.load %arg3[%get3A, %get3A_0] : memref<2000x32xf32, #tpu.memory_space<vmem>>, vector<2000x32xf32>
    %get3A_2 = arith.constant 0 : index
    %get3A_3 = arith.constant 0 : index
    %get3A_4 = vector.load %arg1[%get3A_2, %get3A_3] : memref<2000x128xf32, #tpu.memory_space<vmem>>, vector<2000x32xf32>
    %add3A = arith.addf %get3A_1, %get3A_4 : vector<2000x32xf32>
    %get3A_5 = arith.constant 0 : index
    %get3A_6 = arith.constant 0 : index
    %get3A_7 = vector.load %arg2[%get3A_5, %get3A_6] : memref<2000x128xf32, #tpu.memory_space<vmem>>, vector<2000x32xf32>
    %add3A_8 = arith.addf %add3A, %get3A_7 : vector<2000x32xf32>
    %get3A_9 = arith.constant 0 : index
    %get3A_10 = arith.constant 0 : index
    %get3A_11 = vector.load %arg4[%get3A_9, %get3A_10] : memref<32x32xf32, #tpu.memory_space<vmem>>, vector<32x32xf32>
    %dot_general3A = arith.constant dense<0.000000e+00> : vector<2000x32xf32>
    %dot_general3A_12 = tpu.matmul %add3A_8, %get3A_11, %dot_general3A {dimension_numbers = #tpu.dot_dimension_numbers<[1], [0], [0], [1], [0, 0, 1, 1], [], []>, transpose_lhs_hint = false} : vector<2000x32xf32>, vector<32x32xf32>, vector<2000x32xf32> -> vector<2000x32xf32>
    %get3A_13 = arith.constant 0 : index
    %get3A_14 = arith.constant 0 : index
    %get3A_15 = vector.load %arg5[%get3A_13, %get3A_14] : memref<1x32xf32, #tpu.memory_space<vmem>>, vector<1x32xf32>
    %add3A_16 = vector.broadcast %get3A_15 : vector<1x32xf32> to vector<2000x32xf32>
    %add3A_17 = arith.addf %dot_general3A_12, %add3A_16 : vector<2000x32xf32>
    %max3A = arith.constant 0.000000e+00 : f32
    %max3A_18 = vector.broadcast %max3A : f32 to vector<2000x32xf32>
    %max3A_19 = arith.maximumf %add3A_17, %max3A_18 : vector<2000x32xf32>
    %get3A_20 = arith.constant 0 : index
    %get3A_21 = arith.constant 0 : index
    %get3A_22 = vector.load %arg6[%get3A_20, %get3A_21] : memref<32x32xf32, #tpu.memory_space<vmem>>, vector<32x32xf32>
    %dot_general3A_23 = arith.constant dense<0.000000e+00> : vector<2000x32xf32>
    %dot_general3A_24 = tpu.matmul %max3A_19, %get3A_22, %dot_general3A_23 {dimension_numbers = #tpu.dot_dimension_numbers<[1], [0], [0], [1], [0, 0, 1, 1], [], []>, transpose_lhs_hint = false} : vector<2000x32xf32>, vector<32x32xf32>, vector<2000x32xf32> -> vector<2000x32xf32>
    %get3A_25 = arith.constant 0 : index
    %get3A_26 = arith.constant 0 : index
    %get3A_27 = vector.load %arg7[%get3A_25, %get3A_26] : memref<1x32xf32, #tpu.memory_space<vmem>>, vector<1x32xf32>
    %add3A_28 = vector.broadcast %get3A_27 : vector<1x32xf32> to vector<2000x32xf32>
    %add3A_29 = arith.addf %dot_general3A_24, %add3A_28 : vector<2000x32xf32>
    %max3A_30 = arith.constant 0.000000e+00 : f32
    %max3A_31 = vector.broadcast %max3A_30 : f32 to vector<2000x32xf32>
    %max3A_32 = arith.maximumf %add3A_29, %max3A_31 : vector<2000x32xf32>
    %get3A_33 = arith.constant 0 : index
    %get3A_34 = arith.constant 0 : index
    %get3A_35 = vector.load %arg8[%get3A_33, %get3A_34] : memref<1x32xf32, #tpu.memory_space<vmem>>, vector<1x32xf32>
    %mul3A = arith.constant 0.999994993 : f32
    %mul3A_36 = vector.broadcast %mul3A : f32 to vector<1x32xf32>
    %mul3A_37 = arith.mulf %get3A_35, %mul3A_36 : vector<1x32xf32>
    %mul3A_38 = vector.broadcast %mul3A_37 : vector<1x32xf32> to vector<2000x32xf32>
    %mul3A_39 = arith.mulf %max3A_32, %mul3A_38 : vector<2000x32xf32>
    %get3A_40 = arith.constant 0 : index
    %get3A_41 = arith.constant 0 : index
    %get3A_42 = vector.load %arg9[%get3A_40, %get3A_41] : memref<1x32xf32, #tpu.memory_space<vmem>>, vector<1x32xf32>
    %add3A_43 = vector.broadcast %get3A_42 : vector<1x32xf32> to vector<2000x32xf32>
    %add3A_44 = arith.addf %mul3A_39, %add3A_43 : vector<2000x32xf32>
    %get3A_45 = arith.constant 0 : index
    %get3A_46 = arith.constant 0 : index
    %get3A_47 = vector.load %arg10[%get3A_45, %get3A_46] : memref<32x32xf32, #tpu.memory_space<vmem>>, vector<32x32xf32>
    %dot_general3A_48 = arith.constant dense<0.000000e+00> : vector<2000x32xf32>
    %dot_general3A_49 = tpu.matmul %add3A_44, %get3A_47, %dot_general3A_48 {dimension_numbers = #tpu.dot_dimension_numbers<[1], [0], [0], [1], [0, 0, 1, 1], [], []>, transpose_lhs_hint = false} : vector<2000x32xf32>, vector<32x32xf32>, vector<2000x32xf32> -> vector<2000x32xf32>
    %get3A_50 = arith.constant 0 : index
    %get3A_51 = arith.constant 0 : index
    %get3A_52 = vector.load %arg11[%get3A_50, %get3A_51] : memref<1x32xf32, #tpu.memory_space<vmem>>, vector<1x32xf32>
    %add3A_53 = vector.broadcast %get3A_52 : vector<1x32xf32> to vector<2000x32xf32>
    %add3A_54 = arith.addf %dot_general3A_49, %add3A_53 : vector<2000x32xf32>
    %max3A_55 = arith.constant 0.000000e+00 : f32
    %max3A_56 = vector.broadcast %max3A_55 : f32 to vector<2000x32xf32>
    %max3A_57 = arith.maximumf %add3A_54, %max3A_56 : vector<2000x32xf32>
    %get3A_58 = arith.constant 0 : index
    %get3A_59 = arith.constant 0 : index
    %get3A_60 = vector.load %arg12[%get3A_58, %get3A_59] : memref<32x2xf32, #tpu.memory_space<vmem>>, vector<32x2xf32>
    %dot_general3A_61 = arith.constant dense<0.000000e+00> : vector<2000x2xf32>
    %dot_general3A_62 = tpu.matmul %max3A_57, %get3A_60, %dot_general3A_61 {dimension_numbers = #tpu.dot_dimension_numbers<[1], [0], [0], [1], [0, 0, 1, 1], [], []>, transpose_lhs_hint = false} : vector<2000x32xf32>, vector<32x2xf32>, vector<2000x2xf32> -> vector<2000x2xf32>
    %get3A_63 = arith.constant 0 : index
    %get3A_64 = arith.constant 0 : index
    %get3A_65 = vector.load %arg13[%get3A_63, %get3A_64] : memref<1x2xf32, #tpu.memory_space<vmem>>, vector<1x2xf32>
    %add3A_66 = vector.broadcast %get3A_65 : vector<1x2xf32> to vector<2000x2xf32>
    %add3A_67 = arith.addf %dot_general3A_62, %add3A_66 : vector<2000x2xf32>
    %swap3A = arith.constant 0 : index
    %swap3A_68 = arith.constant 0 : index
    %swap3A_69 = vector.load %arg14[%swap3A, %swap3A_68] : memref<2000x2xf32, #tpu.memory_space<vmem>>, vector<2000x2xf32>
    tpu.vector_store %arg14[%swap3A, %swap3A_68], %add3A_67 {strides = array<i32>} : memref<2000x2xf32, #tpu.memory_space<vmem>>, vector<2000x2xf32>,
    return
  }
  func.func @transform_0(%arg0: i32) -> (i32, i32) {
    %c0_i32 = arith.constant 0 : i32
    %c0_i32_0 = arith.constant 0 : i32
    return %arg0, %c0_i32 : i32, i32
  }
  func.func @transform_1(%arg0: i32) -> (i32, i32) {
    %add3A = arith.constant 5 : i32
    %add3A_0 = arith.addi %arg0, %add3A : i32
    %c0_i32 = arith.constant 0 : i32
    %c0_i32_1 = arith.constant 0 : i32
    return %add3A_0, %c0_i32 : i32, i32
  }
  func.func @transform_2(%arg0: i32) -> (i32, i32) {
    %c0_i32 = arith.constant 0 : i32
    %c0_i32_0 = arith.constant 0 : i32
    return %arg0, %c0_i32 : i32, i32
  }
  func.func @transform_3(%arg0: i32) -> (i32, i32) {
    %c0_i32 = arith.constant 0 : i32
    %c0_i32_0 = arith.constant 0 : i32
    %c0_i32_1 = arith.constant 0 : i32
    return %c0_i32, %c0_i32_0 : i32, i32
  }
  func.func @transform_4(%arg0: i32) -> (i32, i32) {
    %c0_i32 = arith.constant 0 : i32
    %c0_i32_0 = arith.constant 0 : i32
    %c0_i32_1 = arith.constant 0 : i32
    return %c0_i32, %c0_i32_0 : i32, i32
  }
  func.func @transform_5(%arg0: i32) -> (i32, i32) {
    %c0_i32 = arith.constant 0 : i32
    %c0_i32_0 = arith.constant 0 : i32
    %c0_i32_1 = arith.constant 0 : i32
    return %c0_i32, %c0_i32_0 : i32, i32
  }
  func.func @transform_6(%arg0: i32) -> (i32, i32) {
    %c0_i32 = arith.constant 0 : i32
    %c0_i32_0 = arith.constant 0 : i32
    %c0_i32_1 = arith.constant 0 : i32
    return %c0_i32, %c0_i32_0 : i32, i32
  }
  func.func @transform_7(%arg0: i32) -> (i32, i32) {
    %c0_i32 = arith.constant 0 : i32
    %c0_i32_0 = arith.constant 0 : i32
    %c0_i32_1 = arith.constant 0 : i32
    return %c0_i32, %c0_i32_0 : i32, i32
  }
  func.func @transform_8(%arg0: i32) -> (i32, i32) {
    %c0_i32 = arith.constant 0 : i32
    %c0_i32_0 = arith.constant 0 : i32
    %c0_i32_1 = arith.constant 0 : i32
    return %c0_i32, %c0_i32_0 : i32, i32
  }
  func.func @transform_9(%arg0: i32) -> (i32, i32) {
    %c0_i32 = arith.constant 0 : i32
    %c0_i32_0 = arith.constant 0 : i32
    %c0_i32_1 = arith.constant 0 : i32
    return %c0_i32, %c0_i32_0 : i32, i32
  }
  func.func @transform_10(%arg0: i32) -> (i32, i32) {
    %c0_i32 = arith.constant 0 : i32
    %c0_i32_0 = arith.constant 0 : i32
    %c0_i32_1 = arith.constant 0 : i32
    return %c0_i32, %c0_i32_0 : i32, i32
  }
  func.func @transform_11(%arg0: i32) -> (i32, i32) {
    %c0_i32 = arith.constant 0 : i32
    %c0_i32_0 = arith.constant 0 : i32
    %c0_i32_1 = arith.constant 0 : i32
    return %c0_i32, %c0_i32_0 : i32, i32
  }
  func.func @transform_12(%arg0: i32) -> (i32, i32) {
    %c0_i32 = arith.constant 0 : i32
    %c0_i32_0 = arith.constant 0 : i32
    %c0_i32_1 = arith.constant 0 : i32
    return %c0_i32, %c0_i32_0 : i32, i32
  }
  func.func @transform_13(%arg0: i32) -> (i32, i32) {
    %c0_i32 = arith.constant 0 : i32
    %c0_i32_0 = arith.constant 0 : i32
    return %arg0, %c0_i32 : i32, i32
  }
}

</mosaic_0001>

<sc_bundles>
// kernel: kernel.11.cloned.1.call-start
scs
__scs_entry_jumppad:
0x0: {  	(pc) =	sbr.rel $0x88, $3  }
0x1: {  	(tag) =	ssettag $0x0;
	lr =	simm.s32 $0x1  }
0x2: {  	[smem:$0x3F89] =	sst lr;
	_ =	strace $0xD0000000  }
0x3: {  	_ = 	snop  }
0x4: {  	_ = 	snop  }
0x5: {  	_ = 	snop  }
0x6: {  	_ = 	snop  }
0x7: {  	_ = 	snop  }
__scs_overlays_trampoline_lowered:
0x8: {  	[smem:$0x3F98] =	sst s0  }
0x9: {  	[smem:$0x3F99] =	sst s1  }
0xa: {  	[smem:$0x3F9A] =	sst s2  }
0xb: {  	[smem:$0x3F9B] =	sst s3  }
0xc: {  	[smem:$0x3F9C] =	sst s4  }
0xd: {  	[smem:$0x3F9D] =	sst s5  }
0xe: {  	[smem:$0x3F9E] =	sst s6  }
0xf: {  	[smem:$0x3F9F] =	sst s7  }
0x10: {  	[smem:$0x3FA0] =	sst s8  }
0x11: {  	[smem:$0x3FA1] =	sst s9;
	s0 =	simm.s32 @!p0 $0x0  }
0x12: {  	s1 =	sld [smem:$0x3F87];
	s0 =	simm.s32 @p0 $0x1  }
0x13: {  	[smem:$0x3FA2] =	sst s0;
	s0 =	simm.s32 @!p1 $0x0  }
0x14: {  	s2 =	sld [smem:$0x3F86];
	s0 =	simm.s32 @p1 $0x1  }
0x15: {  	[smem:$0x3FA3] =	sst s0;
	s0 =	simm.s32 @!p2 $0x0  }
0x16: {  	s3 =	sld [smem:$0x3FDB];
	s0 =	simm.s32 @p2 $0x1  }
0x17: {  	s4 =	simm.s32 $0x1BF5;
	[smem:$0x3FA5] =	sst s0  }
0x18: {  	s0 =	sld [smem:$0x3F88];
	_ =	swait.ge [sflag:s4], $0x0  }
0x19: {  	s7 =	sld [smem:$0x3F89]  }
0x1a: {  	s8 =	sadd.s32 $0xFFFFE003, lr  }
0x1b: {  	s9 =	sadd.s32 $0xFFFFFEF7, lr;
	s5 =	simm.s32 $0xFFFFFFFF;
	p2 =	slt.u32 s8, $0xFFFFF086  }
0x1c: {  	p1 =	slt.u32 s9, $0xF7A;
	s5 =	simm.s32 @!p2 $0x0  }
0x1d: {  	s5 =	simm.s32 @p1 $0x1;
	p0 =	seq.s32 s7, s2  }
0x1e: {  	s7 =	smul.u32 @!p0 $0xF7A, s2;
	p2 =	seq.s32 @!p0 s5, $0x0  }
0x1f: {  	s9 =	smul.u32 $0xF7A, s1;
	s8 =	simm.s32 @!p0 $0x1BF5;
	p2 =	por !p2, p0  }
0x20: {  	[sflag:s8] =	ssyncset.s32 @!p0 $0xFFFFF086;
	s6 =	sadd.s32 @!p0 s3, s7;
	s7 =	simm.s32 @!p0 $0x108  }
0x21: {  	s3 =	sadd.s32 s3, s9;
	s6 =	sadd.s32 @!p0 $0x88, s6;
	s7 =	simm.s32 @p2 $0x1082  }
0x22: {  	[simem:s7], [sflag:s8] =	dma.local @!p0 [hbm:s6], $0xF7A  }
0x23: {  	s9 =	sor.u32 $0xD0000000, s2;
	s6 =	simm.s32 $0x108;
	_ =	swait.ge @!p0 [sflag:s8], $0x0  }
0x24: {  	s3 =	sadd.s32 $0x88, s3;
	s6 =	simm.s32 @!p1 $0x1082;
	[sflag:s4] =	ssyncset.s32 $0xFFFFF086  }
0x25: {  	[simem:s6], [sflag:s4] =	dma.local [hbm:s3], $0xF7A  }
0x26: {  	[smem:$0x3F89] =	sst s1;
	(tag) =	ssettag s2;
	_ =	strace s9  }
0x27: {  	s1 =	sld [smem:$0x3F99]  }
0x28: {  	s2 =	sld [smem:$0x3F9A]  }
0x29: {  	s4 =	sld [smem:$0x3F9C]  }
0x2a: {  	p0 =	seq.s32 s5, $0x0;
	s5 =	sld [smem:$0x3F9D]  }
0x2b: {  	s6 =	sld [smem:$0x3F9E]  }
0x2c: {  	s7 =	sld [smem:$0x3F9F]  }
0x2d: {  	s3 =	simm.s32 $0x108;
	s8 =	sld [smem:$0x3FA0]  }
0x2e: {  	s3 =	simm.s32 @!p0 $0x1082;
	s9 =	sld [smem:$0x3FA1]  }
0x2f: {  	lr =	sadd.s32 s0, s3;
	s0 =	sld [smem:$0x3F98]  }
0x30: {  	s3 =	sld [smem:$0x3F9B]  }
0x31: {  	[smem:$0x3FA4] =	sst s10  }
0x32: {  	s10 =	sld [smem:$0x3FA2];
	_ =	sdelay $0x3  }
0x33: {  	p0 =	seq.s32 s10, $0x1;
	s10 =	sld [smem:$0x3FA4];
	_ =	sdelay $0x3  }
0x34: {  	[smem:$0x3FA4] =	sst s10  }
0x35: {  	s10 =	sld [smem:$0x3FA3];
	_ =	sdelay $0x3  }
0x36: {  	p1 =	seq.s32 s10, $0x1;
	s10 =	sld [smem:$0x3FA4];
	_ =	sdelay $0x3  }
0x37: {  	[smem:$0x3FA4] =	sst s10  }
0x38: {  	s10 =	sld [smem:$0x3FA5]  }
0x39: {  	_ = 	snop;
	(pc) =	sbr.ind lr, $3  }
0x3a: {  	_ = 	snop  }
0x3b: {  	_ = 	snop  }
0x3c: {  	p2 =	seq.s32 s10, $0x1;
	s10 =	sld [smem:$0x3FA4]  }
0x3d: {  	_ =	shalt  }
0x3e: {  	_ =	shalt  }
0x3f: {  	_ =	shalt  }
0x40: {  	_ =	shalt  }
0x41: {  	_ =	shalt  }
0x42: {  	_ =	shalt  }
0x43: {  	_ =	shalt  }
0x44: {  	_ =	shalt  }
0x45: {  	_ =	shalt  }
0x46: {  	_ =	shalt  }
0x47: {  	_ =	shalt  }
0x48: {  	_ =	shalt  }
0x49: {  	_ =	shalt  }
0x4a: {  	_ =	shalt  }
0x4b: {  	_ =	shalt  }
0x4c: {  	_ =	shalt  }
0x4d: {  	_ =	shalt  }
0x4e: {  	_ =	shalt  }
0x4f: {  	_ =	shalt  }
0x50: {  	_ =	shalt  }
0x51: {  	_ =	shalt  }
0x52: {  	_ =	shalt  }
0x53: {  	_ =	shalt  }
0x54: {  	_ =	shalt  }
0x55: {  	_ =	shalt  }
0x56: {  	_ =	shalt  }
0x57: {  	_ =	shalt  }
0x58: {  	_ =	shalt  }
0x59: {  	_ =	shalt  }
0x5a: {  	_ =	shalt  }
0x5b: {  	_ =	shalt  }
0x5c: {  	_ =	shalt  }
0x5d: {  	_ =	shalt  }
0x5e: {  	_ =	shalt  }
0x5f: {  	_ =	shalt  }
0x60: {  	_ =	shalt  }
0x61: {  	_ =	shalt  }
0x62: {  	_ =	shalt  }
0x63: {  	_ =	shalt  }
0x64: {  	_ =	shalt  }
0x65: {  	_ =	shalt  }
0x66: {  	_ =	shalt  }
0x67: {  	_ =	shalt  }
0x68: {  	_ =	shalt  }
0x69: {  	_ =	shalt  }
0x6a: {  	_ =	shalt  }
0x6b: {  	_ =	shalt  }
0x6c: {  	_ =	shalt  }
0x6d: {  	_ =	shalt  }
0x6e: {  	_ =	shalt  }
0x6f: {  	_ =	shalt  }
0x70: {  	_ =	shalt  }
0x71: {  	_ =	shalt  }
0x72: {  	_ =	shalt  }
0x73: {  	_ =	shalt  }
0x74: {  	_ =	shalt  }
0x75: {  	_ =	shalt  }
0x76: {  	_ =	shalt  }
0x77: {  	_ =	shalt  }
0x78: {  	_ =	shalt  }
0x79: {  	_ =	shalt  }
0x7a: {  	_ =	shalt  }
0x7b: {  	_ =	shalt  }
0x7c: {  	_ =	shalt  }
0x7d: {  	_ =	shalt  }
0x7e: {  	_ =	shalt  }
0x7f: {  	_ =	shalt  }
0x80: {  	_ =	shalt  }
0x81: {  	_ =	shalt  }
0x82: {  	_ =	shalt  }
0x83: {  	_ =	shalt  }
0x84: {  	_ =	shalt  }
0x85: {  	_ =	shalt  }
0x86: {  	_ =	shalt  }
0x87: {  	_ =	shalt  }
.Lfunc_end0:
.L_simem_size_0:
called_computation.1_lowered:
.L_overlay_start_0:
0x88: {  	s2 =	sld [smem:$0x3FD9]  }
0x89: {  	s3 =	sld [smem:$0x3FFE];
	_ =	sdelay $0x1  }
0x8a: {  	s1 =	srdreg.scid  }
0x8b: {  	s0 =	sand.u32 $0x1, s1  }
0x8c: {  	s16 =	sshll.u32 s0, $0xA;
	s2 =	sadd.s32 s3, s2  }
0x8d: {  	s2 =	sadd.s32 s2, s16  }
0x8e: {  	[smem:$0x3FB0] =	sst s2  }
0x8f: {  	_ = 	snop  }
0x90: {  	(tm) =	ssettm $0x1  }
0x91: {  	s17 =	sld [smem:$0x3FFB];
	_ =	sdelay $0x3  }
0x92: {  	_ =	strace s17  }
0x93: {  	s2 =	sld [smem:$0x3FFC];
	_ =	sdelay $0x3  }
0x94: {  	_ =	strace s2  }
0x95: {  	s2 =	sld [smem:$0x3FFD];
	_ =	sdelay $0x3  }
0x96: {  	_ =	strace s2  }
0x97: {  	_ =	strace $0x8FFFFFFF  }
0x98: {  	s18 =	sld [smem:$0x3FDB];
	_ =	sdelay $0x1  }
0x99: {  	s19 =	simm.s32 $_scs_section_size  }
0x9a: {  	s4 =	simm.s32 $_size__tile_overlayer_lowered;
	s5 =	simm.s32 $_tile_overlayer_lowered  }
0x9b: {  	s22 =	simm.s32 $0x1BFF;
	s21 =	sshll.u32 s5, $0x1;
	s2 =	sadd.s32 s19, s18  }
0x9c: {  	s6 =	simm.s32 $0x0;
	s20 =	sshll.u32 s4, $0x1;
	s4 =	sadd.s32 s21, s2  }
0x9d: {  	[timem:s6], [sflag:s22] =	dma.local [hbm:s4], s20  }
0x9e: {  	_ =	swait.ge [sflag:s22], s20  }
0x9f: {  	s3 =	ssub.s32 $0x0, s20;
	[sflag:s22] =	ssyncset.done $0x0  }
0xa0: {  	[sflag:s22] =	ssyncadd.s32 s3;
	_ =	sdelay $0x1  }
0xa1: {  	s23 =	simm.s32 $0x1B8B  }
0xa2: {  	_ =	swait.ge [sflag:s23], $0x1  }
0xa3: {  	[sflag:s23] =	ssyncset.done $0x0  }
0xa4: {  	s25 =	simm.s32 $0x1B8E;
	s24 =	sld [smem:$0x3FFE];
	[sflag:s23] =	ssyncadd.s32 $0xFFFFFFFF  }
0xa5: {  	s26 =	simm.s32 $execute0_lowered;
	[smem:$0x3FD2] =	sst s25  }
0xa6: {  	s4 =	sshll.u32 s26, $0x1;
	_ =	strace $0x80000049;
	[dreg:$0x1] =	wrdreg $0xFFFFFFFF  }
0xa7: {  	s28 =	simm.s32 $_size_execute0_lowered;
	s2 =	sadd.s32 s2, s4;
	[dreg:$0x0] =	wrdreg $0x0  }
0xa8: {  	s4 =	sshll.u32 s28, $0x1;
	[dreg:$0x2] =	wrdreg s2  }
0xa9: {  	[dreg:$0x3] =	wrdreg s4  }
0xaa: {  	[dreg:$0x4] =	wrdreg $0xC0  }
0xab: {  	_ =	task [dreg:s6], $0x5FFFF  }
0xac: {  	[dreg:$0x1] =	wrdreg $0xFFFFFFFF  }
0xad: {  	[dreg:$0x0] =	wrdreg $0x60  }
0xae: {  	[dreg:$0x2] =	wrdreg s24  }
0xaf: {  	[dreg:$0x3] =	wrdreg $0x62C00  }
0xb0: {  	[dreg:$0x4] =	wrdreg $0x9  }
0xb1: {  	_ =	task.clear_ibuf [dreg:s6], $0x5FFFF;
	_ =	strace $0x90000049  }
0xb2: {  	s29 =	simm.s32 $0x9;
	_ =	strace $0x8000004B  }
0xb3: {  	_ =	swait.ge [sflag:s29], $0x1  }
0xb4: {  	[sflag:s29] =	ssyncadd.s32 $0xFFFFFFFF  }
0xb5: {  	_ =	strace $0x9000004B  }
0xb6: {  	_ =	sfence  }
0xb7: {  	s30 =	sld [smem:$0x0];
	_ =	sdelay $0x2  }
0xb8: {  	s31 =	sshll.u32 s1, $0xD;
	s1 =	sshrl.u32 s1, $0x2  }
0xb9: {  	s3 =	sand.u32 $0x4000, s31;
	s1 =	sadd.s32 s1, s30  }
0xba: {  	s0 =	sor.u32 s3, s0;
	s1 =	sshll.u32 s1, $0x11  }
0xbb: {  	s0 =	sor.u32 s1, s0  }
0xbc: {  	s0 =	sadd.s32 $0x8F2B, s0  }
0xbd: {  	[sflag:s0] =	ssyncadd.remote.s32 $0x1  }
0xbe: {  	_ =	sfence.sel $0xFFFF  }
0xbf: {  	[dreg:$0x0] =	wrdreg $0xFFFFFFFF;
	(pc) =	sbr.abs _section_cstart, $3  }
0xc0: {  	[dreg:$0x1] =	wrdreg $0xFFFFFFFF  }
0xc1: {  	_ =	task.clear_ibuf [dreg:s6], $0x2FFFF;
	_ =	strace $0x9FFFFFFF  }
0xc2: {  	(tm) =	ssettm $0x7FFFFFFF  }
0xc3: {  	_ =	shalt  }
tec
execute0_lowered:
.L_overlay_start_1:
0x0: {  	(tag) =	ssettag $0x1  }
0x1: {  	s6 =	rddreg [dreg:$0x0]  }
0x2: {  	s2 =	rddreg [dreg:$0x1]  }
0x3: {  	s0 =	rddreg [dreg:$0x2]  }
0x4: {  	s3 =	simm.s32 $0x0;
	s4 =	srdreg.scid;
	s1 =	stileid.u32  }
0x5: {  	s14 =	simm.s32 $0x7C;
	s19 =	simm.s32 $0x4EC0;
	s20 =	simm.s32 $0x58C0  }
0x6: {  	s21 =	simm.s32 $0x1;
	[smem:$0x7FF] =	sst s3;
	s8 =	smul.u32 $0x2710, s1  }
0x7: {  	s7 =	sand.u32 $0x1, s4;
	s4 =	sadd.s32 $0x17A00, s6;
	s12 =	smul.u32 $0x13880, s1  }
0x8: {  	s10 =	sadd.s32 $0xDC00, s6;
	s11 =	sadd.s32 $0x3E00, s6;
	s25 =	smul.u32 $0x4E20, s1  }
0x9: {  	s5 =	sadd.s32 $0x21800, s6;
	s26 =	sshll.u32 s1, $0x6;
	s28 =	smul.u32 $0x9C4, s1  }
0xa: {  	_ =	strace $0x8000004A;
	s9 =	smul.u32 $0x27100, s7;
	s22 =	ssub.s32 $0x2, s7  }
0xb: {  	p0 =	seq.s32 s7, $0x0;
	s23 =	sshrl.u32 s22, $0x1;
	s24 =	sshrl.u32 s12, $0x2  }
0xc: {  	s14 =	simm.s32 @!p0 $0x7E;
	s29 =	sshrl.u32 s25, $0x3;
	s7 =	sadd.s32 s10, s28  }
0xd: {  	s25 =	simm.s32 $0x0;
	s8 =	sadd.s32 s8, s9;
	s15 =	ssub.s32 s22, s23  }
0xe: {  	s16 =	sadd.s32 s24, s2;
	s30 =	sadd.s32 $0x4EC, s29;
	s17 =	smul.u32 $0x140, s14  }
0xf: {  	s18 =	sshrl.u32 s14, $0x1;
	s22 =	simm.s32 $0x2;
	s23 =	simm.s32 $0x10  }
0x10: {  	s24 =	simm.s32 $0x4;
	s13 =	sadd.s32 s8, s6;
	s6 =	sor.u32 $0x1C03, s26  }
0x11: {  	s8 =	sadd.s32 s11, s28;
	s9 =	sadd.s32 s10, s30;
	s10 =	sadd.s32 s11, s30  }
0x12: {  	s14 =	smax.u32 s15, $0x1;
	s15 =	sadd.s32 $0xFFFFFFFF, s18;
	s16 =	sshrl.u32 s16, $0x3  }
0x13: {  	s18 =	simm.s32 $0x50;
	s31 =	sshrl.u32 s17, $0x2;
	s13 =	sadd.s32 $0x22200, s13  }
0x14: {  	s17 =	simm.s32 $0x3;
	s11 =	sadd.s32 $0x26C0, s31;
	s12 =	sadd.s32 $0x2710, s31  }
.LBB2_1:
0x15: {  	[spmem:s16], [sflag:s6] =	dma.local [hbm:s5], $0x9C4  }
0x16: {  	_ =	swait.ge [sflag:s17], $0x9C4  }
0x17: {  	[sflag:s17] =	ssyncset.done $0x0  }
0x18: {  	s26 =	simm.s32 @p0 $0x0;
	s28 =	simm.s32 @p0 $0x3;
	[sflag:s17] =	ssyncadd.s32 $0xFFFFF63C  }
0x19: {  	[tilespmem:s26], [sflag:$0x3] =	stream.linear.gather @p0 [hbm4b:s9+s26], $0x26C0, $0x38;
	[tilespmem:$0xB0E0] =	vst v63  }
0x1a: {  	_ =	swait.ge @p0 [sflag:s28], $0x26C0  }
0x1b: {  	[sflag:s28] =	ssyncset.done @p0 $0x0  }
0x1c: {  	s29 =	simm.s32 @p0 $0x2760;
	[sflag:s28] =	ssyncadd.s32 @p0 $0xFFFFD940  }
0x1d: {  	[tilespmem:s29], [sflag:$0x3] =	stream.linear.gather @p0 [hbm4b:s10+s26], $0x26C0, $0x38;
	[tilespmem:$0xB0E0] =	vst v63  }
0x1e: {  	_ =	swait.ge @p0 [sflag:s28], $0x26C0  }
0x1f: {  	[sflag:s28] =	ssyncset.done @p0 $0x0  }
0x20: {  	s26 =	simm.s32 @!p0 $0x0;
	[sflag:s28] =	ssyncadd.s32 @p0 $0xFFFFD940;
	s28 =	simm.s32 @!p0 $0x3  }
0x21: {  	[tilespmem:s26], [sflag:$0x3] =	stream.linear.gather @!p0 [hbm4b:s7+s26], $0x2760, $0x38;
	[tilespmem:$0xB0E0] =	vst v63  }
0x22: {  	_ =	swait.ge @!p0 [sflag:s28], $0x2760  }
0x23: {  	[sflag:s28] =	ssyncset.done @!p0 $0x0  }
0x24: {  	s29 =	simm.s32 @!p0 $0x2760;
	[sflag:s28] =	ssyncadd.s32 @!p0 $0xFFFFD8A0  }
0x25: {  	[tilespmem:s29], [sflag:$0x3] =	stream.linear.gather @!p0 [hbm4b:s8+s26], $0x2760, $0x38;
	[tilespmem:$0xB0E0] =	vst v63  }
0x26: {  	_ =	swait.ge @!p0 [sflag:s28], $0x2760  }
0x27: {  	[sflag:s28] =	ssyncset.done @!p0 $0x0  }
0x28: {  	[sflag:s28] =	ssyncadd.s32 @!p0 $0xFFFFD8A0  }
0x29: {  	[bflag:$0x0] =	sbarrier.arrive $0xFFFF  }
0x2a: {  	[tilespmem:s19], [sflag:$0x1] =	stream.indirect.gather [hbm4b:s4+s18], $0x20, s3, s18, $0xb8;
	[tilespmem:$0xB0E0] =	vst v63  }
0x2b: {  	_ = 	snop  }
0x2c: {  	[tilespmem:s20], [sflag:$0x2] =	stream.indirect.gather [hbm4b:s4+s18], $0x20, s18, s18, $0xb8;
	[tilespmem:$0xB0E0] =	vst v63  }
0x2d: {  	_ =	swait.ge [sflag:s21], $0xA00  }
0x2e: {  	[sflag:s21] =	ssyncset.done $0x0  }
0x2f: {  	s31 =	simm.s32 $0x2760;
	[sflag:s21] =	ssyncadd.s32 $0xFFFFF600  }
0x30: {  	[spmem:s2] =	stream.indirect.scatter.add.f32 [tilespmem:s19], [sflag:$0x3], $0x20, s31, s18, $0xb8;
	[tilespmem:$0xB0E0] =	vst v63  }
0x31: {  	_ =	swait.ge [sflag:s17], $0xA00  }
0x32: {  	[sflag:s17] =	ssyncset.done $0x0  }
0x33: {  	s31 =	simm.s32 $0xA0;
	[sflag:s17] =	ssyncadd.s32 $0xFFFFF600  }
0x34: {  	[tilespmem:s19], [sflag:$0x1] =	stream.indirect.gather [hbm4b:s4+s18], $0x20, s31, s18, $0xb8;
	[tilespmem:$0xB0E0] =	vst v63  }
0x35: {  	_ =	swait.ge [sflag:s22], $0xA00  }
0x36: {  	p1 =	sne.s32 s15, $0x1;
	[sflag:s22] =	ssyncset.done $0x0  }
.Ltmp0:
0x37: {  	s31 =	simm.s32 $0x27B0;
	[sflag:s22] =	ssyncadd.s32 $0xFFFFF600;
	(pc) =	sbr.rel @!p1 .LBB2_3-.Ltmp0, $4  }
0x38: {  	[spmem:s2] =	stream.indirect.scatter.add.f32 [tilespmem:s20], [sflag:$0x3], $0x20, s31, s18, $0xb8;
	[tilespmem:$0xB0E0] =	vst v63  }
0x39: {  	_ =	swait.ge [sflag:s17], $0xA00  }
0x3a: {  	s30 =	simm.s32 $0x2850;
	s26 =	sadd.s32 $0xFFFFFFFF, s15;
	[sflag:s17] =	ssyncset.done $0x0  }
0x3b: {  	s29 =	simm.s32 $0x190;
	s28 =	simm.s32 $0xF0;
	[sflag:s17] =	ssyncadd.s32 $0xFFFFF600  }
.LBB2_2:
0x3c: {  	[tilespmem:s20], [sflag:$0x2] =	stream.indirect.gather [hbm4b:s4+s18], $0x20, s28, s18, $0xb8;
	[tilespmem:$0xB0E0] =	vst v63  }
0x3d: {  	p1 =	sne.s32 s26, $0x1;
	s26 =	sadd.s32 $0xFFFFFFFF, s26;
	_ =	swait.ge [sflag:s21], $0xA00  }
0x3e: {  	s28 =	smov.u32 s29;
	[sflag:s21] =	ssyncset.done $0x0  }
0x3f: {  	s31 =	sadd.s32 $0xFFFFFFB0, s30;
	[sflag:s21] =	ssyncadd.s32 $0xFFFFF600  }
0x40: {  	[spmem:s2] =	stream.indirect.scatter.add.f32 [tilespmem:s19], [sflag:$0x3], $0x20, s31, s18, $0xb8;
	[tilespmem:$0xB0E0] =	vst v63  }
0x41: {  	_ =	swait.ge [sflag:s17], $0xA00  }
0x42: {  	[sflag:s17] =	ssyncset.done $0x0  }
0x43: {  	s31 =	sadd.s32 $0xFFFFFFB0, s29;
	[sflag:s17] =	ssyncadd.s32 $0xFFFFF600  }
0x44: {  	[tilespmem:s19], [sflag:$0x1] =	stream.indirect.gather [hbm4b:s4+s18], $0x20, s31, s18, $0xb8;
	[tilespmem:$0xB0E0] =	vst v63  }
0x45: {  	_ =	swait.ge [sflag:s22], $0xA00  }
0x46: {  	[sflag:s22] =	ssyncset.done $0x0  }
.Ltmp1:
0x47: {  	[sflag:s22] =	ssyncadd.s32 $0xFFFFF600;
	(pc) =	sbr.rel @p1 .LBB2_2-.Ltmp1, $4  }
0x48: {  	[spmem:s2] =	stream.indirect.scatter.add.f32 [tilespmem:s20], [sflag:$0x3], $0x20, s30, s18, $0xb8;
	[tilespmem:$0xB0E0] =	vst v63  }
0x49: {  	_ =	swait.ge [sflag:s17], $0xA00  }
0x4a: {  	[sflag:s17] =	ssyncset.done $0x0  }
0x4b: {  	s29 =	sadd.s32 $0xA0, s29;
	s30 =	sadd.s32 $0xA0, s30;
	[sflag:s17] =	ssyncadd.s32 $0xFFFFF600  }
.LBB2_3:
0x4c: {  	[tilespmem:s20], [sflag:$0x2] =	stream.indirect.gather [hbm4b:s4+s18], $0x20, s28, s18, $0xb8;
	[tilespmem:$0xB0E0] =	vst v63  }
0x4d: {  	_ =	swait.ge [sflag:s21], $0xA00  }
0x4e: {  	[sflag:s21] =	ssyncset.done $0x0  }
0x4f: {  	[sflag:s21] =	ssyncadd.s32 $0xFFFFF600  }
0x50: {  	[spmem:s2] =	stream.indirect.scatter.add.f32 [tilespmem:s19], [sflag:$0x3], $0x20, s11, s18, $0xb8;
	[tilespmem:$0xB0E0] =	vst v63  }
0x51: {  	_ =	swait.ge [sflag:s17], $0xA00  }
0x52: {  	[sflag:s17] =	ssyncset.done $0x0  }
0x53: {  	[sflag:s17] =	ssyncadd.s32 $0xFFFFF600  }
0x54: {  	_ =	swait.ge [sflag:s22], $0xA00  }
0x55: {  	[sflag:s22] =	ssyncset.done $0x0  }
0x56: {  	[sflag:s22] =	ssyncadd.s32 $0xFFFFF600  }
0x57: {  	[spmem:s2] =	stream.indirect.scatter.add.f32 [tilespmem:s20], [sflag:$0x3], $0x20, s12, s18, $0xb8;
	[tilespmem:$0xB0E0] =	vst v63  }
0x58: {  	_ =	swait.ge [sflag:s17], $0xA00  }
0x59: {  	s25 =	sadd.s32 $0x1, s25;
	[sflag:s17] =	ssyncset.done $0x0  }
0x5a: {  	p1 =	sne.s32 s25, s14;
	[sflag:s17] =	ssyncadd.s32 $0xFFFFF600  }
.Ltmp2:
0x5b: {  	[bflag:$0x0] =	sbarrier.arrive $0xFFFF;
	(pc) =	sbr.rel @p1 .LBB2_1-.Ltmp2, $4  }
0x5c: {  	[hbm:s13@s23], [sflag:s6] =	dma.strided [spmem:s16@s24], $0x9C4, s21, $0x4   }
0x5d: {  	_ =	swait.ge [sflag:s17], $0x9C4  }
0x5e: {  	[sflag:s17] =	ssyncset.done $0x0  }
0x5f: {  	[sflag:s17] =	ssyncadd.s32 $0xFFFFF63C  }
0x60: {  	_ =	sfence.sel $0x180000  }
0x61: {  	[bflag:$0x0] =	sbarrier.arrive $0xFFFF  }
0x62: {  	p0 =	sne.s32 s1, $0x0;
	_ =	strace $0x9000004A  }
0x63: {  	s0 =	sadd.s32 @!p0 $0x100000, s0;
	[bflag:$0x2] =	sbarrier.arrive $0xFFFF  }
0x64: {  	[sflag:s0] =	ssyncadd.tile.s32 @!p0 $0x1;
	_ =	shalt  }
.Lfunc_end2:
_tile_overlayer_lowered:
.L_overlay_start_2:
0x65: {  	(tag) =	ssettag $0x2  }
0x66: {  	s0 =	rddreg [dreg:$0x0];
	s2 =	stileid.u32  }
0x67: {  	s1 =	rddreg [dreg:$0x1];
	p0 =	sne.s32 s2, $0x0  }
0x68: {  	s3 =	rddreg [dreg:$0x2];
	[bflag:$0x3] =	sbarrier.arrive $0xFFFF;
	s2 =	simm.s32 @!p0 $0x1C03  }
0x69: {  	[timem:s3], [sflag:s2] =	dma.local @!p0 [hbm:s0], s1  }
0x6a: {  	s0 =	simm.s32 @!p0 $0x3  }
0x6b: {  	_ =	swait.ge @!p0 [sflag:s0], s1  }
0x6c: {  	s1 =	ssub.s32 @!p0 $0x0, s1;
	[sflag:s0] =	ssyncset.done @!p0 $0x0  }
0x6d: {  	[sflag:s0] =	ssyncadd.s32 @!p0 s1  }
0x6e: {  	[bflag:$0x3] =	sbarrier.arrive $0xFFFF  }
0x6f: {  	_ =	shalt  }

// kernel: kernel.14.cloned.1.call-start
scs
__scs_entry_jumppad:
0x0: {  	(pc) =	sbr.rel $0x88, $3  }
0x1: {  	(tag) =	ssettag $0x0;
	lr =	simm.s32 $0x1  }
0x2: {  	[smem:$0x3F89] =	sst lr;
	_ =	strace $0xD0000000  }
0x3: {  	_ = 	snop  }
0x4: {  	_ = 	snop  }
0x5: {  	_ = 	snop  }
0x6: {  	_ = 	snop  }
0x7: {  	_ = 	snop  }
__scs_overlays_trampoline_lowered:
0x8: {  	[smem:$0x3F98] =	sst s0  }
0x9: {  	[smem:$0x3F99] =	sst s1  }
0xa: {  	[smem:$0x3F9A] =	sst s2  }
0xb: {  	[smem:$0x3F9B] =	sst s3  }
0xc: {  	[smem:$0x3F9C] =	sst s4  }
0xd: {  	[smem:$0x3F9D] =	sst s5  }
0xe: {  	[smem:$0x3F9E] =	sst s6  }
0xf: {  	[smem:$0x3F9F] =	sst s7  }
0x10: {  	[smem:$0x3FA0] =	sst s8  }
0x11: {  	[smem:$0x3FA1] =	sst s9;
	s0 =	simm.s32 @!p0 $0x0  }
0x12: {  	s1 =	sld [smem:$0x3F87];
	s0 =	simm.s32 @p0 $0x1  }
0x13: {  	[smem:$0x3FA2] =	sst s0;
	s0 =	simm.s32 @!p1 $0x0  }
0x14: {  	s2 =	sld [smem:$0x3F86];
	s0 =	simm.s32 @p1 $0x1  }
0x15: {  	[smem:$0x3FA3] =	sst s0;
	s0 =	simm.s32 @!p2 $0x0  }
0x16: {  	s3 =	sld [smem:$0x3FDB];
	s0 =	simm.s32 @p2 $0x1  }
0x17: {  	s4 =	simm.s32 $0x1BF5;
	[smem:$0x3FA5] =	sst s0  }
0x18: {  	s0 =	sld [smem:$0x3F88];
	_ =	swait.ge [sflag:s4], $0x0  }
0x19: {  	s7 =	sld [smem:$0x3F89]  }
0x1a: {  	s8 =	sadd.s32 $0xFFFFE003, lr  }
0x1b: {  	s9 =	sadd.s32 $0xFFFFFEF7, lr;
	s5 =	simm.s32 $0xFFFFFFFF;
	p2 =	slt.u32 s8, $0xFFFFF086  }
0x1c: {  	p1 =	slt.u32 s9, $0xF7A;
	s5 =	simm.s32 @!p2 $0x0  }
0x1d: {  	s5 =	simm.s32 @p1 $0x1;
	p0 =	seq.s32 s7, s2  }
0x1e: {  	s7 =	smul.u32 @!p0 $0xF7A, s2;
	p2 =	seq.s32 @!p0 s5, $0x0  }
0x1f: {  	s9 =	smul.u32 $0xF7A, s1;
	s8 =	simm.s32 @!p0 $0x1BF5;
	p2 =	por !p2, p0  }
0x20: {  	[sflag:s8] =	ssyncset.s32 @!p0 $0xFFFFF086;
	s6 =	sadd.s32 @!p0 s3, s7;
	s7 =	simm.s32 @!p0 $0x108  }
0x21: {  	s3 =	sadd.s32 s3, s9;
	s6 =	sadd.s32 @!p0 $0x88, s6;
	s7 =	simm.s32 @p2 $0x1082  }
0x22: {  	[simem:s7], [sflag:s8] =	dma.local @!p0 [hbm:s6], $0xF7A  }
0x23: {  	s9 =	sor.u32 $0xD0000000, s2;
	s6 =	simm.s32 $0x108;
	_ =	swait.ge @!p0 [sflag:s8], $0x0  }
0x24: {  	s3 =	sadd.s32 $0x88, s3;
	s6 =	simm.s32 @!p1 $0x1082;
	[sflag:s4] =	ssyncset.s32 $0xFFFFF086  }
0x25: {  	[simem:s6], [sflag:s4] =	dma.local [hbm:s3], $0xF7A  }
0x26: {  	[smem:$0x3F89] =	sst s1;
	(tag) =	ssettag s2;
	_ =	strace s9  }
0x27: {  	s1 =	sld [smem:$0x3F99]  }
0x28: {  	s2 =	sld [smem:$0x3F9A]  }
0x29: {  	s4 =	sld [smem:$0x3F9C]  }
0x2a: {  	p0 =	seq.s32 s5, $0x0;
	s5 =	sld [smem:$0x3F9D]  }
0x2b: {  	s6 =	sld [smem:$0x3F9E]  }
0x2c: {  	s7 =	sld [smem:$0x3F9F]  }
0x2d: {  	s3 =	simm.s32 $0x108;
	s8 =	sld [smem:$0x3FA0]  }
0x2e: {  	s3 =	simm.s32 @!p0 $0x1082;
	s9 =	sld [smem:$0x3FA1]  }
0x2f: {  	lr =	sadd.s32 s0, s3;
	s0 =	sld [smem:$0x3F98]  }
0x30: {  	s3 =	sld [smem:$0x3F9B]  }
0x31: {  	[smem:$0x3FA4] =	sst s10  }
0x32: {  	s10 =	sld [smem:$0x3FA2];
	_ =	sdelay $0x3  }
0x33: {  	p0 =	seq.s32 s10, $0x1;
	s10 =	sld [smem:$0x3FA4];
	_ =	sdelay $0x3  }
0x34: {  	[smem:$0x3FA4] =	sst s10  }
0x35: {  	s10 =	sld [smem:$0x3FA3];
	_ =	sdelay $0x3  }
0x36: {  	p1 =	seq.s32 s10, $0x1;
	s10 =	sld [smem:$0x3FA4];
	_ =	sdelay $0x3  }
0x37: {  	[smem:$0x3FA4] =	sst s10  }
0x38: {  	s10 =	sld [smem:$0x3FA5]  }
0x39: {  	_ = 	snop;
	(pc) =	sbr.ind lr, $3  }
0x3a: {  	_ = 	snop  }
0x3b: {  	_ = 	snop  }
0x3c: {  	p2 =	seq.s32 s10, $0x1;
	s10 =	sld [smem:$0x3FA4]  }
0x3d: {  	_ =	shalt  }
0x3e: {  	_ =	shalt  }
0x3f: {  	_ =	shalt  }
0x40: {  	_ =	shalt  }
0x41: {  	_ =	shalt  }
0x42: {  	_ =	shalt  }
0x43: {  	_ =	shalt  }
0x44: {  	_ =	shalt  }
0x45: {  	_ =	shalt  }
0x46: {  	_ =	shalt  }
0x47: {  	_ =	shalt  }
0x48: {  	_ =	shalt  }
0x49: {  	_ =	shalt  }
0x4a: {  	_ =	shalt  }
0x4b: {  	_ =	shalt  }
0x4c: {  	_ =	shalt  }
0x4d: {  	_ =	shalt  }
0x4e: {  	_ =	shalt  }
0x4f: {  	_ =	shalt  }
0x50: {  	_ =	shalt  }
0x51: {  	_ =	shalt  }
0x52: {  	_ =	shalt  }
0x53: {  	_ =	shalt  }
0x54: {  	_ =	shalt  }
0x55: {  	_ =	shalt  }
0x56: {  	_ =	shalt  }
0x57: {  	_ =	shalt  }
0x58: {  	_ =	shalt  }
0x59: {  	_ =	shalt  }
0x5a: {  	_ =	shalt  }
0x5b: {  	_ =	shalt  }
0x5c: {  	_ =	shalt  }
0x5d: {  	_ =	shalt  }
0x5e: {  	_ =	shalt  }
0x5f: {  	_ =	shalt  }
0x60: {  	_ =	shalt  }
0x61: {  	_ =	shalt  }
0x62: {  	_ =	shalt  }
0x63: {  	_ =	shalt  }
0x64: {  	_ =	shalt  }
0x65: {  	_ =	shalt  }
0x66: {  	_ =	shalt  }
0x67: {  	_ =	shalt  }
0x68: {  	_ =	shalt  }
0x69: {  	_ =	shalt  }
0x6a: {  	_ =	shalt  }
0x6b: {  	_ =	shalt  }
0x6c: {  	_ =	shalt  }
0x6d: {  	_ =	shalt  }
0x6e: {  	_ =	shalt  }
0x6f: {  	_ =	shalt  }
0x70: {  	_ =	shalt  }
0x71: {  	_ =	shalt  }
0x72: {  	_ =	shalt  }
0x73: {  	_ =	shalt  }
0x74: {  	_ =	shalt  }
0x75: {  	_ =	shalt  }
0x76: {  	_ =	shalt  }
0x77: {  	_ =	shalt  }
0x78: {  	_ =	shalt  }
0x79: {  	_ =	shalt  }
0x7a: {  	_ =	shalt  }
0x7b: {  	_ =	shalt  }
0x7c: {  	_ =	shalt  }
0x7d: {  	_ =	shalt  }
0x7e: {  	_ =	shalt  }
0x7f: {  	_ =	shalt  }
0x80: {  	_ =	shalt  }
0x81: {  	_ =	shalt  }
0x82: {  	_ =	shalt  }
0x83: {  	_ =	shalt  }
0x84: {  	_ =	shalt  }
0x85: {  	_ =	shalt  }
0x86: {  	_ =	shalt  }
0x87: {  	_ =	shalt  }
.Lfunc_end0:
.L_simem_size_0:
called_computation.2_lowered:
.L_overlay_start_0:
0x88: {  	s2 =	sld [smem:$0x3FD9]  }
0x89: {  	s3 =	sld [smem:$0x3FFE];
	_ =	sdelay $0x1  }
0x8a: {  	s1 =	srdreg.scid  }
0x8b: {  	s0 =	sand.u32 $0x1, s1  }
0x8c: {  	s16 =	sshll.u32 s0, $0xA;
	s2 =	sadd.s32 s3, s2  }
0x8d: {  	s2 =	sadd.s32 s2, s16  }
0x8e: {  	[smem:$0x3FB0] =	sst s2  }
0x8f: {  	_ = 	snop  }
0x90: {  	(tm) =	ssettm $0x1  }
0x91: {  	s17 =	sld [smem:$0x3FFB];
	_ =	sdelay $0x3  }
0x92: {  	_ =	strace s17  }
0x93: {  	s2 =	sld [smem:$0x3FFC];
	_ =	sdelay $0x3  }
0x94: {  	_ =	strace s2  }
0x95: {  	s2 =	sld [smem:$0x3FFD];
	_ =	sdelay $0x3  }
0x96: {  	_ =	strace s2  }
0x97: {  	_ =	strace $0x8FFFFFFF  }
0x98: {  	s18 =	sld [smem:$0x3FDB];
	_ =	sdelay $0x1  }
0x99: {  	s19 =	simm.s32 $_scs_section_size  }
0x9a: {  	s4 =	simm.s32 $_size__tile_overlayer_lowered;
	s5 =	simm.s32 $_tile_overlayer_lowered  }
0x9b: {  	s22 =	simm.s32 $0x1BFF;
	s21 =	sshll.u32 s5, $0x1;
	s2 =	sadd.s32 s19, s18  }
0x9c: {  	s6 =	simm.s32 $0x0;
	s20 =	sshll.u32 s4, $0x1;
	s4 =	sadd.s32 s21, s2  }
0x9d: {  	[timem:s6], [sflag:s22] =	dma.local [hbm:s4], s20  }
0x9e: {  	_ =	swait.ge [sflag:s22], s20  }
0x9f: {  	s3 =	ssub.s32 $0x0, s20;
	[sflag:s22] =	ssyncset.done $0x0  }
0xa0: {  	[sflag:s22] =	ssyncadd.s32 s3;
	_ =	sdelay $0x1  }
0xa1: {  	s23 =	simm.s32 $0x1B8B  }
0xa2: {  	_ =	swait.ge [sflag:s23], $0x1  }
0xa3: {  	[sflag:s23] =	ssyncset.done $0x0  }
0xa4: {  	s25 =	simm.s32 $0x1B8E;
	s24 =	sld [smem:$0x3FFE];
	[sflag:s23] =	ssyncadd.s32 $0xFFFFFFFF  }
0xa5: {  	s26 =	simm.s32 $execute0_lowered;
	[smem:$0x3FD2] =	sst s25  }
0xa6: {  	s4 =	sshll.u32 s26, $0x1;
	_ =	strace $0x8000004C;
	[dreg:$0x1] =	wrdreg $0xFFFFFFFF  }
0xa7: {  	s28 =	simm.s32 $_size_execute0_lowered;
	s2 =	sadd.s32 s2, s4;
	[dreg:$0x0] =	wrdreg $0x0  }
0xa8: {  	s4 =	sshll.u32 s28, $0x1;
	[dreg:$0x2] =	wrdreg s2  }
0xa9: {  	[dreg:$0x3] =	wrdreg s4  }
0xaa: {  	[dreg:$0x4] =	wrdreg $0xC0  }
0xab: {  	_ =	task [dreg:s6], $0x5FFFF  }
0xac: {  	[dreg:$0x1] =	wrdreg $0xFFFFFFFF  }
0xad: {  	[dreg:$0x0] =	wrdreg $0x60  }
0xae: {  	[dreg:$0x2] =	wrdreg s24  }
0xaf: {  	[dreg:$0x3] =	wrdreg $0x62C00  }
0xb0: {  	[dreg:$0x4] =	wrdreg $0x9  }
0xb1: {  	_ =	task.clear_ibuf [dreg:s6], $0x5FFFF;
	_ =	strace $0x9000004C  }
0xb2: {  	s29 =	simm.s32 $0x9;
	_ =	strace $0x8000004E  }
0xb3: {  	_ =	swait.ge [sflag:s29], $0x1  }
0xb4: {  	[sflag:s29] =	ssyncadd.s32 $0xFFFFFFFF  }
0xb5: {  	_ =	strace $0x9000004E  }
0xb6: {  	_ =	sfence  }
0xb7: {  	s30 =	sld [smem:$0x0];
	_ =	sdelay $0x2  }
0xb8: {  	s31 =	sshll.u32 s1, $0xD;
	s1 =	sshrl.u32 s1, $0x2  }
0xb9: {  	s3 =	sand.u32 $0x4000, s31;
	s1 =	sadd.s32 s1, s30  }
0xba: {  	s0 =	sor.u32 s3, s0;
	s1 =	sshll.u32 s1, $0x11  }
0xbb: {  	s0 =	sor.u32 s1, s0  }
0xbc: {  	s0 =	sadd.s32 $0x8F2B, s0  }
0xbd: {  	[sflag:s0] =	ssyncadd.remote.s32 $0x1  }
0xbe: {  	_ =	sfence.sel $0xFFFF  }
0xbf: {  	[dreg:$0x0] =	wrdreg $0xFFFFFFFF;
	(pc) =	sbr.abs _section_cstart, $3  }
0xc0: {  	[dreg:$0x1] =	wrdreg $0xFFFFFFFF  }
0xc1: {  	_ =	task.clear_ibuf [dreg:s6], $0x2FFFF;
	_ =	strace $0x9FFFFFFF  }
0xc2: {  	(tm) =	ssettm $0x7FFFFFFF  }
0xc3: {  	_ =	shalt  }
tec
execute0_lowered:
.L_overlay_start_1:
0x0: {  	(tag) =	ssettag $0x1  }
0x1: {  	s6 =	rddreg [dreg:$0x0]  }
0x2: {  	s2 =	rddreg [dreg:$0x1]  }
0x3: {  	s0 =	rddreg [dreg:$0x2]  }
0x4: {  	s3 =	simm.s32 $0x0;
	s4 =	srdreg.scid;
	s1 =	stileid.u32  }
0x5: {  	s14 =	simm.s32 $0x7C;
	s19 =	simm.s32 $0x4EC0;
	s20 =	simm.s32 $0x58C0  }
0x6: {  	s21 =	simm.s32 $0x1;
	[smem:$0x7FF] =	sst s3;
	s8 =	smul.u32 $0x2710, s1  }
0x7: {  	s7 =	sand.u32 $0x1, s4;
	s4 =	sadd.s32 $0x17A00, s6;
	s12 =	smul.u32 $0x13880, s1  }
0x8: {  	s10 =	sadd.s32 $0xDC00, s6;
	s11 =	sadd.s32 $0x3E00, s6;
	s25 =	smul.u32 $0x4E20, s1  }
0x9: {  	s5 =	sadd.s32 $0x21800, s6;
	s26 =	sshll.u32 s1, $0x6;
	s28 =	smul.u32 $0x9C4, s1  }
0xa: {  	_ =	strace $0x8000004D;
	s9 =	smul.u32 $0x27100, s7;
	s22 =	ssub.s32 $0x2, s7  }
0xb: {  	p0 =	seq.s32 s7, $0x0;
	s23 =	sshrl.u32 s22, $0x1;
	s24 =	sshrl.u32 s12, $0x2  }
0xc: {  	s14 =	simm.s32 @!p0 $0x7E;
	s29 =	sshrl.u32 s25, $0x3;
	s7 =	sadd.s32 s10, s28  }
0xd: {  	s25 =	simm.s32 $0x0;
	s8 =	sadd.s32 s8, s9;
	s15 =	ssub.s32 s22, s23  }
0xe: {  	s16 =	sadd.s32 s24, s2;
	s30 =	sadd.s32 $0x4EC, s29;
	s17 =	smul.u32 $0x140, s14  }
0xf: {  	s18 =	sshrl.u32 s14, $0x1;
	s22 =	simm.s32 $0x2;
	s23 =	simm.s32 $0x10  }
0x10: {  	s24 =	simm.s32 $0x4;
	s13 =	sadd.s32 s8, s6;
	s6 =	sor.u32 $0x1C03, s26  }
0x11: {  	s8 =	sadd.s32 s11, s28;
	s9 =	sadd.s32 s10, s30;
	s10 =	sadd.s32 s11, s30  }
0x12: {  	s14 =	smax.u32 s15, $0x1;
	s15 =	sadd.s32 $0xFFFFFFFF, s18;
	s16 =	sshrl.u32 s16, $0x3  }
0x13: {  	s18 =	simm.s32 $0x50;
	s31 =	sshrl.u32 s17, $0x2;
	s13 =	sadd.s32 $0x22200, s13  }
0x14: {  	s17 =	simm.s32 $0x3;
	s11 =	sadd.s32 $0x26C0, s31;
	s12 =	sadd.s32 $0x2710, s31  }
.LBB2_1:
0x15: {  	[spmem:s16], [sflag:s6] =	dma.local [hbm:s5], $0x9C4  }
0x16: {  	_ =	swait.ge [sflag:s17], $0x9C4  }
0x17: {  	[sflag:s17] =	ssyncset.done $0x0  }
0x18: {  	s26 =	simm.s32 @p0 $0x0;
	s28 =	simm.s32 @p0 $0x3;
	[sflag:s17] =	ssyncadd.s32 $0xFFFFF63C  }
0x19: {  	[tilespmem:s26], [sflag:$0x3] =	stream.linear.gather @p0 [hbm4b:s9+s26], $0x26C0, $0x38;
	[tilespmem:$0xB0E0] =	vst v63  }
0x1a: {  	_ =	swait.ge @p0 [sflag:s28], $0x26C0  }
0x1b: {  	[sflag:s28] =	ssyncset.done @p0 $0x0  }
0x1c: {  	s29 =	simm.s32 @p0 $0x2760;
	[sflag:s28] =	ssyncadd.s32 @p0 $0xFFFFD940  }
0x1d: {  	[tilespmem:s29], [sflag:$0x3] =	stream.linear.gather @p0 [hbm4b:s10+s26], $0x26C0, $0x38;
	[tilespmem:$0xB0E0] =	vst v63  }
0x1e: {  	_ =	swait.ge @p0 [sflag:s28], $0x26C0  }
0x1f: {  	[sflag:s28] =	ssyncset.done @p0 $0x0  }
0x20: {  	s26 =	simm.s32 @!p0 $0x0;
	[sflag:s28] =	ssyncadd.s32 @p0 $0xFFFFD940;
	s28 =	simm.s32 @!p0 $0x3  }
0x21: {  	[tilespmem:s26], [sflag:$0x3] =	stream.linear.gather @!p0 [hbm4b:s7+s26], $0x2760, $0x38;
	[tilespmem:$0xB0E0] =	vst v63  }
0x22: {  	_ =	swait.ge @!p0 [sflag:s28], $0x2760  }
0x23: {  	[sflag:s28] =	ssyncset.done @!p0 $0x0  }
0x24: {  	s29 =	simm.s32 @!p0 $0x2760;
	[sflag:s28] =	ssyncadd.s32 @!p0 $0xFFFFD8A0  }
0x25: {  	[tilespmem:s29], [sflag:$0x3] =	stream.linear.gather @!p0 [hbm4b:s8+s26], $0x2760, $0x38;
	[tilespmem:$0xB0E0] =	vst v63  }
0x26: {  	_ =	swait.ge @!p0 [sflag:s28], $0x2760  }
0x27: {  	[sflag:s28] =	ssyncset.done @!p0 $0x0  }
0x28: {  	[sflag:s28] =	ssyncadd.s32 @!p0 $0xFFFFD8A0  }
0x29: {  	[bflag:$0x0] =	sbarrier.arrive $0xFFFF  }
0x2a: {  	[tilespmem:s19], [sflag:$0x1] =	stream.indirect.gather [hbm4b:s4+s18], $0x20, s3, s18, $0xb8;
	[tilespmem:$0xB0E0] =	vst v63  }
0x2b: {  	_ = 	snop  }
0x2c: {  	[tilespmem:s20], [sflag:$0x2] =	stream.indirect.gather [hbm4b:s4+s18], $0x20, s18, s18, $0xb8;
	[tilespmem:$0xB0E0] =	vst v63  }
0x2d: {  	_ =	swait.ge [sflag:s21], $0xA00  }
0x2e: {  	[sflag:s21] =	ssyncset.done $0x0  }
0x2f: {  	s31 =	simm.s32 $0x2760;
	[sflag:s21] =	ssyncadd.s32 $0xFFFFF600  }
0x30: {  	[spmem:s2] =	stream.indirect.scatter.add.f32 [tilespmem:s19], [sflag:$0x3], $0x20, s31, s18, $0xb8;
	[tilespmem:$0xB0E0] =	vst v63  }
0x31: {  	_ =	swait.ge [sflag:s17], $0xA00  }
0x32: {  	[sflag:s17] =	ssyncset.done $0x0  }
0x33: {  	s31 =	simm.s32 $0xA0;
	[sflag:s17] =	ssyncadd.s32 $0xFFFFF600  }
0x34: {  	[tilespmem:s19], [sflag:$0x1] =	stream.indirect.gather [hbm4b:s4+s18], $0x20, s31, s18, $0xb8;
	[tilespmem:$0xB0E0] =	vst v63  }
0x35: {  	_ =	swait.ge [sflag:s22], $0xA00  }
0x36: {  	p1 =	sne.s32 s15, $0x1;
	[sflag:s22] =	ssyncset.done $0x0  }
.Ltmp0:
0x37: {  	s31 =	simm.s32 $0x27B0;
	[sflag:s22] =	ssyncadd.s32 $0xFFFFF600;
	(pc) =	sbr.rel @!p1 .LBB2_3-.Ltmp0, $4  }
0x38: {  	[spmem:s2] =	stream.indirect.scatter.add.f32 [tilespmem:s20], [sflag:$0x3], $0x20, s31, s18, $0xb8;
	[tilespmem:$0xB0E0] =	vst v63  }
0x39: {  	_ =	swait.ge [sflag:s17], $0xA00  }
0x3a: {  	s30 =	simm.s32 $0x2850;
	s26 =	sadd.s32 $0xFFFFFFFF, s15;
	[sflag:s17] =	ssyncset.done $0x0  }
0x3b: {  	s29 =	simm.s32 $0x190;
	s28 =	simm.s32 $0xF0;
	[sflag:s17] =	ssyncadd.s32 $0xFFFFF600  }
.LBB2_2:
0x3c: {  	[tilespmem:s20], [sflag:$0x2] =	stream.indirect.gather [hbm4b:s4+s18], $0x20, s28, s18, $0xb8;
	[tilespmem:$0xB0E0] =	vst v63  }
0x3d: {  	p1 =	sne.s32 s26, $0x1;
	s26 =	sadd.s32 $0xFFFFFFFF, s26;
	_ =	swait.ge [sflag:s21], $0xA00  }
0x3e: {  	s28 =	smov.u32 s29;
	[sflag:s21] =	ssyncset.done $0x0  }
0x3f: {  	s31 =	sadd.s32 $0xFFFFFFB0, s30;
	[sflag:s21] =	ssyncadd.s32 $0xFFFFF600  }
0x40: {  	[spmem:s2] =	stream.indirect.scatter.add.f32 [tilespmem:s19], [sflag:$0x3], $0x20, s31, s18, $0xb8;
	[tilespmem:$0xB0E0] =	vst v63  }
0x41: {  	_ =	swait.ge [sflag:s17], $0xA00  }
0x42: {  	[sflag:s17] =	ssyncset.done $0x0  }
0x43: {  	s31 =	sadd.s32 $0xFFFFFFB0, s29;
	[sflag:s17] =	ssyncadd.s32 $0xFFFFF600  }
0x44: {  	[tilespmem:s19], [sflag:$0x1] =	stream.indirect.gather [hbm4b:s4+s18], $0x20, s31, s18, $0xb8;
	[tilespmem:$0xB0E0] =	vst v63  }
0x45: {  	_ =	swait.ge [sflag:s22], $0xA00  }
0x46: {  	[sflag:s22] =	ssyncset.done $0x0  }
.Ltmp1:
0x47: {  	[sflag:s22] =	ssyncadd.s32 $0xFFFFF600;
	(pc) =	sbr.rel @p1 .LBB2_2-.Ltmp1, $4  }
0x48: {  	[spmem:s2] =	stream.indirect.scatter.add.f32 [tilespmem:s20], [sflag:$0x3], $0x20, s30, s18, $0xb8;
	[tilespmem:$0xB0E0] =	vst v63  }
0x49: {  	_ =	swait.ge [sflag:s17], $0xA00  }
0x4a: {  	[sflag:s17] =	ssyncset.done $0x0  }
0x4b: {  	s29 =	sadd.s32 $0xA0, s29;
	s30 =	sadd.s32 $0xA0, s30;
	[sflag:s17] =	ssyncadd.s32 $0xFFFFF600  }
.LBB2_3:
0x4c: {  	[tilespmem:s20], [sflag:$0x2] =	stream.indirect.gather [hbm4b:s4+s18], $0x20, s28, s18, $0xb8;
	[tilespmem:$0xB0E0] =	vst v63  }
0x4d: {  	_ =	swait.ge [sflag:s21], $0xA00  }
0x4e: {  	[sflag:s21] =	ssyncset.done $0x0  }
0x4f: {  	[sflag:s21] =	ssyncadd.s32 $0xFFFFF600  }
0x50: {  	[spmem:s2] =	stream.indirect.scatter.add.f32 [tilespmem:s19], [sflag:$0x3], $0x20, s11, s18, $0xb8;
	[tilespmem:$0xB0E0] =	vst v63  }
0x51: {  	_ =	swait.ge [sflag:s17], $0xA00  }
0x52: {  	[sflag:s17] =	ssyncset.done $0x0  }
0x53: {  	[sflag:s17] =	ssyncadd.s32 $0xFFFFF600  }
0x54: {  	_ =	swait.ge [sflag:s22], $0xA00  }
0x55: {  	[sflag:s22] =	ssyncset.done $0x0  }
0x56: {  	[sflag:s22] =	ssyncadd.s32 $0xFFFFF600  }
0x57: {  	[spmem:s2] =	stream.indirect.scatter.add.f32 [tilespmem:s20], [sflag:$0x3], $0x20, s12, s18, $0xb8;
	[tilespmem:$0xB0E0] =	vst v63  }
0x58: {  	_ =	swait.ge [sflag:s17], $0xA00  }
0x59: {  	s25 =	sadd.s32 $0x1, s25;
	[sflag:s17] =	ssyncset.done $0x0  }
0x5a: {  	p1 =	sne.s32 s25, s14;
	[sflag:s17] =	ssyncadd.s32 $0xFFFFF600  }
.Ltmp2:
0x5b: {  	[bflag:$0x0] =	sbarrier.arrive $0xFFFF;
	(pc) =	sbr.rel @p1 .LBB2_1-.Ltmp2, $4  }
0x5c: {  	[hbm:s13@s23], [sflag:s6] =	dma.strided [spmem:s16@s24], $0x9C4, s21, $0x4   }
0x5d: {  	_ =	swait.ge [sflag:s17], $0x9C4  }
0x5e: {  	[sflag:s17] =	ssyncset.done $0x0  }
0x5f: {  	[sflag:s17] =	ssyncadd.s32 $0xFFFFF63C  }
0x60: {  	_ =	sfence.sel $0x180000  }
0x61: {  	[bflag:$0x0] =	sbarrier.arrive $0xFFFF  }
0x62: {  	p0 =	sne.s32 s1, $0x0;
	_ =	strace $0x9000004D  }
0x63: {  	s0 =	sadd.s32 @!p0 $0x100000, s0;
	[bflag:$0x2] =	sbarrier.arrive $0xFFFF  }
0x64: {  	[sflag:s0] =	ssyncadd.tile.s32 @!p0 $0x1;
	_ =	shalt  }
.Lfunc_end2:
_tile_overlayer_lowered:
.L_overlay_start_2:
0x65: {  	(tag) =	ssettag $0x2  }
0x66: {  	s0 =	rddreg [dreg:$0x0];
	s2 =	stileid.u32  }
0x67: {  	s1 =	rddreg [dreg:$0x1];
	p0 =	sne.s32 s2, $0x0  }
0x68: {  	s3 =	rddreg [dreg:$0x2];
	[bflag:$0x3] =	sbarrier.arrive $0xFFFF;
	s2 =	simm.s32 @!p0 $0x1C03  }
0x69: {  	[timem:s3], [sflag:s2] =	dma.local @!p0 [hbm:s0], s1  }
0x6a: {  	s0 =	simm.s32 @!p0 $0x3  }
0x6b: {  	_ =	swait.ge @!p0 [sflag:s0], s1  }
0x6c: {  	s1 =	ssub.s32 @!p0 $0x0, s1;
	[sflag:s0] =	ssyncset.done @!p0 $0x0  }
0x6d: {  	[sflag:s0] =	ssyncadd.s32 @!p0 s1  }
0x6e: {  	[bflag:$0x3] =	sbarrier.arrive $0xFFFF  }
0x6f: {  	_ =	shalt  }

// kernel: kernel.8.cloned.1.call-start
scs
__scs_entry_jumppad:
0x0: {  	(pc) =	sbr.rel $0x88, $3  }
0x1: {  	(tag) =	ssettag $0x0;
	lr =	simm.s32 $0x1  }
0x2: {  	[smem:$0x3F89] =	sst lr;
	_ =	strace $0xD0000000  }
0x3: {  	_ = 	snop  }
0x4: {  	_ = 	snop  }
0x5: {  	_ = 	snop  }
0x6: {  	_ = 	snop  }
0x7: {  	_ = 	snop  }
__scs_overlays_trampoline_lowered:
0x8: {  	[smem:$0x3F98] =	sst s0  }
0x9: {  	[smem:$0x3F99] =	sst s1  }
0xa: {  	[smem:$0x3F9A] =	sst s2  }
0xb: {  	[smem:$0x3F9B] =	sst s3  }
0xc: {  	[smem:$0x3F9C] =	sst s4  }
0xd: {  	[smem:$0x3F9D] =	sst s5  }
0xe: {  	[smem:$0x3F9E] =	sst s6  }
0xf: {  	[smem:$0x3F9F] =	sst s7  }
0x10: {  	[smem:$0x3FA0] =	sst s8  }
0x11: {  	[smem:$0x3FA1] =	sst s9;
	s0 =	simm.s32 @!p0 $0x0  }
0x12: {  	s1 =	sld [smem:$0x3F87];
	s0 =	simm.s32 @p0 $0x1  }
0x13: {  	[smem:$0x3FA2] =	sst s0;
	s0 =	simm.s32 @!p1 $0x0  }
0x14: {  	s2 =	sld [smem:$0x3F86];
	s0 =	simm.s32 @p1 $0x1  }
0x15: {  	[smem:$0x3FA3] =	sst s0;
	s0 =	simm.s32 @!p2 $0x0  }
0x16: {  	s3 =	sld [smem:$0x3FDB];
	s0 =	simm.s32 @p2 $0x1  }
0x17: {  	s4 =	simm.s32 $0x1BF5;
	[smem:$0x3FA5] =	sst s0  }
0x18: {  	s0 =	sld [smem:$0x3F88];
	_ =	swait.ge [sflag:s4], $0x0  }
0x19: {  	s7 =	sld [smem:$0x3F89]  }
0x1a: {  	s8 =	sadd.s32 $0xFFFFE003, lr  }
0x1b: {  	s9 =	sadd.s32 $0xFFFFFEF7, lr;
	s5 =	simm.s32 $0xFFFFFFFF;
	p2 =	slt.u32 s8, $0xFFFFF086  }
0x1c: {  	p1 =	slt.u32 s9, $0xF7A;
	s5 =	simm.s32 @!p2 $0x0  }
0x1d: {  	s5 =	simm.s32 @p1 $0x1;
	p0 =	seq.s32 s7, s2  }
0x1e: {  	s7 =	smul.u32 @!p0 $0xF7A, s2;
	p2 =	seq.s32 @!p0 s5, $0x0  }
0x1f: {  	s9 =	smul.u32 $0xF7A, s1;
	s8 =	simm.s32 @!p0 $0x1BF5;
	p2 =	por !p2, p0  }
0x20: {  	[sflag:s8] =	ssyncset.s32 @!p0 $0xFFFFF086;
	s6 =	sadd.s32 @!p0 s3, s7;
	s7 =	simm.s32 @!p0 $0x108  }
0x21: {  	s3 =	sadd.s32 s3, s9;
	s6 =	sadd.s32 @!p0 $0x88, s6;
	s7 =	simm.s32 @p2 $0x1082  }
0x22: {  	[simem:s7], [sflag:s8] =	dma.local @!p0 [hbm:s6], $0xF7A  }
0x23: {  	s9 =	sor.u32 $0xD0000000, s2;
	s6 =	simm.s32 $0x108;
	_ =	swait.ge @!p0 [sflag:s8], $0x0  }
0x24: {  	s3 =	sadd.s32 $0x88, s3;
	s6 =	simm.s32 @!p1 $0x1082;
	[sflag:s4] =	ssyncset.s32 $0xFFFFF086  }
0x25: {  	[simem:s6], [sflag:s4] =	dma.local [hbm:s3], $0xF7A  }
0x26: {  	[smem:$0x3F89] =	sst s1;
	(tag) =	ssettag s2;
	_ =	strace s9  }
0x27: {  	s1 =	sld [smem:$0x3F99]  }
0x28: {  	s2 =	sld [smem:$0x3F9A]  }
0x29: {  	s4 =	sld [smem:$0x3F9C]  }
0x2a: {  	p0 =	seq.s32 s5, $0x0;
	s5 =	sld [smem:$0x3F9D]  }
0x2b: {  	s6 =	sld [smem:$0x3F9E]  }
0x2c: {  	s7 =	sld [smem:$0x3F9F]  }
0x2d: {  	s3 =	simm.s32 $0x108;
	s8 =	sld [smem:$0x3FA0]  }
0x2e: {  	s3 =	simm.s32 @!p0 $0x1082;
	s9 =	sld [smem:$0x3FA1]  }
0x2f: {  	lr =	sadd.s32 s0, s3;
	s0 =	sld [smem:$0x3F98]  }
0x30: {  	s3 =	sld [smem:$0x3F9B]  }
0x31: {  	[smem:$0x3FA4] =	sst s10  }
0x32: {  	s10 =	sld [smem:$0x3FA2];
	_ =	sdelay $0x3  }
0x33: {  	p0 =	seq.s32 s10, $0x1;
	s10 =	sld [smem:$0x3FA4];
	_ =	sdelay $0x3  }
0x34: {  	[smem:$0x3FA4] =	sst s10  }
0x35: {  	s10 =	sld [smem:$0x3FA3];
	_ =	sdelay $0x3  }
0x36: {  	p1 =	seq.s32 s10, $0x1;
	s10 =	sld [smem:$0x3FA4];
	_ =	sdelay $0x3  }
0x37: {  	[smem:$0x3FA4] =	sst s10  }
0x38: {  	s10 =	sld [smem:$0x3FA5]  }
0x39: {  	_ = 	snop;
	(pc) =	sbr.ind lr, $3  }
0x3a: {  	_ = 	snop  }
0x3b: {  	_ = 	snop  }
0x3c: {  	p2 =	seq.s32 s10, $0x1;
	s10 =	sld [smem:$0x3FA4]  }
0x3d: {  	_ =	shalt  }
0x3e: {  	_ =	shalt  }
0x3f: {  	_ =	shalt  }
0x40: {  	_ =	shalt  }
0x41: {  	_ =	shalt  }
0x42: {  	_ =	shalt  }
0x43: {  	_ =	shalt  }
0x44: {  	_ =	shalt  }
0x45: {  	_ =	shalt  }
0x46: {  	_ =	shalt  }
0x47: {  	_ =	shalt  }
0x48: {  	_ =	shalt  }
0x49: {  	_ =	shalt  }
0x4a: {  	_ =	shalt  }
0x4b: {  	_ =	shalt  }
0x4c: {  	_ =	shalt  }
0x4d: {  	_ =	shalt  }
0x4e: {  	_ =	shalt  }
0x4f: {  	_ =	shalt  }
0x50: {  	_ =	shalt  }
0x51: {  	_ =	shalt  }
0x52: {  	_ =	shalt  }
0x53: {  	_ =	shalt  }
0x54: {  	_ =	shalt  }
0x55: {  	_ =	shalt  }
0x56: {  	_ =	shalt  }
0x57: {  	_ =	shalt  }
0x58: {  	_ =	shalt  }
0x59: {  	_ =	shalt  }
0x5a: {  	_ =	shalt  }
0x5b: {  	_ =	shalt  }
0x5c: {  	_ =	shalt  }
0x5d: {  	_ =	shalt  }
0x5e: {  	_ =	shalt  }
0x5f: {  	_ =	shalt  }
0x60: {  	_ =	shalt  }
0x61: {  	_ =	shalt  }
0x62: {  	_ =	shalt  }
0x63: {  	_ =	shalt  }
0x64: {  	_ =	shalt  }
0x65: {  	_ =	shalt  }
0x66: {  	_ =	shalt  }
0x67: {  	_ =	shalt  }
0x68: {  	_ =	shalt  }
0x69: {  	_ =	shalt  }
0x6a: {  	_ =	shalt  }
0x6b: {  	_ =	shalt  }
0x6c: {  	_ =	shalt  }
0x6d: {  	_ =	shalt  }
0x6e: {  	_ =	shalt  }
0x6f: {  	_ =	shalt  }
0x70: {  	_ =	shalt  }
0x71: {  	_ =	shalt  }
0x72: {  	_ =	shalt  }
0x73: {  	_ =	shalt  }
0x74: {  	_ =	shalt  }
0x75: {  	_ =	shalt  }
0x76: {  	_ =	shalt  }
0x77: {  	_ =	shalt  }
0x78: {  	_ =	shalt  }
0x79: {  	_ =	shalt  }
0x7a: {  	_ =	shalt  }
0x7b: {  	_ =	shalt  }
0x7c: {  	_ =	shalt  }
0x7d: {  	_ =	shalt  }
0x7e: {  	_ =	shalt  }
0x7f: {  	_ =	shalt  }
0x80: {  	_ =	shalt  }
0x81: {  	_ =	shalt  }
0x82: {  	_ =	shalt  }
0x83: {  	_ =	shalt  }
0x84: {  	_ =	shalt  }
0x85: {  	_ =	shalt  }
0x86: {  	_ =	shalt  }
0x87: {  	_ =	shalt  }
.Lfunc_end0:
.L_simem_size_0:
called_computation_lowered:
.L_overlay_start_0:
0x88: {  	s2 =	sld [smem:$0x3FD9]  }
0x89: {  	s3 =	sld [smem:$0x3FFE];
	_ =	sdelay $0x1  }
0x8a: {  	s1 =	srdreg.scid  }
0x8b: {  	s0 =	sand.u32 $0x1, s1  }
0x8c: {  	s17 =	sshll.u32 s0, $0xA;
	s2 =	sadd.s32 s3, s2  }
0x8d: {  	s2 =	sadd.s32 s2, s17  }
0x8e: {  	[smem:$0x3FB0] =	sst s2  }
0x8f: {  	_ = 	snop  }
0x90: {  	s2 =	sld [smem:$0x3FC9];
	(tm) =	ssettm $0x1  }
0x91: {  	s18 =	sld [smem:$0x3FFB];
	_ =	sdelay $0x3  }
0x92: {  	_ =	strace s18  }
0x93: {  	s3 =	sld [smem:$0x3FFC];
	_ =	sdelay $0x3  }
0x94: {  	_ =	strace s3  }
0x95: {  	s3 =	sld [smem:$0x3FFD];
	_ =	sdelay $0x3  }
0x96: {  	_ =	strace s3  }
0x97: {  	_ =	strace $0x8FFFFFFF  }
0x98: {  	s19 =	sld [smem:$0x3FDB];
	_ =	sdelay $0x1  }
0x99: {  	s4 =	simm.s32 $_scs_section_size  }
0x9a: {  	s5 =	simm.s32 $_size__tile_overlayer_lowered;
	s6 =	simm.s32 $_tile_overlayer_lowered  }
0x9b: {  	s22 =	simm.s32 $0x1BFF;
	s21 =	sshll.u32 s6, $0x1;
	s3 =	sadd.s32 s4, s19  }
0x9c: {  	s7 =	simm.s32 $0x0;
	s20 =	sshll.u32 s5, $0x1;
	s5 =	sadd.s32 s21, s3  }
0x9d: {  	[timem:s7], [sflag:s22] =	dma.local [hbm:s5], s20  }
0x9e: {  	_ =	swait.ge [sflag:s22], s20  }
0x9f: {  	s4 =	ssub.s32 $0x0, s20;
	[sflag:s22] =	ssyncset.done $0x0  }
0xa0: {  	[sflag:s22] =	ssyncadd.s32 s4;
	_ =	sdelay $0x1  }
0xa1: {  	s23 =	simm.s32 $0x1B8B  }
0xa2: {  	_ =	swait.ge [sflag:s23], $0x1  }
0xa3: {  	[sflag:s23] =	ssyncset.done $0x0  }
0xa4: {  	s25 =	simm.s32 $0x1B8E;
	s24 =	sld [smem:$0x3FFE];
	[sflag:s23] =	ssyncadd.s32 $0xFFFFFFFF  }
0xa5: {  	s26 =	simm.s32 $execute0_lowered;
	[smem:$0x3FD2] =	sst s25  }
0xa6: {  	s5 =	sshll.u32 s26, $0x1;
	_ =	strace $0x80000046;
	[dreg:$0x1] =	wrdreg $0xFFFFFFFF  }
0xa7: {  	s28 =	simm.s32 $_size_execute0_lowered;
	s3 =	sadd.s32 s3, s5;
	[dreg:$0x0] =	wrdreg $0x0  }
0xa8: {  	s5 =	sshll.u32 s28, $0x1;
	[dreg:$0x2] =	wrdreg s3  }
0xa9: {  	[dreg:$0x3] =	wrdreg s5  }
0xaa: {  	[dreg:$0x4] =	wrdreg $0xC0  }
0xab: {  	_ =	task [dreg:s7], $0x5FFFF  }
0xac: {  	[dreg:$0x1] =	wrdreg $0xFFFFFFFF  }
0xad: {  	[dreg:$0x0] =	wrdreg $0x60  }
0xae: {  	[dreg:$0x2] =	wrdreg s2  }
0xaf: {  	[dreg:$0x3] =	wrdreg s24  }
0xb0: {  	[dreg:$0x4] =	wrdreg $0x9EC00  }
0xb1: {  	[dreg:$0x5] =	wrdreg $0x9  }
0xb2: {  	_ =	task.clear_ibuf [dreg:s7], $0x6FFFF;
	_ =	strace $0x90000046  }
0xb3: {  	s29 =	simm.s32 $0x9;
	_ =	strace $0x80000048  }
0xb4: {  	_ =	swait.ge [sflag:s29], $0x1  }
0xb5: {  	[sflag:s29] =	ssyncadd.s32 $0xFFFFFFFF  }
0xb6: {  	_ =	strace $0x90000048  }
0xb7: {  	_ =	sfence  }
0xb8: {  	s30 =	sld [smem:$0x0];
	_ =	sdelay $0x2  }
0xb9: {  	s31 =	sshll.u32 s1, $0xD;
	s1 =	sshrl.u32 s1, $0x2  }
0xba: {  	s3 =	sand.u32 $0x4000, s31;
	s1 =	sadd.s32 s1, s30  }
0xbb: {  	s0 =	sor.u32 s3, s0;
	s1 =	sshll.u32 s1, $0x11  }
0xbc: {  	s0 =	sor.u32 s1, s0  }
0xbd: {  	s0 =	sadd.s32 $0x8F2B, s0  }
0xbe: {  	[sflag:s0] =	ssyncadd.remote.s32 $0x1  }
0xbf: {  	_ =	sfence.sel $0xFFFF  }
0xc0: {  	[dreg:$0x0] =	wrdreg $0xFFFFFFFF;
	(pc) =	sbr.abs _section_cstart, $3  }
0xc1: {  	[dreg:$0x1] =	wrdreg $0xFFFFFFFF  }
0xc2: {  	_ =	task.clear_ibuf [dreg:s7], $0x2FFFF;
	_ =	strace $0x9FFFFFFF  }
0xc3: {  	(tm) =	ssettm $0x7FFFFFFF  }
tec
execute0_lowered:
.L_overlay_start_1:
0x0: {  	(tag) =	ssettag $0x1  }
0x1: {  	s1 =	rddreg [dreg:$0x0]  }
0x2: {  	s6 =	rddreg [dreg:$0x1]  }
0x3: {  	s3 =	rddreg [dreg:$0x2]  }
0x4: {  	s0 =	rddreg [dreg:$0x3]  }
0x5: {  	s4 =	simm.s32 $0x0;
	s5 =	srdreg.scid;
	s2 =	stileid.u32  }
0x6: {  	s18 =	simm.s32 $0x50;
	s19 =	simm.s32 $0x4EC0;
	s20 =	simm.s32 $0x76C0  }
0x7: {  	s21 =	simm.s32 $0x1;
	s22 =	simm.s32 $0x2;
	s8 =	smul.u32 $0x2710, s2  }
0x8: {  	s23 =	simm.s32 $0x0;
	[smem:$0x7FF] =	sst s4;
	s13 =	smul.u32 $0x4E200, s2  }
0x9: {  	s7 =	sand.u32 $0x1, s5;
	s9 =	sadd.s32 $0xDC00, s6;
	s26 =	smul.u32 $0x4E20, s2  }
0xa: {  	s11 =	sadd.s32 $0x3E00, s6;
	s5 =	sadd.s32 $0x17A00, s6;
	s28 =	smul.u32 $0x9C4, s2  }
0xb: {  	s29 =	sshll.u32 s2, $0x6;
	_ =	strace $0x80000047;
	s12 =	ssub.s32 $0x2, s7  }
0xc: {  	s10 =	smul.u32 $0x27100, s7;
	p0 =	seq.s32 s7, $0x0;
	s24 =	sshrl.u32 s12, $0x1  }
0xd: {  	s25 =	sshrl.u32 s13, $0x2;
	s30 =	sshrl.u32 s26, $0x3;
	s7 =	sadd.s32 s9, s28  }
0xe: {  	s8 =	sadd.s32 s8, s10;
	s15 =	ssub.s32 s12, s24;
	s12 =	simm.s32 $0x7C  }
0xf: {  	s16 =	sadd.s32 s25, s3;
	s10 =	sadd.s32 $0x4EC, s30;
	s12 =	simm.s32 @!p0 $0x7E  }
0x10: {  	s14 =	sadd.s32 s8, s6;
	s6 =	sor.u32 $0x1C03, s29;
	s31 =	smul.u32 $0x140, s12  }
0x11: {  	s8 =	sadd.s32 s11, s28;
	s9 =	sadd.s32 s9, s10;
	s10 =	sadd.s32 s11, s10  }
0x12: {  	s16 =	sshrl.u32 s16, $0x3;
	s17 =	sshrl.u32 s12, $0x1;
	s13 =	sshrl.u32 s31, $0x2  }
0x13: {  	s11 =	sadd.s32 $0x26C0, s13;
	s12 =	sadd.s32 $0x2710, s13;
	s13 =	sadd.s32 $0x1A200, s14  }
0x14: {  	s14 =	smax.u32 s15, $0x1;
	s15 =	sadd.s32 $0xFFFFFFFF, s17;
	s17 =	simm.s32 $0x3  }
.LBB2_1:
0x15: {  	[spmem:s16], [sflag:s6] =	dma.local [hbm:s5], $0x2710  }
0x16: {  	_ =	swait.ge [sflag:s17], $0x2710  }
0x17: {  	[sflag:s17] =	ssyncset.done $0x0  }
0x18: {  	s24 =	simm.s32 @p0 $0x0;
	s25 =	simm.s32 @p0 $0x3;
	[sflag:s17] =	ssyncadd.s32 $0xFFFFD8F0  }
0x19: {  	[tilespmem:s24], [sflag:$0x3] =	stream.linear.gather @p0 [hbm4b:s9+s24], $0x26C0, $0x38;
	[tilespmem:$0x1D740] =	vst v63  }
0x1a: {  	_ =	swait.ge @p0 [sflag:s25], $0x26C0  }
0x1b: {  	[sflag:s25] =	ssyncset.done @p0 $0x0  }
0x1c: {  	s26 =	simm.s32 @p0 $0x2760;
	[sflag:s25] =	ssyncadd.s32 @p0 $0xFFFFD940  }
0x1d: {  	[tilespmem:s26], [sflag:$0x3] =	stream.linear.gather @p0 [hbm4b:s10+s24], $0x26C0, $0x38;
	[tilespmem:$0x1D740] =	vst v63  }
0x1e: {  	_ =	swait.ge @p0 [sflag:s25], $0x26C0  }
0x1f: {  	[sflag:s25] =	ssyncset.done @p0 $0x0  }
0x20: {  	s24 =	simm.s32 @!p0 $0x0;
	[sflag:s25] =	ssyncadd.s32 @p0 $0xFFFFD940;
	s25 =	simm.s32 @!p0 $0x3  }
0x21: {  	[tilespmem:s24], [sflag:$0x3] =	stream.linear.gather @!p0 [hbm4b:s7+s24], $0x2760, $0x38;
	[tilespmem:$0x1D740] =	vst v63  }
0x22: {  	_ =	swait.ge @!p0 [sflag:s25], $0x2760  }
0x23: {  	[sflag:s25] =	ssyncset.done @!p0 $0x0  }
0x24: {  	s26 =	simm.s32 @!p0 $0x2760;
	[sflag:s25] =	ssyncadd.s32 @!p0 $0xFFFFD8A0  }
0x25: {  	[tilespmem:s26], [sflag:$0x3] =	stream.linear.gather @!p0 [hbm4b:s8+s24], $0x2760, $0x38;
	[tilespmem:$0x1D740] =	vst v63  }
0x26: {  	_ =	swait.ge @!p0 [sflag:s25], $0x2760  }
0x27: {  	[sflag:s25] =	ssyncset.done @!p0 $0x0  }
0x28: {  	[sflag:s25] =	ssyncadd.s32 @!p0 $0xFFFFD8A0  }
0x29: {  	[bflag:$0x0] =	sbarrier.arrive $0xFFFF  }
0x2a: {  	[tilespmem:s19], [sflag:$0x1] =	stream.indirect.gather [hbm4b:s1+s18], $0x80, s4, s18, $0xb8;
	[tilespmem:$0x1D740] =	vst v63  }
0x2b: {  	_ = 	snop  }
0x2c: {  	[tilespmem:s20], [sflag:$0x2] =	stream.indirect.gather [hbm4b:s1+s18], $0x80, s18, s18, $0xb8;
	[tilespmem:$0x1D740] =	vst v63  }
0x2d: {  	_ =	swait.ge [sflag:s21], $0x2800  }
0x2e: {  	[sflag:s21] =	ssyncset.done $0x0  }
0x2f: {  	s29 =	simm.s32 $0x2760;
	[sflag:s21] =	ssyncadd.s32 $0xFFFFD800  }
0x30: {  	[spmem:s3] =	stream.indirect.scatter.add.f32 [tilespmem:s19], [sflag:$0x3], $0x80, s29, s18, $0xb8;
	[tilespmem:$0x1D740] =	vst v63  }
0x31: {  	_ =	swait.ge [sflag:s17], $0x2800  }
0x32: {  	[sflag:s17] =	ssyncset.done $0x0  }
0x33: {  	s30 =	simm.s32 $0xA0;
	[sflag:s17] =	ssyncadd.s32 $0xFFFFD800  }
0x34: {  	[tilespmem:s19], [sflag:$0x1] =	stream.indirect.gather [hbm4b:s1+s18], $0x80, s30, s18, $0xb8;
	[tilespmem:$0x1D740] =	vst v63  }
0x35: {  	_ =	swait.ge [sflag:s22], $0x2800  }
0x36: {  	p1 =	sne.s32 s15, $0x1;
	[sflag:s22] =	ssyncset.done $0x0  }
.Ltmp0:
0x37: {  	s31 =	simm.s32 $0x27B0;
	[sflag:s22] =	ssyncadd.s32 $0xFFFFD800;
	(pc) =	sbr.rel @!p1 .LBB2_3-.Ltmp0, $4  }
0x38: {  	[spmem:s3] =	stream.indirect.scatter.add.f32 [tilespmem:s20], [sflag:$0x3], $0x80, s31, s18, $0xb8;
	[tilespmem:$0x1D740] =	vst v63  }
0x39: {  	_ =	swait.ge [sflag:s17], $0x2800  }
0x3a: {  	s28 =	simm.s32 $0x2850;
	s24 =	sadd.s32 $0xFFFFFFFF, s15;
	[sflag:s17] =	ssyncset.done $0x0  }
0x3b: {  	s26 =	simm.s32 $0x190;
	s25 =	simm.s32 $0xF0;
	[sflag:s17] =	ssyncadd.s32 $0xFFFFD800  }
.LBB2_2:
0x3c: {  	[tilespmem:s20], [sflag:$0x2] =	stream.indirect.gather [hbm4b:s1+s18], $0x80, s25, s18, $0xb8;
	[tilespmem:$0x1D740] =	vst v63  }
0x3d: {  	p1 =	sne.s32 s24, $0x1;
	s24 =	sadd.s32 $0xFFFFFFFF, s24;
	_ =	swait.ge [sflag:s21], $0x2800  }
0x3e: {  	s25 =	smov.u32 s26;
	[sflag:s21] =	ssyncset.done $0x0  }
0x3f: {  	s29 =	sadd.s32 $0xFFFFFFB0, s28;
	[sflag:s21] =	ssyncadd.s32 $0xFFFFD800  }
0x40: {  	[spmem:s3] =	stream.indirect.scatter.add.f32 [tilespmem:s19], [sflag:$0x3], $0x80, s29, s18, $0xb8;
	[tilespmem:$0x1D740] =	vst v63  }
0x41: {  	_ =	swait.ge [sflag:s17], $0x2800  }
0x42: {  	[sflag:s17] =	ssyncset.done $0x0  }
0x43: {  	s29 =	sadd.s32 $0xFFFFFFB0, s26;
	[sflag:s17] =	ssyncadd.s32 $0xFFFFD800  }
0x44: {  	[tilespmem:s19], [sflag:$0x1] =	stream.indirect.gather [hbm4b:s1+s18], $0x80, s29, s18, $0xb8;
	[tilespmem:$0x1D740] =	vst v63  }
0x45: {  	_ =	swait.ge [sflag:s22], $0x2800  }
0x46: {  	[sflag:s22] =	ssyncset.done $0x0  }
.Ltmp1:
0x47: {  	[sflag:s22] =	ssyncadd.s32 $0xFFFFD800;
	(pc) =	sbr.rel @p1 .LBB2_2-.Ltmp1, $4  }
0x48: {  	[spmem:s3] =	stream.indirect.scatter.add.f32 [tilespmem:s20], [sflag:$0x3], $0x80, s28, s18, $0xb8;
	[tilespmem:$0x1D740] =	vst v63  }
0x49: {  	_ =	swait.ge [sflag:s17], $0x2800  }
0x4a: {  	[sflag:s17] =	ssyncset.done $0x0  }
0x4b: {  	s26 =	sadd.s32 $0xA0, s26;
	s28 =	sadd.s32 $0xA0, s28;
	[sflag:s17] =	ssyncadd.s32 $0xFFFFD800  }
.LBB2_3:
0x4c: {  	[tilespmem:s20], [sflag:$0x2] =	stream.indirect.gather [hbm4b:s1+s18], $0x80, s25, s18, $0xb8;
	[tilespmem:$0x1D740] =	vst v63  }
0x4d: {  	_ =	swait.ge [sflag:s21], $0x2800  }
0x4e: {  	[sflag:s21] =	ssyncset.done $0x0  }
0x4f: {  	[sflag:s21] =	ssyncadd.s32 $0xFFFFD800  }
0x50: {  	[spmem:s3] =	stream.indirect.scatter.add.f32 [tilespmem:s19], [sflag:$0x3], $0x80, s11, s18, $0xb8;
	[tilespmem:$0x1D740] =	vst v63  }
0x51: {  	_ =	swait.ge [sflag:s17], $0x2800  }
0x52: {  	[sflag:s17] =	ssyncset.done $0x0  }
0x53: {  	[sflag:s17] =	ssyncadd.s32 $0xFFFFD800  }
0x54: {  	_ =	swait.ge [sflag:s22], $0x2800  }
0x55: {  	[sflag:s22] =	ssyncset.done $0x0  }
0x56: {  	[sflag:s22] =	ssyncadd.s32 $0xFFFFD800  }
0x57: {  	[spmem:s3] =	stream.indirect.scatter.add.f32 [tilespmem:s20], [sflag:$0x3], $0x80, s12, s18, $0xb8;
	[tilespmem:$0x1D740] =	vst v63  }
0x58: {  	_ =	swait.ge [sflag:s17], $0x2800  }
0x59: {  	s23 =	sadd.s32 $0x1, s23;
	[sflag:s17] =	ssyncset.done $0x0  }
0x5a: {  	p1 =	sne.s32 s23, s14;
	[sflag:s17] =	ssyncadd.s32 $0xFFFFD800  }
.Ltmp2:
0x5b: {  	[bflag:$0x0] =	sbarrier.arrive $0xFFFF;
	(pc) =	sbr.rel @p1 .LBB2_1-.Ltmp2, $4  }
0x5c: {  	[hbm:s13], [sflag:s6] =	dma.local [spmem:s16], $0x2710  }
0x5d: {  	_ =	swait.ge [sflag:s17], $0x2710  }
0x5e: {  	[sflag:s17] =	ssyncset.done $0x0  }
0x5f: {  	[sflag:s17] =	ssyncadd.s32 $0xFFFFD8F0  }
0x60: {  	_ =	sfence.sel $0x180000  }
0x61: {  	[bflag:$0x0] =	sbarrier.arrive $0xFFFF  }
0x62: {  	p0 =	sne.s32 s2, $0x0;
	_ =	strace $0x90000047  }
0x63: {  	s0 =	sadd.s32 @!p0 $0x100000, s0;
	[bflag:$0x2] =	sbarrier.arrive $0xFFFF  }
0x64: {  	[sflag:s0] =	ssyncadd.tile.s32 @!p0 $0x1;
	_ =	shalt  }
.Lfunc_end2:
_tile_overlayer_lowered:
.L_overlay_start_2:
0x65: {  	(tag) =	ssettag $0x2  }
0x66: {  	s0 =	rddreg [dreg:$0x0];
	s2 =	stileid.u32  }
0x67: {  	s1 =	rddreg [dreg:$0x1];
	p0 =	sne.s32 s2, $0x0  }
0x68: {  	s3 =	rddreg [dreg:$0x2];
	[bflag:$0x3] =	sbarrier.arrive $0xFFFF;
	s2 =	simm.s32 @!p0 $0x1C03  }
0x69: {  	[timem:s3], [sflag:s2] =	dma.local @!p0 [hbm:s0], s1  }
0x6a: {  	s0 =	simm.s32 @!p0 $0x3  }
0x6b: {  	_ =	swait.ge @!p0 [sflag:s0], s1  }
0x6c: {  	s1 =	ssub.s32 @!p0 $0x0, s1;
	[sflag:s0] =	ssyncset.done @!p0 $0x0  }
0x6d: {  	[sflag:s0] =	ssyncadd.s32 @!p0 s1  }
0x6e: {  	[bflag:$0x3] =	sbarrier.arrive $0xFFFF  }
0x6f: {  	_ =	shalt  }

</sc_bundles>
